<compile_context>
chip_gen: v7x
topology: tpu7x:2x2x1
jax: 0.10.2.dev20260603
libtpu: 0.0.44.dev20260713+nightly
codegen_flags: <defaults>
</compile_context>

<pallas_src>
import functools

import jax
import jax.numpy as jnp
from jax import lax
from jax.experimental import pallas as pl
from jax.experimental.pallas import tpu as pltpu
from jax.experimental.pallas import tpu_sc as plsc

MU_CONST = 3.5
B = 16384
D = 128
NC = 2
NS = 16
NW = NC * NS
BW = B // NW
CH = 128
NCH = BW // CH

_mesh = plsc.VectorSubcoreMesh(core_axis_name="c", subcore_axis_name="s")


@functools.partial(
    pl.kernel,
    mesh=_mesh,
    out_type=(
        jax.ShapeDtypeStruct((B,), jnp.float32),
        jax.ShapeDtypeStruct((B,), jnp.float32),
        jax.ShapeDtypeStruct((B,), jnp.float32),
        jax.ShapeDtypeStruct((B, D), jnp.float32),
        jax.ShapeDtypeStruct((B, D), jnp.float32),
    ),
    scratch_types=[
        pltpu.VMEM((NCH, CH), jnp.int32),
        pltpu.VMEM((NCH, CH), jnp.int32),
        pltpu.VMEM((3, CH, D), jnp.float32),
        pltpu.VMEM((3, CH, D), jnp.float32),
        pltpu.VMEM((3, CH), jnp.float32),
        pltpu.VMEM((3, CH), jnp.float32),
        pltpu.VMEM((3, CH), jnp.float32),
        pltpu.SemaphoreType.DMA((3, 4)),
        pltpu.SemaphoreType.DMA((3,)),
        pltpu.SemaphoreType.DMA((3,)),
    ],
)
def _sc_model(uids, iids, ub_tab, ib_tab, ue_tab, ie_tab,
              score_out, ub_out, ib_out, ue_out, ie_out,
              idxu, idxi, ue_rows, ie_rows, ub_v, ib_v, score_c,
              semg, semb, semo):
    cid = lax.axis_index("c")
    sid = lax.axis_index("s")
    wid = sid * NC + cid
    base = wid * BW

    cp_iu = pltpu.async_copy(uids.at[pl.ds(wid * NCH, NCH)], idxu, semb.at[0])
    cp_ii = pltpu.async_copy(iids.at[pl.ds(wid * NCH, NCH)], idxi, semb.at[0])
    cp_iu.wait()
    cp_ii.wait()

    lanes = lax.iota(jnp.int32, 16)

    SUB = 128
    NSUB = CH // SUB

    def issue_gathers(c, s):
        subs = []
        for k in range(NSUB):
            sl = pl.ds(k * SUB, SUB)
            subs.append((
                pltpu.async_copy(ue_tab.at[idxu.at[c].at[sl]],
                                 ue_rows.at[s].at[sl], semg.at[s, k]),
                pltpu.async_copy(ie_tab.at[idxi.at[c].at[sl]],
                                 ie_rows.at[s].at[sl], semg.at[s, k]),
            ))
        bias = (
            pltpu.async_copy(ub_tab.at[idxu.at[c]], ub_v.at[s], semb.at[s]),
            pltpu.async_copy(ib_tab.at[idxi.at[c]], ib_v.at[s], semb.at[s]),
        )
        return subs, bias

    NBUF = 3
    gathers = [None] * NBUF
    outs = [None] * NBUF
    gathers[0] = issue_gathers(0, 0)
    gathers[1] = issue_gathers(1, 1)

    for c in range(NCH):
        s = c % NBUF
        if c + 2 < NCH:
            o = (c + 2) % NBUF
            if outs[o] is not None:
                for cp in outs[o]:
                    cp.wait()
                outs[o] = None
            gathers[o] = issue_gathers(c + 2, o)

        subs, bias = gathers[s]
        rbase = base + c * CH
        outlist = []
        for k in range(NSUB):
            for cp in subs[k]:
                cp.wait()
            sl = pl.ds(k * SUB, SUB)
            outlist.append(pltpu.async_copy(
                ue_rows.at[s].at[sl], ue_out.at[pl.ds(rbase + k * SUB, SUB)], semo.at[s]))
            outlist.append(pltpu.async_copy(
                ie_rows.at[s].at[sl], ie_out.at[pl.ds(rbase + k * SUB, SUB)], semo.at[s]))
        for cp in bias:
            cp.wait()
        cp_ub = pltpu.async_copy(ub_v.at[s], ub_out.at[pl.ds(rbase, CH)], semo.at[s])
        cp_ib = pltpu.async_copy(ib_v.at[s], ib_out.at[pl.ds(rbase, CH)], semo.at[s])

        def grp_body(g, carry, s=s):
            def row_body(j, svec):
                r = g * 16 + j
                a0 = ue_rows[s, r, pl.ds(0, 16)] * ie_rows[s, r, pl.ds(0, 16)]
                a1 = ue_rows[s, r, pl.ds(16, 16)] * ie_rows[s, r, pl.ds(16, 16)]
                a2 = ue_rows[s, r, pl.ds(32, 16)] * ie_rows[s, r, pl.ds(32, 16)]
                a3 = ue_rows[s, r, pl.ds(48, 16)] * ie_rows[s, r, pl.ds(48, 16)]
                a4 = ue_rows[s, r, pl.ds(64, 16)] * ie_rows[s, r, pl.ds(64, 16)]
                a5 = ue_rows[s, r, pl.ds(80, 16)] * ie_rows[s, r, pl.ds(80, 16)]
                a6 = ue_rows[s, r, pl.ds(96, 16)] * ie_rows[s, r, pl.ds(96, 16)]
                a7 = ue_rows[s, r, pl.ds(112, 16)] * ie_rows[s, r, pl.ds(112, 16)]
                acc = ((a0 + a1) + (a2 + a3)) + ((a4 + a5) + (a6 + a7))
                for sh in (8, 4, 2, 1):
                    perm = jnp.bitwise_xor(lanes, sh)
                    acc = acc + acc.at[perm].get(mode="promise_in_bounds")
                return jnp.where(lanes == j, acc, svec)

            svec = lax.fori_loop(0, 16, row_body, jnp.zeros((16,), jnp.float32))
            sl = pl.ds(g * 16, 16)
            score_c[s, sl] = svec + ub_v[s, sl] + ib_v[s, sl] + MU_CONST
            return carry

        lax.fori_loop(0, CH // 16, grp_body, 0)

        cp_sc = pltpu.async_copy(score_c.at[s], score_out.at[pl.ds(rbase, CH)], semo.at[s])
        outs[s] = tuple(outlist) + (cp_ub, cp_ib, cp_sc)

    for s in range(NBUF):
        if outs[s] is not None:
            for cp in outs[s]:
                cp.wait()


def kernel(user_ids, item_ids, user_bias, item_bias, user_emb, item_emb):
    uids = user_ids.astype(jnp.int32).reshape(NW * NCH, CH)
    iids = item_ids.astype(jnp.int32).reshape(NW * NCH, CH)
    ubt = user_bias.reshape(-1)
    ibt = item_bias.reshape(-1)
    score, ub, ib, ue, ie = _sc_model(uids, iids, ubt, ibt, user_emb, item_emb)
    return (score, ub, ib, ue.reshape(B, 1, D), ie.reshape(B, D, 1))

# --- scband reference (transcript-rebuilt; emitter-appended) ---
"""Pipeline reference for scband-model-38156489457832 (READ-ONLY COPY).

The authoritative reference and input builder live on the scoring server;
editing this copy changes nothing except your own understanding.
"""

import jax, jax.numpy as jnp
import numpy as np

MU = 3.5
NUM_USERS = 100000
NUM_ITEMS = 1000000
NUM_FACTORS = 128
BATCH = 16384

def setup_inputs(seed: int = 0) -> dict:
    key = jax.random.key(seed)
    k1, k2, k3, k4, k5, k6 = jax.random.split(key, 6)
    user_ids = jax.random.randint(k1, (BATCH,), 0, NUM_USERS, dtype=jnp.int64 if jax.config.jax_enable_x64 else jnp.int32)
    item_ids = jax.random.randint(k2, (BATCH,), 0, NUM_ITEMS, dtype=jnp.int64 if jax.config.jax_enable_x64 else jnp.int32)
    user_bias = jax.random.normal(k3, (NUM_USERS + 1, 1), dtype=jnp.float32) * 0.02
    item_bias = jax.random.normal(k4, (NUM_ITEMS + 1, 1), dtype=jnp.float32) * 0.02
    user_emb = jax.random.normal(k5, (NUM_USERS + 1, NUM_FACTORS), dtype=jnp.float32) * 0.02
    item_emb = jax.random.normal(k6, (NUM_ITEMS + 1, NUM_FACTORS), dtype=jnp.float32) * 0.02
    return {"user_ids": user_ids, "item_ids": item_ids, "user_bias": user_bias, "item_bias": item_bias, "user_emb": user_emb, "item_emb": item_emb}

def reference(user_ids, item_ids, user_bias, item_bias, user_emb, item_emb):
    b = user_ids.shape[0]
    ub = jnp.take(user_bias, user_ids, axis=0).reshape(b)
    ib = jnp.take(item_bias, item_ids, axis=0).reshape(b)
    ue = jnp.take(user_emb, user_ids, axis=0).reshape(b, 1, -1)
    ie = jnp.take(item_emb, item_ids, axis=0).reshape(b, -1, 1)
    score = MU + ub + ib + jnp.matmul(ue, ie).reshape(b)
    return (score, ub, ib, ue, ie)

if __name__ == "__main__":
    import jax
    _d = setup_inputs()
    print(jax.jit(kernel)(*tuple(_d.values())))

</pallas_src>

<mosaic_0001>
#map = affine_map<(d0, d1) -> (0, 0)>
#map1 = affine_map<(d0, d1) -> (0)>
module attributes {stable_mosaic.version = 14 : i64} {
  func.func @_sc_model(%arg0: i32, %arg1: i32, %arg2: memref<128x128xi32, #tpu.memory_space<hbm>>, %arg3: memref<128x128xi32, #tpu.memory_space<hbm>>, %arg4: memref<100001xf32, #tpu.memory_space<hbm>>, %arg5: memref<1000001xf32, #tpu.memory_space<hbm>>, %arg6: memref<100001x128xf32, #tpu.memory_space<hbm>>, %arg7: memref<1000001x128xf32, #tpu.memory_space<hbm>>, %arg8: memref<16384xf32, #tpu.memory_space<hbm>>, %arg9: memref<16384xf32, #tpu.memory_space<hbm>>, %arg10: memref<16384xf32, #tpu.memory_space<hbm>>, %arg11: memref<16384x128xf32, #tpu.memory_space<hbm>>, %arg12: memref<16384x128xf32, #tpu.memory_space<hbm>>, %arg13: memref<4x128xi32, #tpu.memory_space<vmem>>, %arg14: memref<4x128xi32, #tpu.memory_space<vmem>>, %arg15: memref<3x128x128xf32, #tpu.memory_space<vmem>>, %arg16: memref<3x128x128xf32, #tpu.memory_space<vmem>>, %arg17: memref<3x128xf32, #tpu.memory_space<vmem>>, %arg18: memref<3x128xf32, #tpu.memory_space<vmem>>, %arg19: memref<3x128xf32, #tpu.memory_space<vmem>>, %arg20: memref<3x4x!tpu.dma_semaphore, #tpu.memory_space<semaphore_mem>>, %arg21: memref<3x!tpu.dma_semaphore, #tpu.memory_space<semaphore_mem>>, %arg22: memref<3x!tpu.dma_semaphore, #tpu.memory_space<semaphore_mem>>) attributes {dimension_semantics = [#tpu.dimension_semantics<core_parallel>, #tpu.dimension_semantics<subcore_parallel>], iteration_bounds = array<i64: 2, 16>, scalar_prefetch = 0 : i64, scratch_operands = 10 : i64, tpu.core_type = #tpu.core_type<sc_vector_subcore>, window_params = [{transform_indices = #map}, {transform_indices = #map}, {transform_indices = #map1}, {transform_indices = #map1}, {transform_indices = #map}, {transform_indices = #map}, {transform_indices = #map1}, {transform_indices = #map1}, {transform_indices = #map1}, {transform_indices = #map}, {transform_indices = #map}]} {
    %mul3A = arith.constant 2 : i32
    %mul3A_0 = arith.muli %arg1, %mul3A : i32
    %add3A = arith.addi %mul3A_0, %arg0 : i32
    %mul3A_1 = arith.constant 512 : i32
    %mul3A_2 = arith.muli %add3A, %mul3A_1 : i32
    %mul3A_3 = arith.constant 4 : i32
    %mul3A_4 = arith.muli %add3A, %mul3A_3 : i32
    %dma_start3A = arith.constant 0 : i32
    %dma_start3A_5 = arith.constant 0 : i32
    %dma_start3A_6 = tpu.memref_slice %arg2[%mul3A_4, %dma_start3A_5] : memref<128x128xi32, #tpu.memory_space<hbm>> -> memref<4x128xi32, #tpu.memory_space<hbm>>
    %dma_start3A_7 = tpu.memref_slice %arg21[%dma_start3A] : memref<3x!tpu.dma_semaphore, #tpu.memory_space<semaphore_mem>> -> memref<1x!tpu.dma_semaphore, #tpu.memory_space<semaphore_mem>>
    %dma_start3A_8 = tpu.memref_squeeze %dma_start3A_7 : memref<1x!tpu.dma_semaphore, #tpu.memory_space<semaphore_mem>> -> memref<!tpu.dma_semaphore, #tpu.memory_space<semaphore_mem>>
    %dma_start3A_9 = arith.constant 0 : i32
    %dma_start3A_10 = tpu.memref_slice %arg2[%mul3A_4, %dma_start3A_9] : memref<128x128xi32, #tpu.memory_space<hbm>> -> memref<4x128xi32, #tpu.memory_space<hbm>>
    tpu.enqueue_dma source(%dma_start3A_10 : memref<4x128xi32, #tpu.memory_space<hbm>>) target(%arg13 : memref<4x128xi32, #tpu.memory_space<vmem>>) target_semaphore(%dma_start3A_8 : memref<!tpu.dma_semaphore, #tpu.memory_space<semaphore_mem>>)
    %mul3A_11 = arith.constant 4 : i32
    %mul3A_12 = arith.muli %add3A, %mul3A_11 : i32
    %dma_start3A_13 = arith.constant 0 : i32
    %dma_start3A_14 = arith.constant 0 : i32
    %dma_start3A_15 = tpu.memref_slice %arg3[%mul3A_12, %dma_start3A_14] : memref<128x128xi32, #tpu.memory_space<hbm>> -> memref<4x128xi32, #tpu.memory_space<hbm>>
    %dma_start3A_16 = tpu.memref_slice %arg21[%dma_start3A_13] : memref<3x!tpu.dma_semaphore, #tpu.memory_space<semaphore_mem>> -> memref<1x!tpu.dma_semaphore, #tpu.memory_space<semaphore_mem>>
    %dma_start3A_17 = tpu.memref_squeeze %dma_start3A_16 : memref<1x!tpu.dma_semaphore, #tpu.memory_space<semaphore_mem>> -> memref<!tpu.dma_semaphore, #tpu.memory_space<semaphore_mem>>
    %dma_start3A_18 = arith.constant 0 : i32
    %dma_start3A_19 = tpu.memref_slice %arg3[%mul3A_12, %dma_start3A_18] : memref<128x128xi32, #tpu.memory_space<hbm>> -> memref<4x128xi32, #tpu.memory_space<hbm>>
    tpu.enqueue_dma source(%dma_start3A_19 : memref<4x128xi32, #tpu.memory_space<hbm>>) target(%arg14 : memref<4x128xi32, #tpu.memory_space<vmem>>) target_semaphore(%dma_start3A_17 : memref<!tpu.dma_semaphore, #tpu.memory_space<semaphore_mem>>)
    %dma_wait3A = arith.constant 0 : i32
    %dma_wait3A_20 = arith.constant 0 : i32
    %dma_wait3A_21 = tpu.memref_slice %arg2[%mul3A_4, %dma_wait3A_20] : memref<128x128xi32, #tpu.memory_space<hbm>> -> memref<4x128xi32, #tpu.memory_space<hbm>>
    %dma_wait3A_22 = tpu.memref_slice %arg21[%dma_wait3A] : memref<3x!tpu.dma_semaphore, #tpu.memory_space<semaphore_mem>> -> memref<1x!tpu.dma_semaphore, #tpu.memory_space<semaphore_mem>>
    %dma_wait3A_23 = tpu.memref_squeeze %dma_wait3A_22 : memref<1x!tpu.dma_semaphore, #tpu.memory_space<semaphore_mem>> -> memref<!tpu.dma_semaphore, #tpu.memory_space<semaphore_mem>>
    %dma_wait3A_24 = arith.constant 0 : i32
    %dma_wait3A_25 = tpu.memref_slice %arg2[%mul3A_4, %dma_wait3A_24] : memref<128x128xi32, #tpu.memory_space<hbm>> -> memref<4x128xi32, #tpu.memory_space<hbm>>
    tpu.wait_dma2 semaphore(%dma_wait3A_23 : memref<!tpu.dma_semaphore, #tpu.memory_space<semaphore_mem>>) src(%dma_wait3A_25 : memref<4x128xi32, #tpu.memory_space<hbm>>) dst(%arg13 : memref<4x128xi32, #tpu.memory_space<vmem>>)
    %dma_wait3A_26 = arith.constant 0 : i32
    %dma_wait3A_27 = arith.constant 0 : i32
    %dma_wait3A_28 = tpu.memref_slice %arg3[%mul3A_12, %dma_wait3A_27] : memref<128x128xi32, #tpu.memory_space<hbm>> -> memref<4x128xi32, #tpu.memory_space<hbm>>
    %dma_wait3A_29 = tpu.memref_slice %arg21[%dma_wait3A_26] : memref<3x!tpu.dma_semaphore, #tpu.memory_space<semaphore_mem>> -> memref<1x!tpu.dma_semaphore, #tpu.memory_space<semaphore_mem>>
    %dma_wait3A_30 = tpu.memref_squeeze %dma_wait3A_29 : memref<1x!tpu.dma_semaphore, #tpu.memory_space<semaphore_mem>> -> memref<!tpu.dma_semaphore, #tpu.memory_space<semaphore_mem>>
    %dma_wait3A_31 = arith.constant 0 : i32
    %dma_wait3A_32 = tpu.memref_slice %arg3[%mul3A_12, %dma_wait3A_31] : memref<128x128xi32, #tpu.memory_space<hbm>> -> memref<4x128xi32, #tpu.memory_space<hbm>>
    tpu.wait_dma2 semaphore(%dma_wait3A_30 : memref<!tpu.dma_semaphore, #tpu.memory_space<semaphore_mem>>) src(%dma_wait3A_32 : memref<4x128xi32, #tpu.memory_space<hbm>>) dst(%arg14 : memref<4x128xi32, #tpu.memory_space<vmem>>)
    %iota3A = tpu.iota {dimensions = array<i32: 0>} : vector<16xi32>
    %dma_start3A_33 = arith.constant 0 : i32
    %dma_start3A_34 = arith.constant 0 : i32
    %dma_start3A_35 = arith.constant 0 : i32
    %dma_start3A_36 = arith.constant 0 : i32
    %dma_start3A_37 = arith.constant 0 : i32
    %dma_start3A_38 = arith.constant 0 : i32
    %dma_start3A_39 = tpu.memref_slice %arg15[%dma_start3A_34, %dma_start3A_37, %dma_start3A_38] : memref<3x128x128xf32, #tpu.memory_space<vmem>> -> memref<1x128x128xf32, #tpu.memory_space<vmem>>
    %dma_start3A_40 = tpu.memref_squeeze %dma_start3A_39 : memref<1x128x128xf32, #tpu.memory_space<vmem>> -> memref<128x128xf32, #tpu.memory_space<vmem>>
    %dma_start3A_41 = arith.constant 0 : i32
    %dma_start3A_42 = arith.constant 0 : i32
    %dma_start3A_43 = tpu.memref_slice %dma_start3A_40[%dma_start3A_41, %dma_start3A_42] : memref<128x128xf32, #tpu.memory_space<vmem>> -> memref<128x128xf32, #tpu.memory_space<vmem>>
    %dma_start3A_44 = arith.constant 0 : i32
    %dma_start3A_45 = tpu.memref_slice %arg13[%dma_start3A_33, %dma_start3A_44] : memref<4x128xi32, #tpu.memory_space<vmem>> -> memref<1x128xi32, #tpu.memory_space<vmem>>
    %dma_start3A_46 = tpu.memref_squeeze %dma_start3A_45 : memref<1x128xi32, #tpu.memory_space<vmem>> -> memref<128xi32, #tpu.memory_space<vmem>>
    %dma_start3A_47 = arith.constant 0 : i32
    %dma_start3A_48 = tpu.memref_slice %dma_start3A_46[%dma_start3A_47] : memref<128xi32, #tpu.memory_space<vmem>> -> memref<128xi32, #tpu.memory_space<vmem>>
    %dma_start3A_49 = arith.constant 0 : i32
    %dma_start3A_50 = arith.constant 0 : i32
    %dma_start3A_51 = tpu.memref_slice %arg6[%dma_start3A_49, %dma_start3A_50] : memref<100001x128xf32, #tpu.memory_space<hbm>> -> memref<100001x128xf32, #tpu.memory_space<hbm>>
    %dma_start3A_52 = tpu.memref_slice %arg20[%dma_start3A_35, %dma_start3A_36] : memref<3x4x!tpu.dma_semaphore, #tpu.memory_space<semaphore_mem>> -> memref<1x1x!tpu.dma_semaphore, #tpu.memory_space<semaphore_mem>>
    %dma_start3A_53 = tpu.memref_squeeze %dma_start3A_52 : memref<1x1x!tpu.dma_semaphore, #tpu.memory_space<semaphore_mem>> -> memref<!tpu.dma_semaphore, #tpu.memory_space<semaphore_mem>>
    tpu.enqueue_indirect_dma source(%dma_start3A_51 : memref<100001x128xf32, #tpu.memory_space<hbm>>) target(%dma_start3A_43 : memref<128x128xf32, #tpu.memory_space<vmem>>) offsets(%dma_start3A_48 : memref<128xi32, #tpu.memory_space<vmem>>) semaphore(%dma_start3A_53 : memref<!tpu.dma_semaphore, #tpu.memory_space<semaphore_mem>>)
    %dma_start3A_54 = arith.constant 0 : i32
    %dma_start3A_55 = arith.constant 0 : i32
    %dma_start3A_56 = arith.constant 0 : i32
    %dma_start3A_57 = arith.constant 0 : i32
    %dma_start3A_58 = arith.constant 0 : i32
    %dma_start3A_59 = arith.constant 0 : i32
    %dma_start3A_60 = tpu.memref_slice %arg16[%dma_start3A_55, %dma_start3A_58, %dma_start3A_59] : memref<3x128x128xf32, #tpu.memory_space<vmem>> -> memref<1x128x128xf32, #tpu.memory_space<vmem>>
    %dma_start3A_61 = tpu.memref_squeeze %dma_start3A_60 : memref<1x128x128xf32, #tpu.memory_space<vmem>> -> memref<128x128xf32, #tpu.memory_space<vmem>>
    %dma_start3A_62 = arith.constant 0 : i32
    %dma_start3A_63 = arith.constant 0 : i32
    %dma_start3A_64 = tpu.memref_slice %dma_start3A_61[%dma_start3A_62, %dma_start3A_63] : memref<128x128xf32, #tpu.memory_space<vmem>> -> memref<128x128xf32, #tpu.memory_space<vmem>>
    %dma_start3A_65 = arith.constant 0 : i32
    %dma_start3A_66 = tpu.memref_slice %arg14[%dma_start3A_54, %dma_start3A_65] : memref<4x128xi32, #tpu.memory_space<vmem>> -> memref<1x128xi32, #tpu.memory_space<vmem>>
    %dma_start3A_67 = tpu.memref_squeeze %dma_start3A_66 : memref<1x128xi32, #tpu.memory_space<vmem>> -> memref<128xi32, #tpu.memory_space<vmem>>
    %dma_start3A_68 = arith.constant 0 : i32
    %dma_start3A_69 = tpu.memref_slice %dma_start3A_67[%dma_start3A_68] : memref<128xi32, #tpu.memory_space<vmem>> -> memref<128xi32, #tpu.memory_space<vmem>>
    %dma_start3A_70 = arith.constant 0 : i32
    %dma_start3A_71 = arith.constant 0 : i32
    %dma_start3A_72 = tpu.memref_slice %arg7[%dma_start3A_70, %dma_start3A_71] : memref<1000001x128xf32, #tpu.memory_space<hbm>> -> memref<1000001x128xf32, #tpu.memory_space<hbm>>
    %dma_start3A_73 = tpu.memref_slice %arg20[%dma_start3A_56, %dma_start3A_57] : memref<3x4x!tpu.dma_semaphore, #tpu.memory_space<semaphore_mem>> -> memref<1x1x!tpu.dma_semaphore, #tpu.memory_space<semaphore_mem>>
    %dma_start3A_74 = tpu.memref_squeeze %dma_start3A_73 : memref<1x1x!tpu.dma_semaphore, #tpu.memory_space<semaphore_mem>> -> memref<!tpu.dma_semaphore, #tpu.memory_space<semaphore_mem>>
    tpu.enqueue_indirect_dma source(%dma_start3A_72 : memref<1000001x128xf32, #tpu.memory_space<hbm>>) target(%dma_start3A_64 : memref<128x128xf32, #tpu.memory_space<vmem>>) offsets(%dma_start3A_69 : memref<128xi32, #tpu.memory_space<vmem>>) semaphore(%dma_start3A_74 : memref<!tpu.dma_semaphore, #tpu.memory_space<semaphore_mem>>)
    %dma_start3A_75 = arith.constant 0 : i32
    %dma_start3A_76 = arith.constant 0 : i32
    %dma_start3A_77 = arith.constant 0 : i32
    %dma_start3A_78 = arith.constant 0 : i32
    %dma_start3A_79 = tpu.memref_slice %arg17[%dma_start3A_76, %dma_start3A_78] : memref<3x128xf32, #tpu.memory_space<vmem>> -> memref<1x128xf32, #tpu.memory_space<vmem>>
    %dma_start3A_80 = tpu.memref_squeeze %dma_start3A_79 : memref<1x128xf32, #tpu.memory_space<vmem>> -> memref<128xf32, #tpu.memory_space<vmem>>
    %dma_start3A_81 = arith.constant 0 : i32
    %dma_start3A_82 = tpu.memref_slice %arg13[%dma_start3A_75, %dma_start3A_81] : memref<4x128xi32, #tpu.memory_space<vmem>> -> memref<1x128xi32, #tpu.memory_space<vmem>>
    %dma_start3A_83 = tpu.memref_squeeze %dma_start3A_82 : memref<1x128xi32, #tpu.memory_space<vmem>> -> memref<128xi32, #tpu.memory_space<vmem>>
    %dma_start3A_84 = arith.constant 0 : i32
    %dma_start3A_85 = tpu.memref_slice %arg4[%dma_start3A_84] : memref<100001xf32, #tpu.memory_space<hbm>> -> memref<100001xf32, #tpu.memory_space<hbm>>
    %dma_start3A_86 = tpu.memref_slice %arg21[%dma_start3A_77] : memref<3x!tpu.dma_semaphore, #tpu.memory_space<semaphore_mem>> -> memref<1x!tpu.dma_semaphore, #tpu.memory_space<semaphore_mem>>
    %dma_start3A_87 = tpu.memref_squeeze %dma_start3A_86 : memref<1x!tpu.dma_semaphore, #tpu.memory_space<semaphore_mem>> -> memref<!tpu.dma_semaphore, #tpu.memory_space<semaphore_mem>>
    tpu.enqueue_indirect_dma source(%dma_start3A_85 : memref<100001xf32, #tpu.memory_space<hbm>>) target(%dma_start3A_80 : memref<128xf32, #tpu.memory_space<vmem>>) offsets(%dma_start3A_83 : memref<128xi32, #tpu.memory_space<vmem>>) semaphore(%dma_start3A_87 : memref<!tpu.dma_semaphore, #tpu.memory_space<semaphore_mem>>)
    %dma_start3A_88 = arith.constant 0 : i32
    %dma_start3A_89 = arith.constant 0 : i32
    %dma_start3A_90 = arith.constant 0 : i32
    %dma_start3A_91 = arith.constant 0 : i32
    %dma_start3A_92 = tpu.memref_slice %arg18[%dma_start3A_89, %dma_start3A_91] : memref<3x128xf32, #tpu.memory_space<vmem>> -> memref<1x128xf32, #tpu.memory_space<vmem>>
    %dma_start3A_93 = tpu.memref_squeeze %dma_start3A_92 : memref<1x128xf32, #tpu.memory_space<vmem>> -> memref<128xf32, #tpu.memory_space<vmem>>
    %dma_start3A_94 = arith.constant 0 : i32
    %dma_start3A_95 = tpu.memref_slice %arg14[%dma_start3A_88, %dma_start3A_94] : memref<4x128xi32, #tpu.memory_space<vmem>> -> memref<1x128xi32, #tpu.memory_space<vmem>>
    %dma_start3A_96 = tpu.memref_squeeze %dma_start3A_95 : memref<1x128xi32, #tpu.memory_space<vmem>> -> memref<128xi32, #tpu.memory_space<vmem>>
    %dma_start3A_97 = arith.constant 0 : i32
    %dma_start3A_98 = tpu.memref_slice %arg5[%dma_start3A_97] : memref<1000001xf32, #tpu.memory_space<hbm>> -> memref<1000001xf32, #tpu.memory_space<hbm>>
    %dma_start3A_99 = tpu.memref_slice %arg21[%dma_start3A_90] : memref<3x!tpu.dma_semaphore, #tpu.memory_space<semaphore_mem>> -> memref<1x!tpu.dma_semaphore, #tpu.memory_space<semaphore_mem>>
    %dma_start3A_100 = tpu.memref_squeeze %dma_start3A_99 : memref<1x!tpu.dma_semaphore, #tpu.memory_space<semaphore_mem>> -> memref<!tpu.dma_semaphore, #tpu.memory_space<semaphore_mem>>
    tpu.enqueue_indirect_dma source(%dma_start3A_98 : memref<1000001xf32, #tpu.memory_space<hbm>>) target(%dma_start3A_93 : memref<128xf32, #tpu.memory_space<vmem>>) offsets(%dma_start3A_96 : memref<128xi32, #tpu.memory_space<vmem>>) semaphore(%dma_start3A_100 : memref<!tpu.dma_semaphore, #tpu.memory_space<semaphore_mem>>)
    %dma_start3A_101 = arith.constant 1 : i32
    %dma_start3A_102 = arith.constant 1 : i32
    %dma_start3A_103 = arith.constant 1 : i32
    %dma_start3A_104 = arith.constant 0 : i32
    %dma_start3A_105 = arith.constant 0 : i32
    %dma_start3A_106 = arith.constant 0 : i32
    %dma_start3A_107 = tpu.memref_slice %arg15[%dma_start3A_102, %dma_start3A_105, %dma_start3A_106] : memref<3x128x128xf32, #tpu.memory_space<vmem>> -> memref<1x128x128xf32, #tpu.memory_space<vmem>>
    %dma_start3A_108 = tpu.memref_squeeze %dma_start3A_107 : memref<1x128x128xf32, #tpu.memory_space<vmem>> -> memref<128x128xf32, #tpu.memory_space<vmem>>
    %dma_start3A_109 = arith.constant 0 : i32
    %dma_start3A_110 = arith.constant 0 : i32
    %dma_start3A_111 = tpu.memref_slice %dma_start3A_108[%dma_start3A_109, %dma_start3A_110] : memref<128x128xf32, #tpu.memory_space<vmem>> -> memref<128x128xf32, #tpu.memory_space<vmem>>
    %dma_start3A_112 = arith.constant 0 : i32
    %dma_start3A_113 = tpu.memref_slice %arg13[%dma_start3A_101, %dma_start3A_112] : memref<4x128xi32, #tpu.memory_space<vmem>> -> memref<1x128xi32, #tpu.memory_space<vmem>>
    %dma_start3A_114 = tpu.memref_squeeze %dma_start3A_113 : memref<1x128xi32, #tpu.memory_space<vmem>> -> memref<128xi32, #tpu.memory_space<vmem>>
    %dma_start3A_115 = arith.constant 0 : i32
    %dma_start3A_116 = tpu.memref_slice %dma_start3A_114[%dma_start3A_115] : memref<128xi32, #tpu.memory_space<vmem>> -> memref<128xi32, #tpu.memory_space<vmem>>
    %dma_start3A_117 = arith.constant 0 : i32
    %dma_start3A_118 = arith.constant 0 : i32
    %dma_start3A_119 = tpu.memref_slice %arg6[%dma_start3A_117, %dma_start3A_118] : memref<100001x128xf32, #tpu.memory_space<hbm>> -> memref<100001x128xf32, #tpu.memory_space<hbm>>
    %dma_start3A_120 = tpu.memref_slice %arg20[%dma_start3A_103, %dma_start3A_104] : memref<3x4x!tpu.dma_semaphore, #tpu.memory_space<semaphore_mem>> -> memref<1x1x!tpu.dma_semaphore, #tpu.memory_space<semaphore_mem>>
    %dma_start3A_121 = tpu.memref_squeeze %dma_start3A_120 : memref<1x1x!tpu.dma_semaphore, #tpu.memory_space<semaphore_mem>> -> memref<!tpu.dma_semaphore, #tpu.memory_space<semaphore_mem>>
    tpu.enqueue_indirect_dma source(%dma_start3A_119 : memref<100001x128xf32, #tpu.memory_space<hbm>>) target(%dma_start3A_111 : memref<128x128xf32, #tpu.memory_space<vmem>>) offsets(%dma_start3A_116 : memref<128xi32, #tpu.memory_space<vmem>>) semaphore(%dma_start3A_121 : memref<!tpu.dma_semaphore, #tpu.memory_space<semaphore_mem>>)
    %dma_start3A_122 = arith.constant 1 : i32
    %dma_start3A_123 = arith.constant 1 : i32
    %dma_start3A_124 = arith.constant 1 : i32
    %dma_start3A_125 = arith.constant 0 : i32
    %dma_start3A_126 = arith.constant 0 : i32
    %dma_start3A_127 = arith.constant 0 : i32
    %dma_start3A_128 = tpu.memref_slice %arg16[%dma_start3A_123, %dma_start3A_126, %dma_start3A_127] : memref<3x128x128xf32, #tpu.memory_space<vmem>> -> memref<1x128x128xf32, #tpu.memory_space<vmem>>
    %dma_start3A_129 = tpu.memref_squeeze %dma_start3A_128 : memref<1x128x128xf32, #tpu.memory_space<vmem>> -> memref<128x128xf32, #tpu.memory_space<vmem>>
    %dma_start3A_130 = arith.constant 0 : i32
    %dma_start3A_131 = arith.constant 0 : i32
    %dma_start3A_132 = tpu.memref_slice %dma_start3A_129[%dma_start3A_130, %dma_start3A_131] : memref<128x128xf32, #tpu.memory_space<vmem>> -> memref<128x128xf32, #tpu.memory_space<vmem>>
    %dma_start3A_133 = arith.constant 0 : i32
    %dma_start3A_134 = tpu.memref_slice %arg14[%dma_start3A_122, %dma_start3A_133] : memref<4x128xi32, #tpu.memory_space<vmem>> -> memref<1x128xi32, #tpu.memory_space<vmem>>
    %dma_start3A_135 = tpu.memref_squeeze %dma_start3A_134 : memref<1x128xi32, #tpu.memory_space<vmem>> -> memref<128xi32, #tpu.memory_space<vmem>>
    %dma_start3A_136 = arith.constant 0 : i32
    %dma_start3A_137 = tpu.memref_slice %dma_start3A_135[%dma_start3A_136] : memref<128xi32, #tpu.memory_space<vmem>> -> memref<128xi32, #tpu.memory_space<vmem>>
    %dma_start3A_138 = arith.constant 0 : i32
    %dma_start3A_139 = arith.constant 0 : i32
    %dma_start3A_140 = tpu.memref_slice %arg7[%dma_start3A_138, %dma_start3A_139] : memref<1000001x128xf32, #tpu.memory_space<hbm>> -> memref<1000001x128xf32, #tpu.memory_space<hbm>>
    %dma_start3A_141 = tpu.memref_slice %arg20[%dma_start3A_124, %dma_start3A_125] : memref<3x4x!tpu.dma_semaphore, #tpu.memory_space<semaphore_mem>> -> memref<1x1x!tpu.dma_semaphore, #tpu.memory_space<semaphore_mem>>
    %dma_start3A_142 = tpu.memref_squeeze %dma_start3A_141 : memref<1x1x!tpu.dma_semaphore, #tpu.memory_space<semaphore_mem>> -> memref<!tpu.dma_semaphore, #tpu.memory_space<semaphore_mem>>
    tpu.enqueue_indirect_dma source(%dma_start3A_140 : memref<1000001x128xf32, #tpu.memory_space<hbm>>) target(%dma_start3A_132 : memref<128x128xf32, #tpu.memory_space<vmem>>) offsets(%dma_start3A_137 : memref<128xi32, #tpu.memory_space<vmem>>) semaphore(%dma_start3A_142 : memref<!tpu.dma_semaphore, #tpu.memory_space<semaphore_mem>>)
    %dma_start3A_143 = arith.constant 1 : i32
    %dma_start3A_144 = arith.constant 1 : i32
    %dma_start3A_145 = arith.constant 1 : i32
    %dma_start3A_146 = arith.constant 0 : i32
    %dma_start3A_147 = tpu.memref_slice %arg17[%dma_start3A_144, %dma_start3A_146] : memref<3x128xf32, #tpu.memory_space<vmem>> -> memref<1x128xf32, #tpu.memory_space<vmem>>
    %dma_start3A_148 = tpu.memref_squeeze %dma_start3A_147 : memref<1x128xf32, #tpu.memory_space<vmem>> -> memref<128xf32, #tpu.memory_space<vmem>>
    %dma_start3A_149 = arith.constant 0 : i32
    %dma_start3A_150 = tpu.memref_slice %arg13[%dma_start3A_143, %dma_start3A_149] : memref<4x128xi32, #tpu.memory_space<vmem>> -> memref<1x128xi32, #tpu.memory_space<vmem>>
    %dma_start3A_151 = tpu.memref_squeeze %dma_start3A_150 : memref<1x128xi32, #tpu.memory_space<vmem>> -> memref<128xi32, #tpu.memory_space<vmem>>
    %dma_start3A_152 = arith.constant 0 : i32
    %dma_start3A_153 = tpu.memref_slice %arg4[%dma_start3A_152] : memref<100001xf32, #tpu.memory_space<hbm>> -> memref<100001xf32, #tpu.memory_space<hbm>>
    %dma_start3A_154 = tpu.memref_slice %arg21[%dma_start3A_145] : memref<3x!tpu.dma_semaphore, #tpu.memory_space<semaphore_mem>> -> memref<1x!tpu.dma_semaphore, #tpu.memory_space<semaphore_mem>>
    %dma_start3A_155 = tpu.memref_squeeze %dma_start3A_154 : memref<1x!tpu.dma_semaphore, #tpu.memory_space<semaphore_mem>> -> memref<!tpu.dma_semaphore, #tpu.memory_space<semaphore_mem>>
    tpu.enqueue_indirect_dma source(%dma_start3A_153 : memref<100001xf32, #tpu.memory_space<hbm>>) target(%dma_start3A_148 : memref<128xf32, #tpu.memory_space<vmem>>) offsets(%dma_start3A_151 : memref<128xi32, #tpu.memory_space<vmem>>) semaphore(%dma_start3A_155 : memref<!tpu.dma_semaphore, #tpu.memory_space<semaphore_mem>>)
    %dma_start3A_156 = arith.constant 1 : i32
    %dma_start3A_157 = arith.constant 1 : i32
    %dma_start3A_158 = arith.constant 1 : i32
    %dma_start3A_159 = arith.constant 0 : i32
    %dma_start3A_160 = tpu.memref_slice %arg18[%dma_start3A_157, %dma_start3A_159] : memref<3x128xf32, #tpu.memory_space<vmem>> -> memref<1x128xf32, #tpu.memory_space<vmem>>
    %dma_start3A_161 = tpu.memref_squeeze %dma_start3A_160 : memref<1x128xf32, #tpu.memory_space<vmem>> -> memref<128xf32, #tpu.memory_space<vmem>>
    %dma_start3A_162 = arith.constant 0 : i32
    %dma_start3A_163 = tpu.memref_slice %arg14[%dma_start3A_156, %dma_start3A_162] : memref<4x128xi32, #tpu.memory_space<vmem>> -> memref<1x128xi32, #tpu.memory_space<vmem>>
    %dma_start3A_164 = tpu.memref_squeeze %dma_start3A_163 : memref<1x128xi32, #tpu.memory_space<vmem>> -> memref<128xi32, #tpu.memory_space<vmem>>
    %dma_start3A_165 = arith.constant 0 : i32
    %dma_start3A_166 = tpu.memref_slice %arg5[%dma_start3A_165] : memref<1000001xf32, #tpu.memory_space<hbm>> -> memref<1000001xf32, #tpu.memory_space<hbm>>
    %dma_start3A_167 = tpu.memref_slice %arg21[%dma_start3A_158] : memref<3x!tpu.dma_semaphore, #tpu.memory_space<semaphore_mem>> -> memref<1x!tpu.dma_semaphore, #tpu.memory_space<semaphore_mem>>
    %dma_start3A_168 = tpu.memref_squeeze %dma_start3A_167 : memref<1x!tpu.dma_semaphore, #tpu.memory_space<semaphore_mem>> -> memref<!tpu.dma_semaphore, #tpu.memory_space<semaphore_mem>>
    tpu.enqueue_indirect_dma source(%dma_start3A_166 : memref<1000001xf32, #tpu.memory_space<hbm>>) target(%dma_start3A_161 : memref<128xf32, #tpu.memory_space<vmem>>) offsets(%dma_start3A_164 : memref<128xi32, #tpu.memory_space<vmem>>) semaphore(%dma_start3A_168 : memref<!tpu.dma_semaphore, #tpu.memory_space<semaphore_mem>>)
    %dma_start3A_169 = arith.constant 2 : i32
    %dma_start3A_170 = arith.constant 2 : i32
    %dma_start3A_171 = arith.constant 2 : i32
    %dma_start3A_172 = arith.constant 0 : i32
    %dma_start3A_173 = arith.constant 0 : i32
    %dma_start3A_174 = arith.constant 0 : i32
    %dma_start3A_175 = tpu.memref_slice %arg15[%dma_start3A_170, %dma_start3A_173, %dma_start3A_174] : memref<3x128x128xf32, #tpu.memory_space<vmem>> -> memref<1x128x128xf32, #tpu.memory_space<vmem>>
    %dma_start3A_176 = tpu.memref_squeeze %dma_start3A_175 : memref<1x128x128xf32, #tpu.memory_space<vmem>> -> memref<128x128xf32, #tpu.memory_space<vmem>>
    %dma_start3A_177 = arith.constant 0 : i32
    %dma_start3A_178 = arith.constant 0 : i32
    %dma_start3A_179 = tpu.memref_slice %dma_start3A_176[%dma_start3A_177, %dma_start3A_178] : memref<128x128xf32, #tpu.memory_space<vmem>> -> memref<128x128xf32, #tpu.memory_space<vmem>>
    %dma_start3A_180 = arith.constant 0 : i32
    %dma_start3A_181 = tpu.memref_slice %arg13[%dma_start3A_169, %dma_start3A_180] : memref<4x128xi32, #tpu.memory_space<vmem>> -> memref<1x128xi32, #tpu.memory_space<vmem>>
    %dma_start3A_182 = tpu.memref_squeeze %dma_start3A_181 : memref<1x128xi32, #tpu.memory_space<vmem>> -> memref<128xi32, #tpu.memory_space<vmem>>
    %dma_start3A_183 = arith.constant 0 : i32
    %dma_start3A_184 = tpu.memref_slice %dma_start3A_182[%dma_start3A_183] : memref<128xi32, #tpu.memory_space<vmem>> -> memref<128xi32, #tpu.memory_space<vmem>>
    %dma_start3A_185 = arith.constant 0 : i32
    %dma_start3A_186 = arith.constant 0 : i32
    %dma_start3A_187 = tpu.memref_slice %arg6[%dma_start3A_185, %dma_start3A_186] : memref<100001x128xf32, #tpu.memory_space<hbm>> -> memref<100001x128xf32, #tpu.memory_space<hbm>>
    %dma_start3A_188 = tpu.memref_slice %arg20[%dma_start3A_171, %dma_start3A_172] : memref<3x4x!tpu.dma_semaphore, #tpu.memory_space<semaphore_mem>> -> memref<1x1x!tpu.dma_semaphore, #tpu.memory_space<semaphore_mem>>
    %dma_start3A_189 = tpu.memref_squeeze %dma_start3A_188 : memref<1x1x!tpu.dma_semaphore, #tpu.memory_space<semaphore_mem>> -> memref<!tpu.dma_semaphore, #tpu.memory_space<semaphore_mem>>
    tpu.enqueue_indirect_dma source(%dma_start3A_187 : memref<100001x128xf32, #tpu.memory_space<hbm>>) target(%dma_start3A_179 : memref<128x128xf32, #tpu.memory_space<vmem>>) offsets(%dma_start3A_184 : memref<128xi32, #tpu.memory_space<vmem>>) semaphore(%dma_start3A_189 : memref<!tpu.dma_semaphore, #tpu.memory_space<semaphore_mem>>)
    %dma_start3A_190 = arith.constant 2 : i32
    %dma_start3A_191 = arith.constant 2 : i32
    %dma_start3A_192 = arith.constant 2 : i32
    %dma_start3A_193 = arith.constant 0 : i32
    %dma_start3A_194 = arith.constant 0 : i32
    %dma_start3A_195 = arith.constant 0 : i32
    %dma_start3A_196 = tpu.memref_slice %arg16[%dma_start3A_191, %dma_start3A_194, %dma_start3A_195] : memref<3x128x128xf32, #tpu.memory_space<vmem>> -> memref<1x128x128xf32, #tpu.memory_space<vmem>>
    %dma_start3A_197 = tpu.memref_squeeze %dma_start3A_196 : memref<1x128x128xf32, #tpu.memory_space<vmem>> -> memref<128x128xf32, #tpu.memory_space<vmem>>
    %dma_start3A_198 = arith.constant 0 : i32
    %dma_start3A_199 = arith.constant 0 : i32
    %dma_start3A_200 = tpu.memref_slice %dma_start3A_197[%dma_start3A_198, %dma_start3A_199] : memref<128x128xf32, #tpu.memory_space<vmem>> -> memref<128x128xf32, #tpu.memory_space<vmem>>
    %dma_start3A_201 = arith.constant 0 : i32
    %dma_start3A_202 = tpu.memref_slice %arg14[%dma_start3A_190, %dma_start3A_201] : memref<4x128xi32, #tpu.memory_space<vmem>> -> memref<1x128xi32, #tpu.memory_space<vmem>>
    %dma_start3A_203 = tpu.memref_squeeze %dma_start3A_202 : memref<1x128xi32, #tpu.memory_space<vmem>> -> memref<128xi32, #tpu.memory_space<vmem>>
    %dma_start3A_204 = arith.constant 0 : i32
    %dma_start3A_205 = tpu.memref_slice %dma_start3A_203[%dma_start3A_204] : memref<128xi32, #tpu.memory_space<vmem>> -> memref<128xi32, #tpu.memory_space<vmem>>
    %dma_start3A_206 = arith.constant 0 : i32
    %dma_start3A_207 = arith.constant 0 : i32
    %dma_start3A_208 = tpu.memref_slice %arg7[%dma_start3A_206, %dma_start3A_207] : memref<1000001x128xf32, #tpu.memory_space<hbm>> -> memref<1000001x128xf32, #tpu.memory_space<hbm>>
    %dma_start3A_209 = tpu.memref_slice %arg20[%dma_start3A_192, %dma_start3A_193] : memref<3x4x!tpu.dma_semaphore, #tpu.memory_space<semaphore_mem>> -> memref<1x1x!tpu.dma_semaphore, #tpu.memory_space<semaphore_mem>>
    %dma_start3A_210 = tpu.memref_squeeze %dma_start3A_209 : memref<1x1x!tpu.dma_semaphore, #tpu.memory_space<semaphore_mem>> -> memref<!tpu.dma_semaphore, #tpu.memory_space<semaphore_mem>>
    tpu.enqueue_indirect_dma source(%dma_start3A_208 : memref<1000001x128xf32, #tpu.memory_space<hbm>>) target(%dma_start3A_200 : memref<128x128xf32, #tpu.memory_space<vmem>>) offsets(%dma_start3A_205 : memref<128xi32, #tpu.memory_space<vmem>>) semaphore(%dma_start3A_210 : memref<!tpu.dma_semaphore, #tpu.memory_space<semaphore_mem>>)
    %dma_start3A_211 = arith.constant 2 : i32
    %dma_start3A_212 = arith.constant 2 : i32
    %dma_start3A_213 = arith.constant 2 : i32
    %dma_start3A_214 = arith.constant 0 : i32
    %dma_start3A_215 = tpu.memref_slice %arg17[%dma_start3A_212, %dma_start3A_214] : memref<3x128xf32, #tpu.memory_space<vmem>> -> memref<1x128xf32, #tpu.memory_space<vmem>>
    %dma_start3A_216 = tpu.memref_squeeze %dma_start3A_215 : memref<1x128xf32, #tpu.memory_space<vmem>> -> memref<128xf32, #tpu.memory_space<vmem>>
    %dma_start3A_217 = arith.constant 0 : i32
    %dma_start3A_218 = tpu.memref_slice %arg13[%dma_start3A_211, %dma_start3A_217] : memref<4x128xi32, #tpu.memory_space<vmem>> -> memref<1x128xi32, #tpu.memory_space<vmem>>
    %dma_start3A_219 = tpu.memref_squeeze %dma_start3A_218 : memref<1x128xi32, #tpu.memory_space<vmem>> -> memref<128xi32, #tpu.memory_space<vmem>>
    %dma_start3A_220 = arith.constant 0 : i32
    %dma_start3A_221 = tpu.memref_slice %arg4[%dma_start3A_220] : memref<100001xf32, #tpu.memory_space<hbm>> -> memref<100001xf32, #tpu.memory_space<hbm>>
    %dma_start3A_222 = tpu.memref_slice %arg21[%dma_start3A_213] : memref<3x!tpu.dma_semaphore, #tpu.memory_space<semaphore_mem>> -> memref<1x!tpu.dma_semaphore, #tpu.memory_space<semaphore_mem>>
    %dma_start3A_223 = tpu.memref_squeeze %dma_start3A_222 : memref<1x!tpu.dma_semaphore, #tpu.memory_space<semaphore_mem>> -> memref<!tpu.dma_semaphore, #tpu.memory_space<semaphore_mem>>
    tpu.enqueue_indirect_dma source(%dma_start3A_221 : memref<100001xf32, #tpu.memory_space<hbm>>) target(%dma_start3A_216 : memref<128xf32, #tpu.memory_space<vmem>>) offsets(%dma_start3A_219 : memref<128xi32, #tpu.memory_space<vmem>>) semaphore(%dma_start3A_223 : memref<!tpu.dma_semaphore, #tpu.memory_space<semaphore_mem>>)
    %dma_start3A_224 = arith.constant 2 : i32
    %dma_start3A_225 = arith.constant 2 : i32
    %dma_start3A_226 = arith.constant 2 : i32
    %dma_start3A_227 = arith.constant 0 : i32
    %dma_start3A_228 = tpu.memref_slice %arg18[%dma_start3A_225, %dma_start3A_227] : memref<3x128xf32, #tpu.memory_space<vmem>> -> memref<1x128xf32, #tpu.memory_space<vmem>>
    %dma_start3A_229 = tpu.memref_squeeze %dma_start3A_228 : memref<1x128xf32, #tpu.memory_space<vmem>> -> memref<128xf32, #tpu.memory_space<vmem>>
    %dma_start3A_230 = arith.constant 0 : i32
    %dma_start3A_231 = tpu.memref_slice %arg14[%dma_start3A_224, %dma_start3A_230] : memref<4x128xi32, #tpu.memory_space<vmem>> -> memref<1x128xi32, #tpu.memory_space<vmem>>
    %dma_start3A_232 = tpu.memref_squeeze %dma_start3A_231 : memref<1x128xi32, #tpu.memory_space<vmem>> -> memref<128xi32, #tpu.memory_space<vmem>>
    %dma_start3A_233 = arith.constant 0 : i32
    %dma_start3A_234 = tpu.memref_slice %arg5[%dma_start3A_233] : memref<1000001xf32, #tpu.memory_space<hbm>> -> memref<1000001xf32, #tpu.memory_space<hbm>>
    %dma_start3A_235 = tpu.memref_slice %arg21[%dma_start3A_226] : memref<3x!tpu.dma_semaphore, #tpu.memory_space<semaphore_mem>> -> memref<1x!tpu.dma_semaphore, #tpu.memory_space<semaphore_mem>>
    %dma_start3A_236 = tpu.memref_squeeze %dma_start3A_235 : memref<1x!tpu.dma_semaphore, #tpu.memory_space<semaphore_mem>> -> memref<!tpu.dma_semaphore, #tpu.memory_space<semaphore_mem>>
    tpu.enqueue_indirect_dma source(%dma_start3A_234 : memref<1000001xf32, #tpu.memory_space<hbm>>) target(%dma_start3A_229 : memref<128xf32, #tpu.memory_space<vmem>>) offsets(%dma_start3A_232 : memref<128xi32, #tpu.memory_space<vmem>>) semaphore(%dma_start3A_236 : memref<!tpu.dma_semaphore, #tpu.memory_space<semaphore_mem>>)
    %add3A_237 = arith.constant 0 : i32
    %add3A_238 = arith.addi %mul3A_2, %add3A_237 : i32
    %dma_wait3A_239 = arith.constant 0 : i32
    %dma_wait3A_240 = arith.constant 0 : i32
    %dma_wait3A_241 = arith.constant 0 : i32
    %dma_wait3A_242 = arith.constant 0 : i32
    %dma_wait3A_243 = arith.constant 0 : i32
    %dma_wait3A_244 = arith.constant 0 : i32
    %dma_wait3A_245 = tpu.memref_slice %arg15[%dma_wait3A_240, %dma_wait3A_243, %dma_wait3A_244] : memref<3x128x128xf32, #tpu.memory_space<vmem>> -> memref<1x128x128xf32, #tpu.memory_space<vmem>>
    %dma_wait3A_246 = tpu.memref_squeeze %dma_wait3A_245 : memref<1x128x128xf32, #tpu.memory_space<vmem>> -> memref<128x128xf32, #tpu.memory_space<vmem>>
    %dma_wait3A_247 = arith.constant 0 : i32
    %dma_wait3A_248 = arith.constant 0 : i32
    %dma_wait3A_249 = tpu.memref_slice %dma_wait3A_246[%dma_wait3A_247, %dma_wait3A_248] : memref<128x128xf32, #tpu.memory_space<vmem>> -> memref<128x128xf32, #tpu.memory_space<vmem>>
    %dma_wait3A_250 = arith.constant 0 : i32
    %dma_wait3A_251 = tpu.memref_slice %arg13[%dma_wait3A_239, %dma_wait3A_250] : memref<4x128xi32, #tpu.memory_space<vmem>> -> memref<1x128xi32, #tpu.memory_space<vmem>>
    %dma_wait3A_252 = tpu.memref_squeeze %dma_wait3A_251 : memref<1x128xi32, #tpu.memory_space<vmem>> -> memref<128xi32, #tpu.memory_space<vmem>>
    %dma_wait3A_253 = arith.constant 0 : i32
    %dma_wait3A_254 = tpu.memref_slice %dma_wait3A_252[%dma_wait3A_253] : memref<128xi32, #tpu.memory_space<vmem>> -> memref<128xi32, #tpu.memory_space<vmem>>
    %dma_wait3A_255 = arith.constant 0 : i32
    %dma_wait3A_256 = arith.constant 0 : i32
    %dma_wait3A_257 = tpu.memref_slice %arg6[%dma_wait3A_255, %dma_wait3A_256] : memref<100001x128xf32, #tpu.memory_space<hbm>> -> memref<100001x128xf32, #tpu.memory_space<hbm>>
    %dma_wait3A_258 = tpu.memref_slice %arg20[%dma_wait3A_241, %dma_wait3A_242] : memref<3x4x!tpu.dma_semaphore, #tpu.memory_space<semaphore_mem>> -> memref<1x1x!tpu.dma_semaphore, #tpu.memory_space<semaphore_mem>>
    %dma_wait3A_259 = tpu.memref_squeeze %dma_wait3A_258 : memref<1x1x!tpu.dma_semaphore, #tpu.memory_space<semaphore_mem>> -> memref<!tpu.dma_semaphore, #tpu.memory_space<semaphore_mem>>
    tpu.wait_indirect_dma semaphore(%dma_wait3A_259 : memref<!tpu.dma_semaphore, #tpu.memory_space<semaphore_mem>>) src(%dma_wait3A_257 : memref<100001x128xf32, #tpu.memory_space<hbm>>) dst(%dma_wait3A_249 : memref<128x128xf32, #tpu.memory_space<vmem>>)
    %dma_wait3A_260 = arith.constant 0 : i32
    %dma_wait3A_261 = arith.constant 0 : i32
    %dma_wait3A_262 = arith.constant 0 : i32
    %dma_wait3A_263 = arith.constant 0 : i32
    %dma_wait3A_264 = arith.constant 0 : i32
    %dma_wait3A_265 = arith.constant 0 : i32
    %dma_wait3A_266 = tpu.memref_slice %arg16[%dma_wait3A_261, %dma_wait3A_264, %dma_wait3A_265] : memref<3x128x128xf32, #tpu.memory_space<vmem>> -> memref<1x128x128xf32, #tpu.memory_space<vmem>>
    %dma_wait3A_267 = tpu.memref_squeeze %dma_wait3A_266 : memref<1x128x128xf32, #tpu.memory_space<vmem>> -> memref<128x128xf32, #tpu.memory_space<vmem>>
    %dma_wait3A_268 = arith.constant 0 : i32
    %dma_wait3A_269 = arith.constant 0 : i32
    %dma_wait3A_270 = tpu.memref_slice %dma_wait3A_267[%dma_wait3A_268, %dma_wait3A_269] : memref<128x128xf32, #tpu.memory_space<vmem>> -> memref<128x128xf32, #tpu.memory_space<vmem>>
    %dma_wait3A_271 = arith.constant 0 : i32
    %dma_wait3A_272 = tpu.memref_slice %arg14[%dma_wait3A_260, %dma_wait3A_271] : memref<4x128xi32, #tpu.memory_space<vmem>> -> memref<1x128xi32, #tpu.memory_space<vmem>>
    %dma_wait3A_273 = tpu.memref_squeeze %dma_wait3A_272 : memref<1x128xi32, #tpu.memory_space<vmem>> -> memref<128xi32, #tpu.memory_space<vmem>>
    %dma_wait3A_274 = arith.constant 0 : i32
    %dma_wait3A_275 = tpu.memref_slice %dma_wait3A_273[%dma_wait3A_274] : memref<128xi32, #tpu.memory_space<vmem>> -> memref<128xi32, #tpu.memory_space<vmem>>
    %dma_wait3A_276 = arith.constant 0 : i32
    %dma_wait3A_277 = arith.constant 0 : i32
    %dma_wait3A_278 = tpu.memref_slice %arg7[%dma_wait3A_276, %dma_wait3A_277] : memref<1000001x128xf32, #tpu.memory_space<hbm>> -> memref<1000001x128xf32, #tpu.memory_space<hbm>>
    %dma_wait3A_279 = tpu.memref_slice %arg20[%dma_wait3A_262, %dma_wait3A_263] : memref<3x4x!tpu.dma_semaphore, #tpu.memory_space<semaphore_mem>> -> memref<1x1x!tpu.dma_semaphore, #tpu.memory_space<semaphore_mem>>
    %dma_wait3A_280 = tpu.memref_squeeze %dma_wait3A_279 : memref<1x1x!tpu.dma_semaphore, #tpu.memory_space<semaphore_mem>> -> memref<!tpu.dma_semaphore, #tpu.memory_space<semaphore_mem>>
    tpu.wait_indirect_dma semaphore(%dma_wait3A_280 : memref<!tpu.dma_semaphore, #tpu.memory_space<semaphore_mem>>) src(%dma_wait3A_278 : memref<1000001x128xf32, #tpu.memory_space<hbm>>) dst(%dma_wait3A_270 : memref<128x128xf32, #tpu.memory_space<vmem>>)
    %add3A_281 = arith.constant 0 : i32
    %add3A_282 = arith.addi %add3A_238, %add3A_281 : i32
    %dma_start3A_283 = arith.constant 0 : i32
    %dma_start3A_284 = arith.constant 0 : i32
    %dma_start3A_285 = arith.constant 0 : i32
    %dma_start3A_286 = arith.constant 0 : i32
    %dma_start3A_287 = tpu.memref_slice %arg15[%dma_start3A_283, %dma_start3A_285, %dma_start3A_286] : memref<3x128x128xf32, #tpu.memory_space<vmem>> -> memref<1x128x128xf32, #tpu.memory_space<vmem>>
    %dma_start3A_288 = tpu.memref_squeeze %dma_start3A_287 : memref<1x128x128xf32, #tpu.memory_space<vmem>> -> memref<128x128xf32, #tpu.memory_space<vmem>>
    %dma_start3A_289 = arith.constant 0 : i32
    %dma_start3A_290 = arith.constant 0 : i32
    %dma_start3A_291 = tpu.memref_slice %dma_start3A_288[%dma_start3A_289, %dma_start3A_290] : memref<128x128xf32, #tpu.memory_space<vmem>> -> memref<128x128xf32, #tpu.memory_space<vmem>>
    %dma_start3A_292 = arith.constant 0 : i32
    %dma_start3A_293 = tpu.memref_slice %arg11[%add3A_282, %dma_start3A_292] : memref<16384x128xf32, #tpu.memory_space<hbm>> -> memref<128x128xf32, #tpu.memory_space<hbm>>
    %dma_start3A_294 = tpu.memref_slice %arg22[%dma_start3A_284] : memref<3x!tpu.dma_semaphore, #tpu.memory_space<semaphore_mem>> -> memref<1x!tpu.dma_semaphore, #tpu.memory_space<semaphore_mem>>
    %dma_start3A_295 = tpu.memref_squeeze %dma_start3A_294 : memref<1x!tpu.dma_semaphore, #tpu.memory_space<semaphore_mem>> -> memref<!tpu.dma_semaphore, #tpu.memory_space<semaphore_mem>>
    %dma_start3A_296 = arith.constant 0 : i32
    %dma_start3A_297 = tpu.memref_slice %arg11[%add3A_282, %dma_start3A_296] : memref<16384x128xf32, #tpu.memory_space<hbm>> -> memref<128x128xf32, #tpu.memory_space<hbm>>
    %dma_start3A_298 = arith.constant 0 : i32
    %dma_start3A_299 = arith.constant 0 : i32
    %dma_start3A_300 = tpu.memref_slice %arg15[%dma_start3A_283, %dma_start3A_298, %dma_start3A_299] : memref<3x128x128xf32, #tpu.memory_space<vmem>> -> memref<1x128x128xf32, #tpu.memory_space<vmem>>
    %dma_start3A_301 = tpu.memref_squeeze %dma_start3A_300 : memref<1x128x128xf32, #tpu.memory_space<vmem>> -> memref<128x128xf32, #tpu.memory_space<vmem>>
    %dma_start3A_302 = arith.constant 0 : i32
    %dma_start3A_303 = arith.constant 0 : i32
    %dma_start3A_304 = tpu.memref_slice %dma_start3A_301[%dma_start3A_302, %dma_start3A_303] : memref<128x128xf32, #tpu.memory_space<vmem>> -> memref<128x128xf32, #tpu.memory_space<vmem>>
    tpu.enqueue_dma source(%dma_start3A_304 : memref<128x128xf32, #tpu.memory_space<vmem>>) target(%dma_start3A_297 : memref<128x128xf32, #tpu.memory_space<hbm>>) target_semaphore(%dma_start3A_295 : memref<!tpu.dma_semaphore, #tpu.memory_space<semaphore_mem>>)
    %add3A_305 = arith.constant 0 : i32
    %add3A_306 = arith.addi %add3A_238, %add3A_305 : i32
    %dma_start3A_307 = arith.constant 0 : i32
    %dma_start3A_308 = arith.constant 0 : i32
    %dma_start3A_309 = arith.constant 0 : i32
    %dma_start3A_310 = arith.constant 0 : i32
    %dma_start3A_311 = tpu.memref_slice %arg16[%dma_start3A_307, %dma_start3A_309, %dma_start3A_310] : memref<3x128x128xf32, #tpu.memory_space<vmem>> -> memref<1x128x128xf32, #tpu.memory_space<vmem>>
    %dma_start3A_312 = tpu.memref_squeeze %dma_start3A_311 : memref<1x128x128xf32, #tpu.memory_space<vmem>> -> memref<128x128xf32, #tpu.memory_space<vmem>>
    %dma_start3A_313 = arith.constant 0 : i32
    %dma_start3A_314 = arith.constant 0 : i32
    %dma_start3A_315 = tpu.memref_slice %dma_start3A_312[%dma_start3A_313, %dma_start3A_314] : memref<128x128xf32, #tpu.memory_space<vmem>> -> memref<128x128xf32, #tpu.memory_space<vmem>>
    %dma_start3A_316 = arith.constant 0 : i32
    %dma_start3A_317 = tpu.memref_slice %arg12[%add3A_306, %dma_start3A_316] : memref<16384x128xf32, #tpu.memory_space<hbm>> -> memref<128x128xf32, #tpu.memory_space<hbm>>
    %dma_start3A_318 = tpu.memref_slice %arg22[%dma_start3A_308] : memref<3x!tpu.dma_semaphore, #tpu.memory_space<semaphore_mem>> -> memref<1x!tpu.dma_semaphore, #tpu.memory_space<semaphore_mem>>
    %dma_start3A_319 = tpu.memref_squeeze %dma_start3A_318 : memref<1x!tpu.dma_semaphore, #tpu.memory_space<semaphore_mem>> -> memref<!tpu.dma_semaphore, #tpu.memory_space<semaphore_mem>>
    %dma_start3A_320 = arith.constant 0 : i32
    %dma_start3A_321 = tpu.memref_slice %arg12[%add3A_306, %dma_start3A_320] : memref<16384x128xf32, #tpu.memory_space<hbm>> -> memref<128x128xf32, #tpu.memory_space<hbm>>
    %dma_start3A_322 = arith.constant 0 : i32
    %dma_start3A_323 = arith.constant 0 : i32
    %dma_start3A_324 = tpu.memref_slice %arg16[%dma_start3A_307, %dma_start3A_322, %dma_start3A_323] : memref<3x128x128xf32, #tpu.memory_space<vmem>> -> memref<1x128x128xf32, #tpu.memory_space<vmem>>
    %dma_start3A_325 = tpu.memref_squeeze %dma_start3A_324 : memref<1x128x128xf32, #tpu.memory_space<vmem>> -> memref<128x128xf32, #tpu.memory_space<vmem>>
    %dma_start3A_326 = arith.constant 0 : i32
    %dma_start3A_327 = arith.constant 0 : i32
    %dma_start3A_328 = tpu.memref_slice %dma_start3A_325[%dma_start3A_326, %dma_start3A_327] : memref<128x128xf32, #tpu.memory_space<vmem>> -> memref<128x128xf32, #tpu.memory_space<vmem>>
    tpu.enqueue_dma source(%dma_start3A_328 : memref<128x128xf32, #tpu.memory_space<vmem>>) target(%dma_start3A_321 : memref<128x128xf32, #tpu.memory_space<hbm>>) target_semaphore(%dma_start3A_319 : memref<!tpu.dma_semaphore, #tpu.memory_space<semaphore_mem>>)
    %dma_wait3A_329 = arith.constant 0 : i32
    %dma_wait3A_330 = arith.constant 0 : i32
    %dma_wait3A_331 = arith.constant 0 : i32
    %dma_wait3A_332 = arith.constant 0 : i32
    %dma_wait3A_333 = tpu.memref_slice %arg17[%dma_wait3A_330, %dma_wait3A_332] : memref<3x128xf32, #tpu.memory_space<vmem>> -> memref<1x128xf32, #tpu.memory_space<vmem>>
    %dma_wait3A_334 = tpu.memref_squeeze %dma_wait3A_333 : memref<1x128xf32, #tpu.memory_space<vmem>> -> memref<128xf32, #tpu.memory_space<vmem>>
    %dma_wait3A_335 = arith.constant 0 : i32
    %dma_wait3A_336 = tpu.memref_slice %arg13[%dma_wait3A_329, %dma_wait3A_335] : memref<4x128xi32, #tpu.memory_space<vmem>> -> memref<1x128xi32, #tpu.memory_space<vmem>>
    %dma_wait3A_337 = tpu.memref_squeeze %dma_wait3A_336 : memref<1x128xi32, #tpu.memory_space<vmem>> -> memref<128xi32, #tpu.memory_space<vmem>>
    %dma_wait3A_338 = arith.constant 0 : i32
    %dma_wait3A_339 = tpu.memref_slice %arg4[%dma_wait3A_338] : memref<100001xf32, #tpu.memory_space<hbm>> -> memref<100001xf32, #tpu.memory_space<hbm>>
    %dma_wait3A_340 = tpu.memref_slice %arg21[%dma_wait3A_331] : memref<3x!tpu.dma_semaphore, #tpu.memory_space<semaphore_mem>> -> memref<1x!tpu.dma_semaphore, #tpu.memory_space<semaphore_mem>>
    %dma_wait3A_341 = tpu.memref_squeeze %dma_wait3A_340 : memref<1x!tpu.dma_semaphore, #tpu.memory_space<semaphore_mem>> -> memref<!tpu.dma_semaphore, #tpu.memory_space<semaphore_mem>>
    tpu.wait_indirect_dma semaphore(%dma_wait3A_341 : memref<!tpu.dma_semaphore, #tpu.memory_space<semaphore_mem>>) src(%dma_wait3A_339 : memref<100001xf32, #tpu.memory_space<hbm>>) dst(%dma_wait3A_334 : memref<128xf32, #tpu.memory_space<vmem>>)
    %dma_wait3A_342 = arith.constant 0 : i32
    %dma_wait3A_343 = arith.constant 0 : i32
    %dma_wait3A_344 = arith.constant 0 : i32
    %dma_wait3A_345 = arith.constant 0 : i32
    %dma_wait3A_346 = tpu.memref_slice %arg18[%dma_wait3A_343, %dma_wait3A_345] : memref<3x128xf32, #tpu.memory_space<vmem>> -> memref<1x128xf32, #tpu.memory_space<vmem>>
    %dma_wait3A_347 = tpu.memref_squeeze %dma_wait3A_346 : memref<1x128xf32, #tpu.memory_space<vmem>> -> memref<128xf32, #tpu.memory_space<vmem>>
    %dma_wait3A_348 = arith.constant 0 : i32
    %dma_wait3A_349 = tpu.memref_slice %arg14[%dma_wait3A_342, %dma_wait3A_348] : memref<4x128xi32, #tpu.memory_space<vmem>> -> memref<1x128xi32, #tpu.memory_space<vmem>>
    %dma_wait3A_350 = tpu.memref_squeeze %dma_wait3A_349 : memref<1x128xi32, #tpu.memory_space<vmem>> -> memref<128xi32, #tpu.memory_space<vmem>>
    %dma_wait3A_351 = arith.constant 0 : i32
    %dma_wait3A_352 = tpu.memref_slice %arg5[%dma_wait3A_351] : memref<1000001xf32, #tpu.memory_space<hbm>> -> memref<1000001xf32, #tpu.memory_space<hbm>>
    %dma_wait3A_353 = tpu.memref_slice %arg21[%dma_wait3A_344] : memref<3x!tpu.dma_semaphore, #tpu.memory_space<semaphore_mem>> -> memref<1x!tpu.dma_semaphore, #tpu.memory_space<semaphore_mem>>
    %dma_wait3A_354 = tpu.memref_squeeze %dma_wait3A_353 : memref<1x!tpu.dma_semaphore, #tpu.memory_space<semaphore_mem>> -> memref<!tpu.dma_semaphore, #tpu.memory_space<semaphore_mem>>
    tpu.wait_indirect_dma semaphore(%dma_wait3A_354 : memref<!tpu.dma_semaphore, #tpu.memory_space<semaphore_mem>>) src(%dma_wait3A_352 : memref<1000001xf32, #tpu.memory_space<hbm>>) dst(%dma_wait3A_347 : memref<128xf32, #tpu.memory_space<vmem>>)
    %dma_start3A_355 = arith.constant 0 : i32
    %dma_start3A_356 = arith.constant 0 : i32
    %dma_start3A_357 = arith.constant 0 : i32
    %dma_start3A_358 = tpu.memref_slice %arg17[%dma_start3A_355, %dma_start3A_357] : memref<3x128xf32, #tpu.memory_space<vmem>> -> memref<1x128xf32, #tpu.memory_space<vmem>>
    %dma_start3A_359 = tpu.memref_squeeze %dma_start3A_358 : memref<1x128xf32, #tpu.memory_space<vmem>> -> memref<128xf32, #tpu.memory_space<vmem>>
    %dma_start3A_360 = tpu.memref_slice %arg9[%add3A_238] : memref<16384xf32, #tpu.memory_space<hbm>> -> memref<128xf32, #tpu.memory_space<hbm>>
    %dma_start3A_361 = tpu.memref_slice %arg22[%dma_start3A_356] : memref<3x!tpu.dma_semaphore, #tpu.memory_space<semaphore_mem>> -> memref<1x!tpu.dma_semaphore, #tpu.memory_space<semaphore_mem>>
    %dma_start3A_362 = tpu.memref_squeeze %dma_start3A_361 : memref<1x!tpu.dma_semaphore, #tpu.memory_space<semaphore_mem>> -> memref<!tpu.dma_semaphore, #tpu.memory_space<semaphore_mem>>
    %dma_start3A_363 = tpu.memref_slice %arg9[%add3A_238] : memref<16384xf32, #tpu.memory_space<hbm>> -> memref<128xf32, #tpu.memory_space<hbm>>
    %dma_start3A_364 = arith.constant 0 : i32
    %dma_start3A_365 = tpu.memref_slice %arg17[%dma_start3A_355, %dma_start3A_364] : memref<3x128xf32, #tpu.memory_space<vmem>> -> memref<1x128xf32, #tpu.memory_space<vmem>>
    %dma_start3A_366 = tpu.memref_squeeze %dma_start3A_365 : memref<1x128xf32, #tpu.memory_space<vmem>> -> memref<128xf32, #tpu.memory_space<vmem>>
    tpu.enqueue_dma source(%dma_start3A_366 : memref<128xf32, #tpu.memory_space<vmem>>) target(%dma_start3A_363 : memref<128xf32, #tpu.memory_space<hbm>>) target_semaphore(%dma_start3A_362 : memref<!tpu.dma_semaphore, #tpu.memory_space<semaphore_mem>>)
    %dma_start3A_367 = arith.constant 0 : i32
    %dma_start3A_368 = arith.constant 0 : i32
    %dma_start3A_369 = arith.constant 0 : i32
    %dma_start3A_370 = tpu.memref_slice %arg18[%dma_start3A_367, %dma_start3A_369] : memref<3x128xf32, #tpu.memory_space<vmem>> -> memref<1x128xf32, #tpu.memory_space<vmem>>
    %dma_start3A_371 = tpu.memref_squeeze %dma_start3A_370 : memref<1x128xf32, #tpu.memory_space<vmem>> -> memref<128xf32, #tpu.memory_space<vmem>>
    %dma_start3A_372 = tpu.memref_slice %arg10[%add3A_238] : memref<16384xf32, #tpu.memory_space<hbm>> -> memref<128xf32, #tpu.memory_space<hbm>>
    %dma_start3A_373 = tpu.memref_slice %arg22[%dma_start3A_368] : memref<3x!tpu.dma_semaphore, #tpu.memory_space<semaphore_mem>> -> memref<1x!tpu.dma_semaphore, #tpu.memory_space<semaphore_mem>>
    %dma_start3A_374 = tpu.memref_squeeze %dma_start3A_373 : memref<1x!tpu.dma_semaphore, #tpu.memory_space<semaphore_mem>> -> memref<!tpu.dma_semaphore, #tpu.memory_space<semaphore_mem>>
    %dma_start3A_375 = tpu.memref_slice %arg10[%add3A_238] : memref<16384xf32, #tpu.memory_space<hbm>> -> memref<128xf32, #tpu.memory_space<hbm>>
    %dma_start3A_376 = arith.constant 0 : i32
    %dma_start3A_377 = tpu.memref_slice %arg18[%dma_start3A_367, %dma_start3A_376] : memref<3x128xf32, #tpu.memory_space<vmem>> -> memref<1x128xf32, #tpu.memory_space<vmem>>
    %dma_start3A_378 = tpu.memref_squeeze %dma_start3A_377 : memref<1x128xf32, #tpu.memory_space<vmem>> -> memref<128xf32, #tpu.memory_space<vmem>>
    tpu.enqueue_dma source(%dma_start3A_378 : memref<128xf32, #tpu.memory_space<vmem>>) target(%dma_start3A_375 : memref<128xf32, #tpu.memory_space<hbm>>) target_semaphore(%dma_start3A_374 : memref<!tpu.dma_semaphore, #tpu.memory_space<semaphore_mem>>)
    %scan3A = arith.constant 0 : i32
    %scan3A_379 = arith.constant 0 : i32
    %scan3A_380 = arith.constant 8 : i32
    %scan3A_381 = arith.addi %scan3A_379, %scan3A_380 : i32
    %scan3A_382 = arith.constant 1 : i32
    scf.for %scan3A_1264 = %scan3A_379 to %scan3A_381 step %scan3A_382  : i32 {
      %broadcast_in_dim3A = arith.constant 0.000000e+00 : f32
      %broadcast_in_dim3A_1265 = vector.broadcast %broadcast_in_dim3A : f32 to vector<16xf32>
      %scan3A_1266 = arith.constant 0 : i32
      %scan3A_1267 = arith.constant 16 : i32
      %scan3A_1268 = arith.addi %scan3A_1266, %scan3A_1267 : i32
      %scan3A_1269 = arith.constant 1 : i32
      %scan3A_1270 = scf.for %scan3A_1293 = %scan3A_1266 to %scan3A_1268 step %scan3A_1269 iter_args(%scan3A_1294 = %broadcast_in_dim3A_1265) -> (vector<16xf32>)  : i32 {
        %mul3A_1295 = arith.constant 16 : i32
        %mul3A_1296 = arith.muli %scan3A_1264, %mul3A_1295 : i32
        %add3A_1297 = arith.addi %mul3A_1296, %scan3A_1293 : i32
        %get3A_1298 = arith.constant 0 : i32
        %get3A_1299 = arith.index_cast %get3A_1298 : i32 to index
        %get3A_1300 = arith.index_cast %add3A_1297 : i32 to index
        %get3A_1301 = arith.constant 0 : index
        %get3A_1302 = tpu.vector_load %arg15[%get3A_1299, %get3A_1300, %get3A_1301] {strides = array<i32>} : memref<3x128x128xf32, #tpu.memory_space<vmem>>, vector<1x1x16xf32>,
        %get3A_1303 = vector.shape_cast %get3A_1302 : vector<1x1x16xf32> to vector<16xf32>
        %get3A_1304 = arith.constant 0 : i32
        %get3A_1305 = arith.index_cast %get3A_1304 : i32 to index
        %get3A_1306 = arith.index_cast %add3A_1297 : i32 to index
        %get3A_1307 = arith.constant 0 : index
        %get3A_1308 = tpu.vector_load %arg16[%get3A_1305, %get3A_1306, %get3A_1307] {strides = array<i32>} : memref<3x128x128xf32, #tpu.memory_space<vmem>>, vector<1x1x16xf32>,
        %get3A_1309 = vector.shape_cast %get3A_1308 : vector<1x1x16xf32> to vector<16xf32>
        %mul3A_1310 = arith.mulf %get3A_1303, %get3A_1309 : vector<16xf32>
        %get3A_1311 = arith.constant 0 : i32
        %get3A_1312 = arith.index_cast %get3A_1311 : i32 to index
        %get3A_1313 = arith.index_cast %add3A_1297 : i32 to index
        %get3A_1314 = arith.constant 16 : index
        %get3A_1315 = tpu.vector_load %arg15[%get3A_1312, %get3A_1313, %get3A_1314] {strides = array<i32>} : memref<3x128x128xf32, #tpu.memory_space<vmem>>, vector<1x1x16xf32>,
        %get3A_1316 = vector.shape_cast %get3A_1315 : vector<1x1x16xf32> to vector<16xf32>
        %get3A_1317 = arith.constant 0 : i32
        %get3A_1318 = arith.index_cast %get3A_1317 : i32 to index
        %get3A_1319 = arith.index_cast %add3A_1297 : i32 to index
        %get3A_1320 = arith.constant 16 : index
        %get3A_1321 = tpu.vector_load %arg16[%get3A_1318, %get3A_1319, %get3A_1320] {strides = array<i32>} : memref<3x128x128xf32, #tpu.memory_space<vmem>>, vector<1x1x16xf32>,
        %get3A_1322 = vector.shape_cast %get3A_1321 : vector<1x1x16xf32> to vector<16xf32>
        %mul3A_1323 = arith.mulf %get3A_1316, %get3A_1322 : vector<16xf32>
        %get3A_1324 = arith.constant 0 : i32
        %get3A_1325 = arith.index_cast %get3A_1324 : i32 to index
        %get3A_1326 = arith.index_cast %add3A_1297 : i32 to index
        %get3A_1327 = arith.constant 32 : index
        %get3A_1328 = tpu.vector_load %arg15[%get3A_1325, %get3A_1326, %get3A_1327] {strides = array<i32>} : memref<3x128x128xf32, #tpu.memory_space<vmem>>, vector<1x1x16xf32>,
        %get3A_1329 = vector.shape_cast %get3A_1328 : vector<1x1x16xf32> to vector<16xf32>
        %get3A_1330 = arith.constant 0 : i32
        %get3A_1331 = arith.index_cast %get3A_1330 : i32 to index
        %get3A_1332 = arith.index_cast %add3A_1297 : i32 to index
        %get3A_1333 = arith.constant 32 : index
        %get3A_1334 = tpu.vector_load %arg16[%get3A_1331, %get3A_1332, %get3A_1333] {strides = array<i32>} : memref<3x128x128xf32, #tpu.memory_space<vmem>>, vector<1x1x16xf32>,
        %get3A_1335 = vector.shape_cast %get3A_1334 : vector<1x1x16xf32> to vector<16xf32>
        %mul3A_1336 = arith.mulf %get3A_1329, %get3A_1335 : vector<16xf32>
        %get3A_1337 = arith.constant 0 : i32
        %get3A_1338 = arith.index_cast %get3A_1337 : i32 to index
        %get3A_1339 = arith.index_cast %add3A_1297 : i32 to index
        %get3A_1340 = arith.constant 48 : index
        %get3A_1341 = tpu.vector_load %arg15[%get3A_1338, %get3A_1339, %get3A_1340] {strides = array<i32>} : memref<3x128x128xf32, #tpu.memory_space<vmem>>, vector<1x1x16xf32>,
        %get3A_1342 = vector.shape_cast %get3A_1341 : vector<1x1x16xf32> to vector<16xf32>
        %get3A_1343 = arith.constant 0 : i32
        %get3A_1344 = arith.index_cast %get3A_1343 : i32 to index
        %get3A_1345 = arith.index_cast %add3A_1297 : i32 to index
        %get3A_1346 = arith.constant 48 : index
        %get3A_1347 = tpu.vector_load %arg16[%get3A_1344, %get3A_1345, %get3A_1346] {strides = array<i32>} : memref<3x128x128xf32, #tpu.memory_space<vmem>>, vector<1x1x16xf32>,
        %get3A_1348 = vector.shape_cast %get3A_1347 : vector<1x1x16xf32> to vector<16xf32>
        %mul3A_1349 = arith.mulf %get3A_1342, %get3A_1348 : vector<16xf32>
        %get3A_1350 = arith.constant 0 : i32
        %get3A_1351 = arith.index_cast %get3A_1350 : i32 to index
        %get3A_1352 = arith.index_cast %add3A_1297 : i32 to index
        %get3A_1353 = arith.constant 64 : index
        %get3A_1354 = tpu.vector_load %arg15[%get3A_1351, %get3A_1352, %get3A_1353] {strides = array<i32>} : memref<3x128x128xf32, #tpu.memory_space<vmem>>, vector<1x1x16xf32>,
        %get3A_1355 = vector.shape_cast %get3A_1354 : vector<1x1x16xf32> to vector<16xf32>
        %get3A_1356 = arith.constant 0 : i32
        %get3A_1357 = arith.index_cast %get3A_1356 : i32 to index
        %get3A_1358 = arith.index_cast %add3A_1297 : i32 to index
        %get3A_1359 = arith.constant 64 : index
        %get3A_1360 = tpu.vector_load %arg16[%get3A_1357, %get3A_1358, %get3A_1359] {strides = array<i32>} : memref<3x128x128xf32, #tpu.memory_space<vmem>>, vector<1x1x16xf32>,
        %get3A_1361 = vector.shape_cast %get3A_1360 : vector<1x1x16xf32> to vector<16xf32>
        %mul3A_1362 = arith.mulf %get3A_1355, %get3A_1361 : vector<16xf32>
        %get3A_1363 = arith.constant 0 : i32
        %get3A_1364 = arith.index_cast %get3A_1363 : i32 to index
        %get3A_1365 = arith.index_cast %add3A_1297 : i32 to index
        %get3A_1366 = arith.constant 80 : index
        %get3A_1367 = tpu.vector_load %arg15[%get3A_1364, %get3A_1365, %get3A_1366] {strides = array<i32>} : memref<3x128x128xf32, #tpu.memory_space<vmem>>, vector<1x1x16xf32>,
        %get3A_1368 = vector.shape_cast %get3A_1367 : vector<1x1x16xf32> to vector<16xf32>
        %get3A_1369 = arith.constant 0 : i32
        %get3A_1370 = arith.index_cast %get3A_1369 : i32 to index
        %get3A_1371 = arith.index_cast %add3A_1297 : i32 to index
        %get3A_1372 = arith.constant 80 : index
        %get3A_1373 = tpu.vector_load %arg16[%get3A_1370, %get3A_1371, %get3A_1372] {strides = array<i32>} : memref<3x128x128xf32, #tpu.memory_space<vmem>>, vector<1x1x16xf32>,
        %get3A_1374 = vector.shape_cast %get3A_1373 : vector<1x1x16xf32> to vector<16xf32>
        %mul3A_1375 = arith.mulf %get3A_1368, %get3A_1374 : vector<16xf32>
        %get3A_1376 = arith.constant 0 : i32
        %get3A_1377 = arith.index_cast %get3A_1376 : i32 to index
        %get3A_1378 = arith.index_cast %add3A_1297 : i32 to index
        %get3A_1379 = arith.constant 96 : index
        %get3A_1380 = tpu.vector_load %arg15[%get3A_1377, %get3A_1378, %get3A_1379] {strides = array<i32>} : memref<3x128x128xf32, #tpu.memory_space<vmem>>, vector<1x1x16xf32>,
        %get3A_1381 = vector.shape_cast %get3A_1380 : vector<1x1x16xf32> to vector<16xf32>
        %get3A_1382 = arith.constant 0 : i32
        %get3A_1383 = arith.index_cast %get3A_1382 : i32 to index
        %get3A_1384 = arith.index_cast %add3A_1297 : i32 to index
        %get3A_1385 = arith.constant 96 : index
        %get3A_1386 = tpu.vector_load %arg16[%get3A_1383, %get3A_1384, %get3A_1385] {strides = array<i32>} : memref<3x128x128xf32, #tpu.memory_space<vmem>>, vector<1x1x16xf32>,
        %get3A_1387 = vector.shape_cast %get3A_1386 : vector<1x1x16xf32> to vector<16xf32>
        %mul3A_1388 = arith.mulf %get3A_1381, %get3A_1387 : vector<16xf32>
        %get3A_1389 = arith.constant 0 : i32
        %get3A_1390 = arith.index_cast %get3A_1389 : i32 to index
        %get3A_1391 = arith.index_cast %add3A_1297 : i32 to index
        %get3A_1392 = arith.constant 112 : index
        %get3A_1393 = tpu.vector_load %arg15[%get3A_1390, %get3A_1391, %get3A_1392] {strides = array<i32>} : memref<3x128x128xf32, #tpu.memory_space<vmem>>, vector<1x1x16xf32>,
        %get3A_1394 = vector.shape_cast %get3A_1393 : vector<1x1x16xf32> to vector<16xf32>
        %get3A_1395 = arith.constant 0 : i32
        %get3A_1396 = arith.index_cast %get3A_1395 : i32 to index
        %get3A_1397 = arith.index_cast %add3A_1297 : i32 to index
        %get3A_1398 = arith.constant 112 : index
        %get3A_1399 = tpu.vector_load %arg16[%get3A_1396, %get3A_1397, %get3A_1398] {strides = array<i32>} : memref<3x128x128xf32, #tpu.memory_space<vmem>>, vector<1x1x16xf32>,
        %get3A_1400 = vector.shape_cast %get3A_1399 : vector<1x1x16xf32> to vector<16xf32>
        %mul3A_1401 = arith.mulf %get3A_1394, %get3A_1400 : vector<16xf32>
        %add3A_1402 = arith.addf %mul3A_1310, %mul3A_1323 : vector<16xf32>
        %add3A_1403 = arith.addf %mul3A_1336, %mul3A_1349 : vector<16xf32>
        %add3A_1404 = arith.addf %add3A_1402, %add3A_1403 : vector<16xf32>
        %add3A_1405 = arith.addf %mul3A_1362, %mul3A_1375 : vector<16xf32>
        %add3A_1406 = arith.addf %mul3A_1388, %mul3A_1401 : vector<16xf32>
        %add3A_1407 = arith.addf %add3A_1405, %add3A_1406 : vector<16xf32>
        %add3A_1408 = arith.addf %add3A_1404, %add3A_1407 : vector<16xf32>
        %xor3A = arith.constant 8 : i32
        %xor3A_1409 = vector.broadcast %xor3A : i32 to vector<16xi32>
        %xor3A_1410 = arith.xori %iota3A, %xor3A_1409 : vector<16xi32>
        %lt3A = arith.constant 0 : i32
        %lt3A_1411 = vector.broadcast %lt3A : i32 to vector<16xi32>
        %lt3A_1412 = arith.cmpi slt, %xor3A_1410, %lt3A_1411 : vector<16xi32>
        %add3A_1413 = arith.constant 16 : i32
        %add3A_1414 = vector.broadcast %add3A_1413 : i32 to vector<16xi32>
        %add3A_1415 = arith.addi %xor3A_1410, %add3A_1414 : vector<16xi32>
        %select_n3A = arith.select %lt3A_1412, %add3A_1415, %xor3A_1410 : vector<16xi1>, vector<16xi32>
        %broadcast_in_dim3A_1416 = vector.shape_cast %select_n3A : vector<16xi32> to vector<16x1xi32>
        %gather3A = vector.shape_cast %broadcast_in_dim3A_1416 : vector<16x1xi32> to vector<16xi32>
        %gather3A_1417 = tpu.dynamic_gather %add3A_1408[%gather3A] in [0] : vector<16xf32>, vector<16xi32> -> vector<16xf32>
        %add3A_1418 = arith.addf %add3A_1408, %gather3A_1417 : vector<16xf32>
        %xor3A_1419 = arith.constant 4 : i32
        %xor3A_1420 = vector.broadcast %xor3A_1419 : i32 to vector<16xi32>
        %xor3A_1421 = arith.xori %iota3A, %xor3A_1420 : vector<16xi32>
        %lt3A_1422 = arith.constant 0 : i32
        %lt3A_1423 = vector.broadcast %lt3A_1422 : i32 to vector<16xi32>
        %lt3A_1424 = arith.cmpi slt, %xor3A_1421, %lt3A_1423 : vector<16xi32>
        %add3A_1425 = arith.constant 16 : i32
        %add3A_1426 = vector.broadcast %add3A_1425 : i32 to vector<16xi32>
        %add3A_1427 = arith.addi %xor3A_1421, %add3A_1426 : vector<16xi32>
        %select_n3A_1428 = arith.select %lt3A_1424, %add3A_1427, %xor3A_1421 : vector<16xi1>, vector<16xi32>
        %broadcast_in_dim3A_1429 = vector.shape_cast %select_n3A_1428 : vector<16xi32> to vector<16x1xi32>
        %gather3A_1430 = vector.shape_cast %broadcast_in_dim3A_1429 : vector<16x1xi32> to vector<16xi32>
        %gather3A_1431 = tpu.dynamic_gather %add3A_1418[%gather3A_1430] in [0] : vector<16xf32>, vector<16xi32> -> vector<16xf32>
        %add3A_1432 = arith.addf %add3A_1418, %gather3A_1431 : vector<16xf32>
        %xor3A_1433 = arith.constant 2 : i32
        %xor3A_1434 = vector.broadcast %xor3A_1433 : i32 to vector<16xi32>
        %xor3A_1435 = arith.xori %iota3A, %xor3A_1434 : vector<16xi32>
        %lt3A_1436 = arith.constant 0 : i32
        %lt3A_1437 = vector.broadcast %lt3A_1436 : i32 to vector<16xi32>
        %lt3A_1438 = arith.cmpi slt, %xor3A_1435, %lt3A_1437 : vector<16xi32>
        %add3A_1439 = arith.constant 16 : i32
        %add3A_1440 = vector.broadcast %add3A_1439 : i32 to vector<16xi32>
        %add3A_1441 = arith.addi %xor3A_1435, %add3A_1440 : vector<16xi32>
        %select_n3A_1442 = arith.select %lt3A_1438, %add3A_1441, %xor3A_1435 : vector<16xi1>, vector<16xi32>
        %broadcast_in_dim3A_1443 = vector.shape_cast %select_n3A_1442 : vector<16xi32> to vector<16x1xi32>
        %gather3A_1444 = vector.shape_cast %broadcast_in_dim3A_1443 : vector<16x1xi32> to vector<16xi32>
        %gather3A_1445 = tpu.dynamic_gather %add3A_1432[%gather3A_1444] in [0] : vector<16xf32>, vector<16xi32> -> vector<16xf32>
        %add3A_1446 = arith.addf %add3A_1432, %gather3A_1445 : vector<16xf32>
        %xor3A_1447 = arith.constant 1 : i32
        %xor3A_1448 = vector.broadcast %xor3A_1447 : i32 to vector<16xi32>
        %xor3A_1449 = arith.xori %iota3A, %xor3A_1448 : vector<16xi32>
        %lt3A_1450 = arith.constant 0 : i32
        %lt3A_1451 = vector.broadcast %lt3A_1450 : i32 to vector<16xi32>
        %lt3A_1452 = arith.cmpi slt, %xor3A_1449, %lt3A_1451 : vector<16xi32>
        %add3A_1453 = arith.constant 16 : i32
        %add3A_1454 = vector.broadcast %add3A_1453 : i32 to vector<16xi32>
        %add3A_1455 = arith.addi %xor3A_1449, %add3A_1454 : vector<16xi32>
        %select_n3A_1456 = arith.select %lt3A_1452, %add3A_1455, %xor3A_1449 : vector<16xi1>, vector<16xi32>
        %broadcast_in_dim3A_1457 = vector.shape_cast %select_n3A_1456 : vector<16xi32> to vector<16x1xi32>
        %gather3A_1458 = vector.shape_cast %broadcast_in_dim3A_1457 : vector<16x1xi32> to vector<16xi32>
        %gather3A_1459 = tpu.dynamic_gather %add3A_1446[%gather3A_1458] in [0] : vector<16xf32>, vector<16xi32> -> vector<16xf32>
        %add3A_1460 = arith.addf %add3A_1446, %gather3A_1459 : vector<16xf32>
        %eq3A = vector.broadcast %scan3A_1293 : i32 to vector<16xi32>
        %eq3A_1461 = arith.cmpi eq, %iota3A, %eq3A : vector<16xi32>
        %select_n3A_1462 = arith.select %eq3A_1461, %add3A_1460, %scan3A_1294 : vector<16xi1>, vector<16xf32>
        scf.yield %select_n3A_1462 : vector<16xf32>
      }
      %scan3A_1271 = arith.constant 16 : i32
      %mul3A_1272 = arith.constant 16 : i32
      %mul3A_1273 = arith.muli %scan3A_1264, %mul3A_1272 : i32
      %get3A = arith.constant 0 : i32
      %get3A_1274 = arith.index_cast %get3A : i32 to index
      %get3A_1275 = arith.index_cast %mul3A_1273 : i32 to index
      %get3A_1276 = tpu.vector_load %arg17[%get3A_1274, %get3A_1275] {strides = array<i32>} : memref<3x128xf32, #tpu.memory_space<vmem>>, vector<1x16xf32>,
      %get3A_1277 = vector.shape_cast %get3A_1276 : vector<1x16xf32> to vector<16xf32>
      %add3A_1278 = arith.addf %scan3A_1270, %get3A_1277 : vector<16xf32>
      %get3A_1279 = arith.constant 0 : i32
      %get3A_1280 = arith.index_cast %get3A_1279 : i32 to index
      %get3A_1281 = arith.index_cast %mul3A_1273 : i32 to index
      %get3A_1282 = tpu.vector_load %arg18[%get3A_1280, %get3A_1281] {strides = array<i32>} : memref<3x128xf32, #tpu.memory_space<vmem>>, vector<1x16xf32>,
      %get3A_1283 = vector.shape_cast %get3A_1282 : vector<1x16xf32> to vector<16xf32>
      %add3A_1284 = arith.addf %add3A_1278, %get3A_1283 : vector<16xf32>
      %add3A_1285 = arith.constant 3.500000e+00 : f32
      %add3A_1286 = vector.broadcast %add3A_1285 : f32 to vector<16xf32>
      %add3A_1287 = arith.addf %add3A_1284, %add3A_1286 : vector<16xf32>
      %swap3A = arith.constant 0 : i32
      %swap3A_1288 = arith.index_cast %swap3A : i32 to index
      %swap3A_1289 = arith.index_cast %mul3A_1273 : i32 to index
      %swap3A_1290 = tpu.vector_load %arg19[%swap3A_1288, %swap3A_1289] {strides = array<i32>} : memref<3x128xf32, #tpu.memory_space<vmem>>, vector<1x16xf32>,
      %swap3A_1291 = vector.shape_cast %swap3A_1290 : vector<1x16xf32> to vector<16xf32>
      %swap3A_1292 = vector.shape_cast %add3A_1287 : vector<16xf32> to vector<1x16xf32>
      tpu.vector_store %arg19[%swap3A_1288, %swap3A_1289], %swap3A_1292 {strides = array<i32>} : memref<3x128xf32, #tpu.memory_space<vmem>>, vector<1x16xf32>,
    }
    %scan3A_383 = arith.constant 8 : i32
    %dma_start3A_384 = arith.constant 0 : i32
    %dma_start3A_385 = arith.constant 0 : i32
    %dma_start3A_386 = arith.constant 0 : i32
    %dma_start3A_387 = tpu.memref_slice %arg19[%dma_start3A_384, %dma_start3A_386] : memref<3x128xf32, #tpu.memory_space<vmem>> -> memref<1x128xf32, #tpu.memory_space<vmem>>
    %dma_start3A_388 = tpu.memref_squeeze %dma_start3A_387 : memref<1x128xf32, #tpu.memory_space<vmem>> -> memref<128xf32, #tpu.memory_space<vmem>>
    %dma_start3A_389 = tpu.memref_slice %arg8[%add3A_238] : memref<16384xf32, #tpu.memory_space<hbm>> -> memref<128xf32, #tpu.memory_space<hbm>>
    %dma_start3A_390 = tpu.memref_slice %arg22[%dma_start3A_385] : memref<3x!tpu.dma_semaphore, #tpu.memory_space<semaphore_mem>> -> memref<1x!tpu.dma_semaphore, #tpu.memory_space<semaphore_mem>>
    %dma_start3A_391 = tpu.memref_squeeze %dma_start3A_390 : memref<1x!tpu.dma_semaphore, #tpu.memory_space<semaphore_mem>> -> memref<!tpu.dma_semaphore, #tpu.memory_space<semaphore_mem>>
    %dma_start3A_392 = tpu.memref_slice %arg8[%add3A_238] : memref<16384xf32, #tpu.memory_space<hbm>> -> memref<128xf32, #tpu.memory_space<hbm>>
    %dma_start3A_393 = arith.constant 0 : i32
    %dma_start3A_394 = tpu.memref_slice %arg19[%dma_start3A_384, %dma_start3A_393] : memref<3x128xf32, #tpu.memory_space<vmem>> -> memref<1x128xf32, #tpu.memory_space<vmem>>
    %dma_start3A_395 = tpu.memref_squeeze %dma_start3A_394 : memref<1x128xf32, #tpu.memory_space<vmem>> -> memref<128xf32, #tpu.memory_space<vmem>>
    tpu.enqueue_dma source(%dma_start3A_395 : memref<128xf32, #tpu.memory_space<vmem>>) target(%dma_start3A_392 : memref<128xf32, #tpu.memory_space<hbm>>) target_semaphore(%dma_start3A_391 : memref<!tpu.dma_semaphore, #tpu.memory_space<semaphore_mem>>)
    %dma_wait3A_396 = arith.constant 0 : i32
    %dma_wait3A_397 = arith.constant 0 : i32
    %dma_wait3A_398 = arith.constant 0 : i32
    %dma_wait3A_399 = arith.constant 0 : i32
    %dma_wait3A_400 = tpu.memref_slice %arg15[%dma_wait3A_396, %dma_wait3A_398, %dma_wait3A_399] : memref<3x128x128xf32, #tpu.memory_space<vmem>> -> memref<1x128x128xf32, #tpu.memory_space<vmem>>
    %dma_wait3A_401 = tpu.memref_squeeze %dma_wait3A_400 : memref<1x128x128xf32, #tpu.memory_space<vmem>> -> memref<128x128xf32, #tpu.memory_space<vmem>>
    %dma_wait3A_402 = arith.constant 0 : i32
    %dma_wait3A_403 = arith.constant 0 : i32
    %dma_wait3A_404 = tpu.memref_slice %dma_wait3A_401[%dma_wait3A_402, %dma_wait3A_403] : memref<128x128xf32, #tpu.memory_space<vmem>> -> memref<128x128xf32, #tpu.memory_space<vmem>>
    %dma_wait3A_405 = arith.constant 0 : i32
    %dma_wait3A_406 = tpu.memref_slice %arg11[%add3A_282, %dma_wait3A_405] : memref<16384x128xf32, #tpu.memory_space<hbm>> -> memref<128x128xf32, #tpu.memory_space<hbm>>
    %dma_wait3A_407 = tpu.memref_slice %arg22[%dma_wait3A_397] : memref<3x!tpu.dma_semaphore, #tpu.memory_space<semaphore_mem>> -> memref<1x!tpu.dma_semaphore, #tpu.memory_space<semaphore_mem>>
    %dma_wait3A_408 = tpu.memref_squeeze %dma_wait3A_407 : memref<1x!tpu.dma_semaphore, #tpu.memory_space<semaphore_mem>> -> memref<!tpu.dma_semaphore, #tpu.memory_space<semaphore_mem>>
    %dma_wait3A_409 = arith.constant 0 : i32
    %dma_wait3A_410 = tpu.memref_slice %arg11[%add3A_282, %dma_wait3A_409] : memref<16384x128xf32, #tpu.memory_space<hbm>> -> memref<128x128xf32, #tpu.memory_space<hbm>>
    %dma_wait3A_411 = arith.constant 0 : i32
    %dma_wait3A_412 = arith.constant 0 : i32
    %dma_wait3A_413 = tpu.memref_slice %arg15[%dma_wait3A_396, %dma_wait3A_411, %dma_wait3A_412] : memref<3x128x128xf32, #tpu.memory_space<vmem>> -> memref<1x128x128xf32, #tpu.memory_space<vmem>>
    %dma_wait3A_414 = tpu.memref_squeeze %dma_wait3A_413 : memref<1x128x128xf32, #tpu.memory_space<vmem>> -> memref<128x128xf32, #tpu.memory_space<vmem>>
    %dma_wait3A_415 = arith.constant 0 : i32
    %dma_wait3A_416 = arith.constant 0 : i32
    %dma_wait3A_417 = tpu.memref_slice %dma_wait3A_414[%dma_wait3A_415, %dma_wait3A_416] : memref<128x128xf32, #tpu.memory_space<vmem>> -> memref<128x128xf32, #tpu.memory_space<vmem>>
    tpu.wait_dma2 semaphore(%dma_wait3A_408 : memref<!tpu.dma_semaphore, #tpu.memory_space<semaphore_mem>>) src(%dma_wait3A_417 : memref<128x128xf32, #tpu.memory_space<vmem>>) dst(%dma_wait3A_410 : memref<128x128xf32, #tpu.memory_space<hbm>>)
    %dma_wait3A_418 = arith.constant 0 : i32
    %dma_wait3A_419 = arith.constant 0 : i32
    %dma_wait3A_420 = arith.constant 0 : i32
    %dma_wait3A_421 = arith.constant 0 : i32
    %dma_wait3A_422 = tpu.memref_slice %arg16[%dma_wait3A_418, %dma_wait3A_420, %dma_wait3A_421] : memref<3x128x128xf32, #tpu.memory_space<vmem>> -> memref<1x128x128xf32, #tpu.memory_space<vmem>>
    %dma_wait3A_423 = tpu.memref_squeeze %dma_wait3A_422 : memref<1x128x128xf32, #tpu.memory_space<vmem>> -> memref<128x128xf32, #tpu.memory_space<vmem>>
    %dma_wait3A_424 = arith.constant 0 : i32
    %dma_wait3A_425 = arith.constant 0 : i32
    %dma_wait3A_426 = tpu.memref_slice %dma_wait3A_423[%dma_wait3A_424, %dma_wait3A_425] : memref<128x128xf32, #tpu.memory_space<vmem>> -> memref<128x128xf32, #tpu.memory_space<vmem>>
    %dma_wait3A_427 = arith.constant 0 : i32
    %dma_wait3A_428 = tpu.memref_slice %arg12[%add3A_306, %dma_wait3A_427] : memref<16384x128xf32, #tpu.memory_space<hbm>> -> memref<128x128xf32, #tpu.memory_space<hbm>>
    %dma_wait3A_429 = tpu.memref_slice %arg22[%dma_wait3A_419] : memref<3x!tpu.dma_semaphore, #tpu.memory_space<semaphore_mem>> -> memref<1x!tpu.dma_semaphore, #tpu.memory_space<semaphore_mem>>
    %dma_wait3A_430 = tpu.memref_squeeze %dma_wait3A_429 : memref<1x!tpu.dma_semaphore, #tpu.memory_space<semaphore_mem>> -> memref<!tpu.dma_semaphore, #tpu.memory_space<semaphore_mem>>
    %dma_wait3A_431 = arith.constant 0 : i32
    %dma_wait3A_432 = tpu.memref_slice %arg12[%add3A_306, %dma_wait3A_431] : memref<16384x128xf32, #tpu.memory_space<hbm>> -> memref<128x128xf32, #tpu.memory_space<hbm>>
    %dma_wait3A_433 = arith.constant 0 : i32
    %dma_wait3A_434 = arith.constant 0 : i32
    %dma_wait3A_435 = tpu.memref_slice %arg16[%dma_wait3A_418, %dma_wait3A_433, %dma_wait3A_434] : memref<3x128x128xf32, #tpu.memory_space<vmem>> -> memref<1x128x128xf32, #tpu.memory_space<vmem>>
    %dma_wait3A_436 = tpu.memref_squeeze %dma_wait3A_435 : memref<1x128x128xf32, #tpu.memory_space<vmem>> -> memref<128x128xf32, #tpu.memory_space<vmem>>
    %dma_wait3A_437 = arith.constant 0 : i32
    %dma_wait3A_438 = arith.constant 0 : i32
    %dma_wait3A_439 = tpu.memref_slice %dma_wait3A_436[%dma_wait3A_437, %dma_wait3A_438] : memref<128x128xf32, #tpu.memory_space<vmem>> -> memref<128x128xf32, #tpu.memory_space<vmem>>
    tpu.wait_dma2 semaphore(%dma_wait3A_430 : memref<!tpu.dma_semaphore, #tpu.memory_space<semaphore_mem>>) src(%dma_wait3A_439 : memref<128x128xf32, #tpu.memory_space<vmem>>) dst(%dma_wait3A_432 : memref<128x128xf32, #tpu.memory_space<hbm>>)
    %dma_wait3A_440 = arith.constant 0 : i32
    %dma_wait3A_441 = arith.constant 0 : i32
    %dma_wait3A_442 = arith.constant 0 : i32
    %dma_wait3A_443 = tpu.memref_slice %arg17[%dma_wait3A_440, %dma_wait3A_442] : memref<3x128xf32, #tpu.memory_space<vmem>> -> memref<1x128xf32, #tpu.memory_space<vmem>>
    %dma_wait3A_444 = tpu.memref_squeeze %dma_wait3A_443 : memref<1x128xf32, #tpu.memory_space<vmem>> -> memref<128xf32, #tpu.memory_space<vmem>>
    %dma_wait3A_445 = tpu.memref_slice %arg9[%add3A_238] : memref<16384xf32, #tpu.memory_space<hbm>> -> memref<128xf32, #tpu.memory_space<hbm>>
    %dma_wait3A_446 = tpu.memref_slice %arg22[%dma_wait3A_441] : memref<3x!tpu.dma_semaphore, #tpu.memory_space<semaphore_mem>> -> memref<1x!tpu.dma_semaphore, #tpu.memory_space<semaphore_mem>>
    %dma_wait3A_447 = tpu.memref_squeeze %dma_wait3A_446 : memref<1x!tpu.dma_semaphore, #tpu.memory_space<semaphore_mem>> -> memref<!tpu.dma_semaphore, #tpu.memory_space<semaphore_mem>>
    %dma_wait3A_448 = tpu.memref_slice %arg9[%add3A_238] : memref<16384xf32, #tpu.memory_space<hbm>> -> memref<128xf32, #tpu.memory_space<hbm>>
    %dma_wait3A_449 = arith.constant 0 : i32
    %dma_wait3A_450 = tpu.memref_slice %arg17[%dma_wait3A_440, %dma_wait3A_449] : memref<3x128xf32, #tpu.memory_space<vmem>> -> memref<1x128xf32, #tpu.memory_space<vmem>>
    %dma_wait3A_451 = tpu.memref_squeeze %dma_wait3A_450 : memref<1x128xf32, #tpu.memory_space<vmem>> -> memref<128xf32, #tpu.memory_space<vmem>>
    tpu.wait_dma2 semaphore(%dma_wait3A_447 : memref<!tpu.dma_semaphore, #tpu.memory_space<semaphore_mem>>) src(%dma_wait3A_451 : memref<128xf32, #tpu.memory_space<vmem>>) dst(%dma_wait3A_448 : memref<128xf32, #tpu.memory_space<hbm>>)
    %dma_wait3A_452 = arith.constant 0 : i32
    %dma_wait3A_453 = arith.constant 0 : i32
    %dma_wait3A_454 = arith.constant 0 : i32
    %dma_wait3A_455 = tpu.memref_slice %arg18[%dma_wait3A_452, %dma_wait3A_454] : memref<3x128xf32, #tpu.memory_space<vmem>> -> memref<1x128xf32, #tpu.memory_space<vmem>>
    %dma_wait3A_456 = tpu.memref_squeeze %dma_wait3A_455 : memref<1x128xf32, #tpu.memory_space<vmem>> -> memref<128xf32, #tpu.memory_space<vmem>>
    %dma_wait3A_457 = tpu.memref_slice %arg10[%add3A_238] : memref<16384xf32, #tpu.memory_space<hbm>> -> memref<128xf32, #tpu.memory_space<hbm>>
    %dma_wait3A_458 = tpu.memref_slice %arg22[%dma_wait3A_453] : memref<3x!tpu.dma_semaphore, #tpu.memory_space<semaphore_mem>> -> memref<1x!tpu.dma_semaphore, #tpu.memory_space<semaphore_mem>>
    %dma_wait3A_459 = tpu.memref_squeeze %dma_wait3A_458 : memref<1x!tpu.dma_semaphore, #tpu.memory_space<semaphore_mem>> -> memref<!tpu.dma_semaphore, #tpu.memory_space<semaphore_mem>>
    %dma_wait3A_460 = tpu.memref_slice %arg10[%add3A_238] : memref<16384xf32, #tpu.memory_space<hbm>> -> memref<128xf32, #tpu.memory_space<hbm>>
    %dma_wait3A_461 = arith.constant 0 : i32
    %dma_wait3A_462 = tpu.memref_slice %arg18[%dma_wait3A_452, %dma_wait3A_461] : memref<3x128xf32, #tpu.memory_space<vmem>> -> memref<1x128xf32, #tpu.memory_space<vmem>>
    %dma_wait3A_463 = tpu.memref_squeeze %dma_wait3A_462 : memref<1x128xf32, #tpu.memory_space<vmem>> -> memref<128xf32, #tpu.memory_space<vmem>>
    tpu.wait_dma2 semaphore(%dma_wait3A_459 : memref<!tpu.dma_semaphore, #tpu.memory_space<semaphore_mem>>) src(%dma_wait3A_463 : memref<128xf32, #tpu.memory_space<vmem>>) dst(%dma_wait3A_460 : memref<128xf32, #tpu.memory_space<hbm>>)
    %dma_wait3A_464 = arith.constant 0 : i32
    %dma_wait3A_465 = arith.constant 0 : i32
    %dma_wait3A_466 = arith.constant 0 : i32
    %dma_wait3A_467 = tpu.memref_slice %arg19[%dma_wait3A_464, %dma_wait3A_466] : memref<3x128xf32, #tpu.memory_space<vmem>> -> memref<1x128xf32, #tpu.memory_space<vmem>>
    %dma_wait3A_468 = tpu.memref_squeeze %dma_wait3A_467 : memref<1x128xf32, #tpu.memory_space<vmem>> -> memref<128xf32, #tpu.memory_space<vmem>>
    %dma_wait3A_469 = tpu.memref_slice %arg8[%add3A_238] : memref<16384xf32, #tpu.memory_space<hbm>> -> memref<128xf32, #tpu.memory_space<hbm>>
    %dma_wait3A_470 = tpu.memref_slice %arg22[%dma_wait3A_465] : memref<3x!tpu.dma_semaphore, #tpu.memory_space<semaphore_mem>> -> memref<1x!tpu.dma_semaphore, #tpu.memory_space<semaphore_mem>>
    %dma_wait3A_471 = tpu.memref_squeeze %dma_wait3A_470 : memref<1x!tpu.dma_semaphore, #tpu.memory_space<semaphore_mem>> -> memref<!tpu.dma_semaphore, #tpu.memory_space<semaphore_mem>>
    %dma_wait3A_472 = tpu.memref_slice %arg8[%add3A_238] : memref<16384xf32, #tpu.memory_space<hbm>> -> memref<128xf32, #tpu.memory_space<hbm>>
    %dma_wait3A_473 = arith.constant 0 : i32
    %dma_wait3A_474 = tpu.memref_slice %arg19[%dma_wait3A_464, %dma_wait3A_473] : memref<3x128xf32, #tpu.memory_space<vmem>> -> memref<1x128xf32, #tpu.memory_space<vmem>>
    %dma_wait3A_475 = tpu.memref_squeeze %dma_wait3A_474 : memref<1x128xf32, #tpu.memory_space<vmem>> -> memref<128xf32, #tpu.memory_space<vmem>>
    tpu.wait_dma2 semaphore(%dma_wait3A_471 : memref<!tpu.dma_semaphore, #tpu.memory_space<semaphore_mem>>) src(%dma_wait3A_475 : memref<128xf32, #tpu.memory_space<vmem>>) dst(%dma_wait3A_472 : memref<128xf32, #tpu.memory_space<hbm>>)
    %dma_start3A_476 = arith.constant 3 : i32
    %dma_start3A_477 = arith.constant 0 : i32
    %dma_start3A_478 = arith.constant 0 : i32
    %dma_start3A_479 = arith.constant 0 : i32
    %dma_start3A_480 = arith.constant 0 : i32
    %dma_start3A_481 = arith.constant 0 : i32
    %dma_start3A_482 = tpu.memref_slice %arg15[%dma_start3A_477, %dma_start3A_480, %dma_start3A_481] : memref<3x128x128xf32, #tpu.memory_space<vmem>> -> memref<1x128x128xf32, #tpu.memory_space<vmem>>
    %dma_start3A_483 = tpu.memref_squeeze %dma_start3A_482 : memref<1x128x128xf32, #tpu.memory_space<vmem>> -> memref<128x128xf32, #tpu.memory_space<vmem>>
    %dma_start3A_484 = arith.constant 0 : i32
    %dma_start3A_485 = arith.constant 0 : i32
    %dma_start3A_486 = tpu.memref_slice %dma_start3A_483[%dma_start3A_484, %dma_start3A_485] : memref<128x128xf32, #tpu.memory_space<vmem>> -> memref<128x128xf32, #tpu.memory_space<vmem>>
    %dma_start3A_487 = arith.constant 0 : i32
    %dma_start3A_488 = tpu.memref_slice %arg13[%dma_start3A_476, %dma_start3A_487] : memref<4x128xi32, #tpu.memory_space<vmem>> -> memref<1x128xi32, #tpu.memory_space<vmem>>
    %dma_start3A_489 = tpu.memref_squeeze %dma_start3A_488 : memref<1x128xi32, #tpu.memory_space<vmem>> -> memref<128xi32, #tpu.memory_space<vmem>>
    %dma_start3A_490 = arith.constant 0 : i32
    %dma_start3A_491 = tpu.memref_slice %dma_start3A_489[%dma_start3A_490] : memref<128xi32, #tpu.memory_space<vmem>> -> memref<128xi32, #tpu.memory_space<vmem>>
    %dma_start3A_492 = arith.constant 0 : i32
    %dma_start3A_493 = arith.constant 0 : i32
    %dma_start3A_494 = tpu.memref_slice %arg6[%dma_start3A_492, %dma_start3A_493] : memref<100001x128xf32, #tpu.memory_space<hbm>> -> memref<100001x128xf32, #tpu.memory_space<hbm>>
    %dma_start3A_495 = tpu.memref_slice %arg20[%dma_start3A_478, %dma_start3A_479] : memref<3x4x!tpu.dma_semaphore, #tpu.memory_space<semaphore_mem>> -> memref<1x1x!tpu.dma_semaphore, #tpu.memory_space<semaphore_mem>>
    %dma_start3A_496 = tpu.memref_squeeze %dma_start3A_495 : memref<1x1x!tpu.dma_semaphore, #tpu.memory_space<semaphore_mem>> -> memref<!tpu.dma_semaphore, #tpu.memory_space<semaphore_mem>>
    tpu.enqueue_indirect_dma source(%dma_start3A_494 : memref<100001x128xf32, #tpu.memory_space<hbm>>) target(%dma_start3A_486 : memref<128x128xf32, #tpu.memory_space<vmem>>) offsets(%dma_start3A_491 : memref<128xi32, #tpu.memory_space<vmem>>) semaphore(%dma_start3A_496 : memref<!tpu.dma_semaphore, #tpu.memory_space<semaphore_mem>>)
    %dma_start3A_497 = arith.constant 3 : i32
    %dma_start3A_498 = arith.constant 0 : i32
    %dma_start3A_499 = arith.constant 0 : i32
    %dma_start3A_500 = arith.constant 0 : i32
    %dma_start3A_501 = arith.constant 0 : i32
    %dma_start3A_502 = arith.constant 0 : i32
    %dma_start3A_503 = tpu.memref_slice %arg16[%dma_start3A_498, %dma_start3A_501, %dma_start3A_502] : memref<3x128x128xf32, #tpu.memory_space<vmem>> -> memref<1x128x128xf32, #tpu.memory_space<vmem>>
    %dma_start3A_504 = tpu.memref_squeeze %dma_start3A_503 : memref<1x128x128xf32, #tpu.memory_space<vmem>> -> memref<128x128xf32, #tpu.memory_space<vmem>>
    %dma_start3A_505 = arith.constant 0 : i32
    %dma_start3A_506 = arith.constant 0 : i32
    %dma_start3A_507 = tpu.memref_slice %dma_start3A_504[%dma_start3A_505, %dma_start3A_506] : memref<128x128xf32, #tpu.memory_space<vmem>> -> memref<128x128xf32, #tpu.memory_space<vmem>>
    %dma_start3A_508 = arith.constant 0 : i32
    %dma_start3A_509 = tpu.memref_slice %arg14[%dma_start3A_497, %dma_start3A_508] : memref<4x128xi32, #tpu.memory_space<vmem>> -> memref<1x128xi32, #tpu.memory_space<vmem>>
    %dma_start3A_510 = tpu.memref_squeeze %dma_start3A_509 : memref<1x128xi32, #tpu.memory_space<vmem>> -> memref<128xi32, #tpu.memory_space<vmem>>
    %dma_start3A_511 = arith.constant 0 : i32
    %dma_start3A_512 = tpu.memref_slice %dma_start3A_510[%dma_start3A_511] : memref<128xi32, #tpu.memory_space<vmem>> -> memref<128xi32, #tpu.memory_space<vmem>>
    %dma_start3A_513 = arith.constant 0 : i32
    %dma_start3A_514 = arith.constant 0 : i32
    %dma_start3A_515 = tpu.memref_slice %arg7[%dma_start3A_513, %dma_start3A_514] : memref<1000001x128xf32, #tpu.memory_space<hbm>> -> memref<1000001x128xf32, #tpu.memory_space<hbm>>
    %dma_start3A_516 = tpu.memref_slice %arg20[%dma_start3A_499, %dma_start3A_500] : memref<3x4x!tpu.dma_semaphore, #tpu.memory_space<semaphore_mem>> -> memref<1x1x!tpu.dma_semaphore, #tpu.memory_space<semaphore_mem>>
    %dma_start3A_517 = tpu.memref_squeeze %dma_start3A_516 : memref<1x1x!tpu.dma_semaphore, #tpu.memory_space<semaphore_mem>> -> memref<!tpu.dma_semaphore, #tpu.memory_space<semaphore_mem>>
    tpu.enqueue_indirect_dma source(%dma_start3A_515 : memref<1000001x128xf32, #tpu.memory_space<hbm>>) target(%dma_start3A_507 : memref<128x128xf32, #tpu.memory_space<vmem>>) offsets(%dma_start3A_512 : memref<128xi32, #tpu.memory_space<vmem>>) semaphore(%dma_start3A_517 : memref<!tpu.dma_semaphore, #tpu.memory_space<semaphore_mem>>)
    %dma_start3A_518 = arith.constant 3 : i32
    %dma_start3A_519 = arith.constant 0 : i32
    %dma_start3A_520 = arith.constant 0 : i32
    %dma_start3A_521 = arith.constant 0 : i32
    %dma_start3A_522 = tpu.memref_slice %arg17[%dma_start3A_519, %dma_start3A_521] : memref<3x128xf32, #tpu.memory_space<vmem>> -> memref<1x128xf32, #tpu.memory_space<vmem>>
    %dma_start3A_523 = tpu.memref_squeeze %dma_start3A_522 : memref<1x128xf32, #tpu.memory_space<vmem>> -> memref<128xf32, #tpu.memory_space<vmem>>
    %dma_start3A_524 = arith.constant 0 : i32
    %dma_start3A_525 = tpu.memref_slice %arg13[%dma_start3A_518, %dma_start3A_524] : memref<4x128xi32, #tpu.memory_space<vmem>> -> memref<1x128xi32, #tpu.memory_space<vmem>>
    %dma_start3A_526 = tpu.memref_squeeze %dma_start3A_525 : memref<1x128xi32, #tpu.memory_space<vmem>> -> memref<128xi32, #tpu.memory_space<vmem>>
    %dma_start3A_527 = arith.constant 0 : i32
    %dma_start3A_528 = tpu.memref_slice %arg4[%dma_start3A_527] : memref<100001xf32, #tpu.memory_space<hbm>> -> memref<100001xf32, #tpu.memory_space<hbm>>
    %dma_start3A_529 = tpu.memref_slice %arg21[%dma_start3A_520] : memref<3x!tpu.dma_semaphore, #tpu.memory_space<semaphore_mem>> -> memref<1x!tpu.dma_semaphore, #tpu.memory_space<semaphore_mem>>
    %dma_start3A_530 = tpu.memref_squeeze %dma_start3A_529 : memref<1x!tpu.dma_semaphore, #tpu.memory_space<semaphore_mem>> -> memref<!tpu.dma_semaphore, #tpu.memory_space<semaphore_mem>>
    tpu.enqueue_indirect_dma source(%dma_start3A_528 : memref<100001xf32, #tpu.memory_space<hbm>>) target(%dma_start3A_523 : memref<128xf32, #tpu.memory_space<vmem>>) offsets(%dma_start3A_526 : memref<128xi32, #tpu.memory_space<vmem>>) semaphore(%dma_start3A_530 : memref<!tpu.dma_semaphore, #tpu.memory_space<semaphore_mem>>)
    %dma_start3A_531 = arith.constant 3 : i32
    %dma_start3A_532 = arith.constant 0 : i32
    %dma_start3A_533 = arith.constant 0 : i32
    %dma_start3A_534 = arith.constant 0 : i32
    %dma_start3A_535 = tpu.memref_slice %arg18[%dma_start3A_532, %dma_start3A_534] : memref<3x128xf32, #tpu.memory_space<vmem>> -> memref<1x128xf32, #tpu.memory_space<vmem>>
    %dma_start3A_536 = tpu.memref_squeeze %dma_start3A_535 : memref<1x128xf32, #tpu.memory_space<vmem>> -> memref<128xf32, #tpu.memory_space<vmem>>
    %dma_start3A_537 = arith.constant 0 : i32
    %dma_start3A_538 = tpu.memref_slice %arg14[%dma_start3A_531, %dma_start3A_537] : memref<4x128xi32, #tpu.memory_space<vmem>> -> memref<1x128xi32, #tpu.memory_space<vmem>>
    %dma_start3A_539 = tpu.memref_squeeze %dma_start3A_538 : memref<1x128xi32, #tpu.memory_space<vmem>> -> memref<128xi32, #tpu.memory_space<vmem>>
    %dma_start3A_540 = arith.constant 0 : i32
    %dma_start3A_541 = tpu.memref_slice %arg5[%dma_start3A_540] : memref<1000001xf32, #tpu.memory_space<hbm>> -> memref<1000001xf32, #tpu.memory_space<hbm>>
    %dma_start3A_542 = tpu.memref_slice %arg21[%dma_start3A_533] : memref<3x!tpu.dma_semaphore, #tpu.memory_space<semaphore_mem>> -> memref<1x!tpu.dma_semaphore, #tpu.memory_space<semaphore_mem>>
    %dma_start3A_543 = tpu.memref_squeeze %dma_start3A_542 : memref<1x!tpu.dma_semaphore, #tpu.memory_space<semaphore_mem>> -> memref<!tpu.dma_semaphore, #tpu.memory_space<semaphore_mem>>
    tpu.enqueue_indirect_dma source(%dma_start3A_541 : memref<1000001xf32, #tpu.memory_space<hbm>>) target(%dma_start3A_536 : memref<128xf32, #tpu.memory_space<vmem>>) offsets(%dma_start3A_539 : memref<128xi32, #tpu.memory_space<vmem>>) semaphore(%dma_start3A_543 : memref<!tpu.dma_semaphore, #tpu.memory_space<semaphore_mem>>)
    %add3A_544 = arith.constant 128 : i32
    %add3A_545 = arith.addi %mul3A_2, %add3A_544 : i32
    %dma_wait3A_546 = arith.constant 1 : i32
    %dma_wait3A_547 = arith.constant 1 : i32
    %dma_wait3A_548 = arith.constant 1 : i32
    %dma_wait3A_549 = arith.constant 0 : i32
    %dma_wait3A_550 = arith.constant 0 : i32
    %dma_wait3A_551 = arith.constant 0 : i32
    %dma_wait3A_552 = tpu.memref_slice %arg15[%dma_wait3A_547, %dma_wait3A_550, %dma_wait3A_551] : memref<3x128x128xf32, #tpu.memory_space<vmem>> -> memref<1x128x128xf32, #tpu.memory_space<vmem>>
    %dma_wait3A_553 = tpu.memref_squeeze %dma_wait3A_552 : memref<1x128x128xf32, #tpu.memory_space<vmem>> -> memref<128x128xf32, #tpu.memory_space<vmem>>
    %dma_wait3A_554 = arith.constant 0 : i32
    %dma_wait3A_555 = arith.constant 0 : i32
    %dma_wait3A_556 = tpu.memref_slice %dma_wait3A_553[%dma_wait3A_554, %dma_wait3A_555] : memref<128x128xf32, #tpu.memory_space<vmem>> -> memref<128x128xf32, #tpu.memory_space<vmem>>
    %dma_wait3A_557 = arith.constant 0 : i32
    %dma_wait3A_558 = tpu.memref_slice %arg13[%dma_wait3A_546, %dma_wait3A_557] : memref<4x128xi32, #tpu.memory_space<vmem>> -> memref<1x128xi32, #tpu.memory_space<vmem>>
    %dma_wait3A_559 = tpu.memref_squeeze %dma_wait3A_558 : memref<1x128xi32, #tpu.memory_space<vmem>> -> memref<128xi32, #tpu.memory_space<vmem>>
    %dma_wait3A_560 = arith.constant 0 : i32
    %dma_wait3A_561 = tpu.memref_slice %dma_wait3A_559[%dma_wait3A_560] : memref<128xi32, #tpu.memory_space<vmem>> -> memref<128xi32, #tpu.memory_space<vmem>>
    %dma_wait3A_562 = arith.constant 0 : i32
    %dma_wait3A_563 = arith.constant 0 : i32
    %dma_wait3A_564 = tpu.memref_slice %arg6[%dma_wait3A_562, %dma_wait3A_563] : memref<100001x128xf32, #tpu.memory_space<hbm>> -> memref<100001x128xf32, #tpu.memory_space<hbm>>
    %dma_wait3A_565 = tpu.memref_slice %arg20[%dma_wait3A_548, %dma_wait3A_549] : memref<3x4x!tpu.dma_semaphore, #tpu.memory_space<semaphore_mem>> -> memref<1x1x!tpu.dma_semaphore, #tpu.memory_space<semaphore_mem>>
    %dma_wait3A_566 = tpu.memref_squeeze %dma_wait3A_565 : memref<1x1x!tpu.dma_semaphore, #tpu.memory_space<semaphore_mem>> -> memref<!tpu.dma_semaphore, #tpu.memory_space<semaphore_mem>>
    tpu.wait_indirect_dma semaphore(%dma_wait3A_566 : memref<!tpu.dma_semaphore, #tpu.memory_space<semaphore_mem>>) src(%dma_wait3A_564 : memref<100001x128xf32, #tpu.memory_space<hbm>>) dst(%dma_wait3A_556 : memref<128x128xf32, #tpu.memory_space<vmem>>)
    %dma_wait3A_567 = arith.constant 1 : i32
    %dma_wait3A_568 = arith.constant 1 : i32
    %dma_wait3A_569 = arith.constant 1 : i32
    %dma_wait3A_570 = arith.constant 0 : i32
    %dma_wait3A_571 = arith.constant 0 : i32
    %dma_wait3A_572 = arith.constant 0 : i32
    %dma_wait3A_573 = tpu.memref_slice %arg16[%dma_wait3A_568, %dma_wait3A_571, %dma_wait3A_572] : memref<3x128x128xf32, #tpu.memory_space<vmem>> -> memref<1x128x128xf32, #tpu.memory_space<vmem>>
    %dma_wait3A_574 = tpu.memref_squeeze %dma_wait3A_573 : memref<1x128x128xf32, #tpu.memory_space<vmem>> -> memref<128x128xf32, #tpu.memory_space<vmem>>
    %dma_wait3A_575 = arith.constant 0 : i32
    %dma_wait3A_576 = arith.constant 0 : i32
    %dma_wait3A_577 = tpu.memref_slice %dma_wait3A_574[%dma_wait3A_575, %dma_wait3A_576] : memref<128x128xf32, #tpu.memory_space<vmem>> -> memref<128x128xf32, #tpu.memory_space<vmem>>
    %dma_wait3A_578 = arith.constant 0 : i32
    %dma_wait3A_579 = tpu.memref_slice %arg14[%dma_wait3A_567, %dma_wait3A_578] : memref<4x128xi32, #tpu.memory_space<vmem>> -> memref<1x128xi32, #tpu.memory_space<vmem>>
    %dma_wait3A_580 = tpu.memref_squeeze %dma_wait3A_579 : memref<1x128xi32, #tpu.memory_space<vmem>> -> memref<128xi32, #tpu.memory_space<vmem>>
    %dma_wait3A_581 = arith.constant 0 : i32
    %dma_wait3A_582 = tpu.memref_slice %dma_wait3A_580[%dma_wait3A_581] : memref<128xi32, #tpu.memory_space<vmem>> -> memref<128xi32, #tpu.memory_space<vmem>>
    %dma_wait3A_583 = arith.constant 0 : i32
    %dma_wait3A_584 = arith.constant 0 : i32
    %dma_wait3A_585 = tpu.memref_slice %arg7[%dma_wait3A_583, %dma_wait3A_584] : memref<1000001x128xf32, #tpu.memory_space<hbm>> -> memref<1000001x128xf32, #tpu.memory_space<hbm>>
    %dma_wait3A_586 = tpu.memref_slice %arg20[%dma_wait3A_569, %dma_wait3A_570] : memref<3x4x!tpu.dma_semaphore, #tpu.memory_space<semaphore_mem>> -> memref<1x1x!tpu.dma_semaphore, #tpu.memory_space<semaphore_mem>>
    %dma_wait3A_587 = tpu.memref_squeeze %dma_wait3A_586 : memref<1x1x!tpu.dma_semaphore, #tpu.memory_space<semaphore_mem>> -> memref<!tpu.dma_semaphore, #tpu.memory_space<semaphore_mem>>
    tpu.wait_indirect_dma semaphore(%dma_wait3A_587 : memref<!tpu.dma_semaphore, #tpu.memory_space<semaphore_mem>>) src(%dma_wait3A_585 : memref<1000001x128xf32, #tpu.memory_space<hbm>>) dst(%dma_wait3A_577 : memref<128x128xf32, #tpu.memory_space<vmem>>)
    %add3A_588 = arith.constant 0 : i32
    %add3A_589 = arith.addi %add3A_545, %add3A_588 : i32
    %dma_start3A_590 = arith.constant 1 : i32
    %dma_start3A_591 = arith.constant 1 : i32
    %dma_start3A_592 = arith.constant 0 : i32
    %dma_start3A_593 = arith.constant 0 : i32
    %dma_start3A_594 = tpu.memref_slice %arg15[%dma_start3A_590, %dma_start3A_592, %dma_start3A_593] : memref<3x128x128xf32, #tpu.memory_space<vmem>> -> memref<1x128x128xf32, #tpu.memory_space<vmem>>
    %dma_start3A_595 = tpu.memref_squeeze %dma_start3A_594 : memref<1x128x128xf32, #tpu.memory_space<vmem>> -> memref<128x128xf32, #tpu.memory_space<vmem>>
    %dma_start3A_596 = arith.constant 0 : i32
    %dma_start3A_597 = arith.constant 0 : i32
    %dma_start3A_598 = tpu.memref_slice %dma_start3A_595[%dma_start3A_596, %dma_start3A_597] : memref<128x128xf32, #tpu.memory_space<vmem>> -> memref<128x128xf32, #tpu.memory_space<vmem>>
    %dma_start3A_599 = arith.constant 0 : i32
    %dma_start3A_600 = tpu.memref_slice %arg11[%add3A_589, %dma_start3A_599] : memref<16384x128xf32, #tpu.memory_space<hbm>> -> memref<128x128xf32, #tpu.memory_space<hbm>>
    %dma_start3A_601 = tpu.memref_slice %arg22[%dma_start3A_591] : memref<3x!tpu.dma_semaphore, #tpu.memory_space<semaphore_mem>> -> memref<1x!tpu.dma_semaphore, #tpu.memory_space<semaphore_mem>>
    %dma_start3A_602 = tpu.memref_squeeze %dma_start3A_601 : memref<1x!tpu.dma_semaphore, #tpu.memory_space<semaphore_mem>> -> memref<!tpu.dma_semaphore, #tpu.memory_space<semaphore_mem>>
    %dma_start3A_603 = arith.constant 0 : i32
    %dma_start3A_604 = tpu.memref_slice %arg11[%add3A_589, %dma_start3A_603] : memref<16384x128xf32, #tpu.memory_space<hbm>> -> memref<128x128xf32, #tpu.memory_space<hbm>>
    %dma_start3A_605 = arith.constant 0 : i32
    %dma_start3A_606 = arith.constant 0 : i32
    %dma_start3A_607 = tpu.memref_slice %arg15[%dma_start3A_590, %dma_start3A_605, %dma_start3A_606] : memref<3x128x128xf32, #tpu.memory_space<vmem>> -> memref<1x128x128xf32, #tpu.memory_space<vmem>>
    %dma_start3A_608 = tpu.memref_squeeze %dma_start3A_607 : memref<1x128x128xf32, #tpu.memory_space<vmem>> -> memref<128x128xf32, #tpu.memory_space<vmem>>
    %dma_start3A_609 = arith.constant 0 : i32
    %dma_start3A_610 = arith.constant 0 : i32
    %dma_start3A_611 = tpu.memref_slice %dma_start3A_608[%dma_start3A_609, %dma_start3A_610] : memref<128x128xf32, #tpu.memory_space<vmem>> -> memref<128x128xf32, #tpu.memory_space<vmem>>
    tpu.enqueue_dma source(%dma_start3A_611 : memref<128x128xf32, #tpu.memory_space<vmem>>) target(%dma_start3A_604 : memref<128x128xf32, #tpu.memory_space<hbm>>) target_semaphore(%dma_start3A_602 : memref<!tpu.dma_semaphore, #tpu.memory_space<semaphore_mem>>)
    %add3A_612 = arith.constant 0 : i32
    %add3A_613 = arith.addi %add3A_545, %add3A_612 : i32
    %dma_start3A_614 = arith.constant 1 : i32
    %dma_start3A_615 = arith.constant 1 : i32
    %dma_start3A_616 = arith.constant 0 : i32
    %dma_start3A_617 = arith.constant 0 : i32
    %dma_start3A_618 = tpu.memref_slice %arg16[%dma_start3A_614, %dma_start3A_616, %dma_start3A_617] : memref<3x128x128xf32, #tpu.memory_space<vmem>> -> memref<1x128x128xf32, #tpu.memory_space<vmem>>
    %dma_start3A_619 = tpu.memref_squeeze %dma_start3A_618 : memref<1x128x128xf32, #tpu.memory_space<vmem>> -> memref<128x128xf32, #tpu.memory_space<vmem>>
    %dma_start3A_620 = arith.constant 0 : i32
    %dma_start3A_621 = arith.constant 0 : i32
    %dma_start3A_622 = tpu.memref_slice %dma_start3A_619[%dma_start3A_620, %dma_start3A_621] : memref<128x128xf32, #tpu.memory_space<vmem>> -> memref<128x128xf32, #tpu.memory_space<vmem>>
    %dma_start3A_623 = arith.constant 0 : i32
    %dma_start3A_624 = tpu.memref_slice %arg12[%add3A_613, %dma_start3A_623] : memref<16384x128xf32, #tpu.memory_space<hbm>> -> memref<128x128xf32, #tpu.memory_space<hbm>>
    %dma_start3A_625 = tpu.memref_slice %arg22[%dma_start3A_615] : memref<3x!tpu.dma_semaphore, #tpu.memory_space<semaphore_mem>> -> memref<1x!tpu.dma_semaphore, #tpu.memory_space<semaphore_mem>>
    %dma_start3A_626 = tpu.memref_squeeze %dma_start3A_625 : memref<1x!tpu.dma_semaphore, #tpu.memory_space<semaphore_mem>> -> memref<!tpu.dma_semaphore, #tpu.memory_space<semaphore_mem>>
    %dma_start3A_627 = arith.constant 0 : i32
    %dma_start3A_628 = tpu.memref_slice %arg12[%add3A_613, %dma_start3A_627] : memref<16384x128xf32, #tpu.memory_space<hbm>> -> memref<128x128xf32, #tpu.memory_space<hbm>>
    %dma_start3A_629 = arith.constant 0 : i32
    %dma_start3A_630 = arith.constant 0 : i32
    %dma_start3A_631 = tpu.memref_slice %arg16[%dma_start3A_614, %dma_start3A_629, %dma_start3A_630] : memref<3x128x128xf32, #tpu.memory_space<vmem>> -> memref<1x128x128xf32, #tpu.memory_space<vmem>>
    %dma_start3A_632 = tpu.memref_squeeze %dma_start3A_631 : memref<1x128x128xf32, #tpu.memory_space<vmem>> -> memref<128x128xf32, #tpu.memory_space<vmem>>
    %dma_start3A_633 = arith.constant 0 : i32
    %dma_start3A_634 = arith.constant 0 : i32
    %dma_start3A_635 = tpu.memref_slice %dma_start3A_632[%dma_start3A_633, %dma_start3A_634] : memref<128x128xf32, #tpu.memory_space<vmem>> -> memref<128x128xf32, #tpu.memory_space<vmem>>
    tpu.enqueue_dma source(%dma_start3A_635 : memref<128x128xf32, #tpu.memory_space<vmem>>) target(%dma_start3A_628 : memref<128x128xf32, #tpu.memory_space<hbm>>) target_semaphore(%dma_start3A_626 : memref<!tpu.dma_semaphore, #tpu.memory_space<semaphore_mem>>)
    %dma_wait3A_636 = arith.constant 1 : i32
    %dma_wait3A_637 = arith.constant 1 : i32
    %dma_wait3A_638 = arith.constant 1 : i32
    %dma_wait3A_639 = arith.constant 0 : i32
    %dma_wait3A_640 = tpu.memref_slice %arg17[%dma_wait3A_637, %dma_wait3A_639] : memref<3x128xf32, #tpu.memory_space<vmem>> -> memref<1x128xf32, #tpu.memory_space<vmem>>
    %dma_wait3A_641 = tpu.memref_squeeze %dma_wait3A_640 : memref<1x128xf32, #tpu.memory_space<vmem>> -> memref<128xf32, #tpu.memory_space<vmem>>
    %dma_wait3A_642 = arith.constant 0 : i32
    %dma_wait3A_643 = tpu.memref_slice %arg13[%dma_wait3A_636, %dma_wait3A_642] : memref<4x128xi32, #tpu.memory_space<vmem>> -> memref<1x128xi32, #tpu.memory_space<vmem>>
    %dma_wait3A_644 = tpu.memref_squeeze %dma_wait3A_643 : memref<1x128xi32, #tpu.memory_space<vmem>> -> memref<128xi32, #tpu.memory_space<vmem>>
    %dma_wait3A_645 = arith.constant 0 : i32
    %dma_wait3A_646 = tpu.memref_slice %arg4[%dma_wait3A_645] : memref<100001xf32, #tpu.memory_space<hbm>> -> memref<100001xf32, #tpu.memory_space<hbm>>
    %dma_wait3A_647 = tpu.memref_slice %arg21[%dma_wait3A_638] : memref<3x!tpu.dma_semaphore, #tpu.memory_space<semaphore_mem>> -> memref<1x!tpu.dma_semaphore, #tpu.memory_space<semaphore_mem>>
    %dma_wait3A_648 = tpu.memref_squeeze %dma_wait3A_647 : memref<1x!tpu.dma_semaphore, #tpu.memory_space<semaphore_mem>> -> memref<!tpu.dma_semaphore, #tpu.memory_space<semaphore_mem>>
    tpu.wait_indirect_dma semaphore(%dma_wait3A_648 : memref<!tpu.dma_semaphore, #tpu.memory_space<semaphore_mem>>) src(%dma_wait3A_646 : memref<100001xf32, #tpu.memory_space<hbm>>) dst(%dma_wait3A_641 : memref<128xf32, #tpu.memory_space<vmem>>)
    %dma_wait3A_649 = arith.constant 1 : i32
    %dma_wait3A_650 = arith.constant 1 : i32
    %dma_wait3A_651 = arith.constant 1 : i32
    %dma_wait3A_652 = arith.constant 0 : i32
    %dma_wait3A_653 = tpu.memref_slice %arg18[%dma_wait3A_650, %dma_wait3A_652] : memref<3x128xf32, #tpu.memory_space<vmem>> -> memref<1x128xf32, #tpu.memory_space<vmem>>
    %dma_wait3A_654 = tpu.memref_squeeze %dma_wait3A_653 : memref<1x128xf32, #tpu.memory_space<vmem>> -> memref<128xf32, #tpu.memory_space<vmem>>
    %dma_wait3A_655 = arith.constant 0 : i32
    %dma_wait3A_656 = tpu.memref_slice %arg14[%dma_wait3A_649, %dma_wait3A_655] : memref<4x128xi32, #tpu.memory_space<vmem>> -> memref<1x128xi32, #tpu.memory_space<vmem>>
    %dma_wait3A_657 = tpu.memref_squeeze %dma_wait3A_656 : memref<1x128xi32, #tpu.memory_space<vmem>> -> memref<128xi32, #tpu.memory_space<vmem>>
    %dma_wait3A_658 = arith.constant 0 : i32
    %dma_wait3A_659 = tpu.memref_slice %arg5[%dma_wait3A_658] : memref<1000001xf32, #tpu.memory_space<hbm>> -> memref<1000001xf32, #tpu.memory_space<hbm>>
    %dma_wait3A_660 = tpu.memref_slice %arg21[%dma_wait3A_651] : memref<3x!tpu.dma_semaphore, #tpu.memory_space<semaphore_mem>> -> memref<1x!tpu.dma_semaphore, #tpu.memory_space<semaphore_mem>>
    %dma_wait3A_661 = tpu.memref_squeeze %dma_wait3A_660 : memref<1x!tpu.dma_semaphore, #tpu.memory_space<semaphore_mem>> -> memref<!tpu.dma_semaphore, #tpu.memory_space<semaphore_mem>>
    tpu.wait_indirect_dma semaphore(%dma_wait3A_661 : memref<!tpu.dma_semaphore, #tpu.memory_space<semaphore_mem>>) src(%dma_wait3A_659 : memref<1000001xf32, #tpu.memory_space<hbm>>) dst(%dma_wait3A_654 : memref<128xf32, #tpu.memory_space<vmem>>)
    %dma_start3A_662 = arith.constant 1 : i32
    %dma_start3A_663 = arith.constant 1 : i32
    %dma_start3A_664 = arith.constant 0 : i32
    %dma_start3A_665 = tpu.memref_slice %arg17[%dma_start3A_662, %dma_start3A_664] : memref<3x128xf32, #tpu.memory_space<vmem>> -> memref<1x128xf32, #tpu.memory_space<vmem>>
    %dma_start3A_666 = tpu.memref_squeeze %dma_start3A_665 : memref<1x128xf32, #tpu.memory_space<vmem>> -> memref<128xf32, #tpu.memory_space<vmem>>
    %dma_start3A_667 = tpu.memref_slice %arg9[%add3A_545] : memref<16384xf32, #tpu.memory_space<hbm>> -> memref<128xf32, #tpu.memory_space<hbm>>
    %dma_start3A_668 = tpu.memref_slice %arg22[%dma_start3A_663] : memref<3x!tpu.dma_semaphore, #tpu.memory_space<semaphore_mem>> -> memref<1x!tpu.dma_semaphore, #tpu.memory_space<semaphore_mem>>
    %dma_start3A_669 = tpu.memref_squeeze %dma_start3A_668 : memref<1x!tpu.dma_semaphore, #tpu.memory_space<semaphore_mem>> -> memref<!tpu.dma_semaphore, #tpu.memory_space<semaphore_mem>>
    %dma_start3A_670 = tpu.memref_slice %arg9[%add3A_545] : memref<16384xf32, #tpu.memory_space<hbm>> -> memref<128xf32, #tpu.memory_space<hbm>>
    %dma_start3A_671 = arith.constant 0 : i32
    %dma_start3A_672 = tpu.memref_slice %arg17[%dma_start3A_662, %dma_start3A_671] : memref<3x128xf32, #tpu.memory_space<vmem>> -> memref<1x128xf32, #tpu.memory_space<vmem>>
    %dma_start3A_673 = tpu.memref_squeeze %dma_start3A_672 : memref<1x128xf32, #tpu.memory_space<vmem>> -> memref<128xf32, #tpu.memory_space<vmem>>
    tpu.enqueue_dma source(%dma_start3A_673 : memref<128xf32, #tpu.memory_space<vmem>>) target(%dma_start3A_670 : memref<128xf32, #tpu.memory_space<hbm>>) target_semaphore(%dma_start3A_669 : memref<!tpu.dma_semaphore, #tpu.memory_space<semaphore_mem>>)
    %dma_start3A_674 = arith.constant 1 : i32
    %dma_start3A_675 = arith.constant 1 : i32
    %dma_start3A_676 = arith.constant 0 : i32
    %dma_start3A_677 = tpu.memref_slice %arg18[%dma_start3A_674, %dma_start3A_676] : memref<3x128xf32, #tpu.memory_space<vmem>> -> memref<1x128xf32, #tpu.memory_space<vmem>>
    %dma_start3A_678 = tpu.memref_squeeze %dma_start3A_677 : memref<1x128xf32, #tpu.memory_space<vmem>> -> memref<128xf32, #tpu.memory_space<vmem>>
    %dma_start3A_679 = tpu.memref_slice %arg10[%add3A_545] : memref<16384xf32, #tpu.memory_space<hbm>> -> memref<128xf32, #tpu.memory_space<hbm>>
    %dma_start3A_680 = tpu.memref_slice %arg22[%dma_start3A_675] : memref<3x!tpu.dma_semaphore, #tpu.memory_space<semaphore_mem>> -> memref<1x!tpu.dma_semaphore, #tpu.memory_space<semaphore_mem>>
    %dma_start3A_681 = tpu.memref_squeeze %dma_start3A_680 : memref<1x!tpu.dma_semaphore, #tpu.memory_space<semaphore_mem>> -> memref<!tpu.dma_semaphore, #tpu.memory_space<semaphore_mem>>
    %dma_start3A_682 = tpu.memref_slice %arg10[%add3A_545] : memref<16384xf32, #tpu.memory_space<hbm>> -> memref<128xf32, #tpu.memory_space<hbm>>
    %dma_start3A_683 = arith.constant 0 : i32
    %dma_start3A_684 = tpu.memref_slice %arg18[%dma_start3A_674, %dma_start3A_683] : memref<3x128xf32, #tpu.memory_space<vmem>> -> memref<1x128xf32, #tpu.memory_space<vmem>>
    %dma_start3A_685 = tpu.memref_squeeze %dma_start3A_684 : memref<1x128xf32, #tpu.memory_space<vmem>> -> memref<128xf32, #tpu.memory_space<vmem>>
    tpu.enqueue_dma source(%dma_start3A_685 : memref<128xf32, #tpu.memory_space<vmem>>) target(%dma_start3A_682 : memref<128xf32, #tpu.memory_space<hbm>>) target_semaphore(%dma_start3A_681 : memref<!tpu.dma_semaphore, #tpu.memory_space<semaphore_mem>>)
    %scan3A_686 = arith.constant 0 : i32
    %scan3A_687 = arith.constant 0 : i32
    %scan3A_688 = arith.constant 8 : i32
    %scan3A_689 = arith.addi %scan3A_687, %scan3A_688 : i32
    %scan3A_690 = arith.constant 1 : i32
    scf.for %scan3A_1264 = %scan3A_687 to %scan3A_689 step %scan3A_690  : i32 {
      %broadcast_in_dim3A = arith.constant 0.000000e+00 : f32
      %broadcast_in_dim3A_1265 = vector.broadcast %broadcast_in_dim3A : f32 to vector<16xf32>
      %scan3A_1266 = arith.constant 0 : i32
      %scan3A_1267 = arith.constant 16 : i32
      %scan3A_1268 = arith.addi %scan3A_1266, %scan3A_1267 : i32
      %scan3A_1269 = arith.constant 1 : i32
      %scan3A_1270 = scf.for %scan3A_1293 = %scan3A_1266 to %scan3A_1268 step %scan3A_1269 iter_args(%scan3A_1294 = %broadcast_in_dim3A_1265) -> (vector<16xf32>)  : i32 {
        %mul3A_1295 = arith.constant 16 : i32
        %mul3A_1296 = arith.muli %scan3A_1264, %mul3A_1295 : i32
        %add3A_1297 = arith.addi %mul3A_1296, %scan3A_1293 : i32
        %get3A_1298 = arith.constant 1 : i32
        %get3A_1299 = arith.index_cast %get3A_1298 : i32 to index
        %get3A_1300 = arith.index_cast %add3A_1297 : i32 to index
        %get3A_1301 = arith.constant 0 : index
        %get3A_1302 = tpu.vector_load %arg15[%get3A_1299, %get3A_1300, %get3A_1301] {strides = array<i32>} : memref<3x128x128xf32, #tpu.memory_space<vmem>>, vector<1x1x16xf32>,
        %get3A_1303 = vector.shape_cast %get3A_1302 : vector<1x1x16xf32> to vector<16xf32>
        %get3A_1304 = arith.constant 1 : i32
        %get3A_1305 = arith.index_cast %get3A_1304 : i32 to index
        %get3A_1306 = arith.index_cast %add3A_1297 : i32 to index
        %get3A_1307 = arith.constant 0 : index
        %get3A_1308 = tpu.vector_load %arg16[%get3A_1305, %get3A_1306, %get3A_1307] {strides = array<i32>} : memref<3x128x128xf32, #tpu.memory_space<vmem>>, vector<1x1x16xf32>,
        %get3A_1309 = vector.shape_cast %get3A_1308 : vector<1x1x16xf32> to vector<16xf32>
        %mul3A_1310 = arith.mulf %get3A_1303, %get3A_1309 : vector<16xf32>
        %get3A_1311 = arith.constant 1 : i32
        %get3A_1312 = arith.index_cast %get3A_1311 : i32 to index
        %get3A_1313 = arith.index_cast %add3A_1297 : i32 to index
        %get3A_1314 = arith.constant 16 : index
        %get3A_1315 = tpu.vector_load %arg15[%get3A_1312, %get3A_1313, %get3A_1314] {strides = array<i32>} : memref<3x128x128xf32, #tpu.memory_space<vmem>>, vector<1x1x16xf32>,
        %get3A_1316 = vector.shape_cast %get3A_1315 : vector<1x1x16xf32> to vector<16xf32>
        %get3A_1317 = arith.constant 1 : i32
        %get3A_1318 = arith.index_cast %get3A_1317 : i32 to index
        %get3A_1319 = arith.index_cast %add3A_1297 : i32 to index
        %get3A_1320 = arith.constant 16 : index
        %get3A_1321 = tpu.vector_load %arg16[%get3A_1318, %get3A_1319, %get3A_1320] {strides = array<i32>} : memref<3x128x128xf32, #tpu.memory_space<vmem>>, vector<1x1x16xf32>,
        %get3A_1322 = vector.shape_cast %get3A_1321 : vector<1x1x16xf32> to vector<16xf32>
        %mul3A_1323 = arith.mulf %get3A_1316, %get3A_1322 : vector<16xf32>
        %get3A_1324 = arith.constant 1 : i32
        %get3A_1325 = arith.index_cast %get3A_1324 : i32 to index
        %get3A_1326 = arith.index_cast %add3A_1297 : i32 to index
        %get3A_1327 = arith.constant 32 : index
        %get3A_1328 = tpu.vector_load %arg15[%get3A_1325, %get3A_1326, %get3A_1327] {strides = array<i32>} : memref<3x128x128xf32, #tpu.memory_space<vmem>>, vector<1x1x16xf32>,
        %get3A_1329 = vector.shape_cast %get3A_1328 : vector<1x1x16xf32> to vector<16xf32>
        %get3A_1330 = arith.constant 1 : i32
        %get3A_1331 = arith.index_cast %get3A_1330 : i32 to index
        %get3A_1332 = arith.index_cast %add3A_1297 : i32 to index
        %get3A_1333 = arith.constant 32 : index
        %get3A_1334 = tpu.vector_load %arg16[%get3A_1331, %get3A_1332, %get3A_1333] {strides = array<i32>} : memref<3x128x128xf32, #tpu.memory_space<vmem>>, vector<1x1x16xf32>,
        %get3A_1335 = vector.shape_cast %get3A_1334 : vector<1x1x16xf32> to vector<16xf32>
        %mul3A_1336 = arith.mulf %get3A_1329, %get3A_1335 : vector<16xf32>
        %get3A_1337 = arith.constant 1 : i32
        %get3A_1338 = arith.index_cast %get3A_1337 : i32 to index
        %get3A_1339 = arith.index_cast %add3A_1297 : i32 to index
        %get3A_1340 = arith.constant 48 : index
        %get3A_1341 = tpu.vector_load %arg15[%get3A_1338, %get3A_1339, %get3A_1340] {strides = array<i32>} : memref<3x128x128xf32, #tpu.memory_space<vmem>>, vector<1x1x16xf32>,
        %get3A_1342 = vector.shape_cast %get3A_1341 : vector<1x1x16xf32> to vector<16xf32>
        %get3A_1343 = arith.constant 1 : i32
        %get3A_1344 = arith.index_cast %get3A_1343 : i32 to index
        %get3A_1345 = arith.index_cast %add3A_1297 : i32 to index
        %get3A_1346 = arith.constant 48 : index
        %get3A_1347 = tpu.vector_load %arg16[%get3A_1344, %get3A_1345, %get3A_1346] {strides = array<i32>} : memref<3x128x128xf32, #tpu.memory_space<vmem>>, vector<1x1x16xf32>,
        %get3A_1348 = vector.shape_cast %get3A_1347 : vector<1x1x16xf32> to vector<16xf32>
        %mul3A_1349 = arith.mulf %get3A_1342, %get3A_1348 : vector<16xf32>
        %get3A_1350 = arith.constant 1 : i32
        %get3A_1351 = arith.index_cast %get3A_1350 : i32 to index
        %get3A_1352 = arith.index_cast %add3A_1297 : i32 to index
        %get3A_1353 = arith.constant 64 : index
        %get3A_1354 = tpu.vector_load %arg15[%get3A_1351, %get3A_1352, %get3A_1353] {strides = array<i32>} : memref<3x128x128xf32, #tpu.memory_space<vmem>>, vector<1x1x16xf32>,
        %get3A_1355 = vector.shape_cast %get3A_1354 : vector<1x1x16xf32> to vector<16xf32>
        %get3A_1356 = arith.constant 1 : i32
        %get3A_1357 = arith.index_cast %get3A_1356 : i32 to index
        %get3A_1358 = arith.index_cast %add3A_1297 : i32 to index
        %get3A_1359 = arith.constant 64 : index
        %get3A_1360 = tpu.vector_load %arg16[%get3A_1357, %get3A_1358, %get3A_1359] {strides = array<i32>} : memref<3x128x128xf32, #tpu.memory_space<vmem>>, vector<1x1x16xf32>,
        %get3A_1361 = vector.shape_cast %get3A_1360 : vector<1x1x16xf32> to vector<16xf32>
        %mul3A_1362 = arith.mulf %get3A_1355, %get3A_1361 : vector<16xf32>
        %get3A_1363 = arith.constant 1 : i32
        %get3A_1364 = arith.index_cast %get3A_1363 : i32 to index
        %get3A_1365 = arith.index_cast %add3A_1297 : i32 to index
        %get3A_1366 = arith.constant 80 : index
        %get3A_1367 = tpu.vector_load %arg15[%get3A_1364, %get3A_1365, %get3A_1366] {strides = array<i32>} : memref<3x128x128xf32, #tpu.memory_space<vmem>>, vector<1x1x16xf32>,
        %get3A_1368 = vector.shape_cast %get3A_1367 : vector<1x1x16xf32> to vector<16xf32>
        %get3A_1369 = arith.constant 1 : i32
        %get3A_1370 = arith.index_cast %get3A_1369 : i32 to index
        %get3A_1371 = arith.index_cast %add3A_1297 : i32 to index
        %get3A_1372 = arith.constant 80 : index
        %get3A_1373 = tpu.vector_load %arg16[%get3A_1370, %get3A_1371, %get3A_1372] {strides = array<i32>} : memref<3x128x128xf32, #tpu.memory_space<vmem>>, vector<1x1x16xf32>,
        %get3A_1374 = vector.shape_cast %get3A_1373 : vector<1x1x16xf32> to vector<16xf32>
        %mul3A_1375 = arith.mulf %get3A_1368, %get3A_1374 : vector<16xf32>
        %get3A_1376 = arith.constant 1 : i32
        %get3A_1377 = arith.index_cast %get3A_1376 : i32 to index
        %get3A_1378 = arith.index_cast %add3A_1297 : i32 to index
        %get3A_1379 = arith.constant 96 : index
        %get3A_1380 = tpu.vector_load %arg15[%get3A_1377, %get3A_1378, %get3A_1379] {strides = array<i32>} : memref<3x128x128xf32, #tpu.memory_space<vmem>>, vector<1x1x16xf32>,
        %get3A_1381 = vector.shape_cast %get3A_1380 : vector<1x1x16xf32> to vector<16xf32>
        %get3A_1382 = arith.constant 1 : i32
        %get3A_1383 = arith.index_cast %get3A_1382 : i32 to index
        %get3A_1384 = arith.index_cast %add3A_1297 : i32 to index
        %get3A_1385 = arith.constant 96 : index
        %get3A_1386 = tpu.vector_load %arg16[%get3A_1383, %get3A_1384, %get3A_1385] {strides = array<i32>} : memref<3x128x128xf32, #tpu.memory_space<vmem>>, vector<1x1x16xf32>,
        %get3A_1387 = vector.shape_cast %get3A_1386 : vector<1x1x16xf32> to vector<16xf32>
        %mul3A_1388 = arith.mulf %get3A_1381, %get3A_1387 : vector<16xf32>
        %get3A_1389 = arith.constant 1 : i32
        %get3A_1390 = arith.index_cast %get3A_1389 : i32 to index
        %get3A_1391 = arith.index_cast %add3A_1297 : i32 to index
        %get3A_1392 = arith.constant 112 : index
        %get3A_1393 = tpu.vector_load %arg15[%get3A_1390, %get3A_1391, %get3A_1392] {strides = array<i32>} : memref<3x128x128xf32, #tpu.memory_space<vmem>>, vector<1x1x16xf32>,
        %get3A_1394 = vector.shape_cast %get3A_1393 : vector<1x1x16xf32> to vector<16xf32>
        %get3A_1395 = arith.constant 1 : i32
        %get3A_1396 = arith.index_cast %get3A_1395 : i32 to index
        %get3A_1397 = arith.index_cast %add3A_1297 : i32 to index
        %get3A_1398 = arith.constant 112 : index
        %get3A_1399 = tpu.vector_load %arg16[%get3A_1396, %get3A_1397, %get3A_1398] {strides = array<i32>} : memref<3x128x128xf32, #tpu.memory_space<vmem>>, vector<1x1x16xf32>,
        %get3A_1400 = vector.shape_cast %get3A_1399 : vector<1x1x16xf32> to vector<16xf32>
        %mul3A_1401 = arith.mulf %get3A_1394, %get3A_1400 : vector<16xf32>
        %add3A_1402 = arith.addf %mul3A_1310, %mul3A_1323 : vector<16xf32>
        %add3A_1403 = arith.addf %mul3A_1336, %mul3A_1349 : vector<16xf32>
        %add3A_1404 = arith.addf %add3A_1402, %add3A_1403 : vector<16xf32>
        %add3A_1405 = arith.addf %mul3A_1362, %mul3A_1375 : vector<16xf32>
        %add3A_1406 = arith.addf %mul3A_1388, %mul3A_1401 : vector<16xf32>
        %add3A_1407 = arith.addf %add3A_1405, %add3A_1406 : vector<16xf32>
        %add3A_1408 = arith.addf %add3A_1404, %add3A_1407 : vector<16xf32>
        %xor3A = arith.constant 8 : i32
        %xor3A_1409 = vector.broadcast %xor3A : i32 to vector<16xi32>
        %xor3A_1410 = arith.xori %iota3A, %xor3A_1409 : vector<16xi32>
        %lt3A = arith.constant 0 : i32
        %lt3A_1411 = vector.broadcast %lt3A : i32 to vector<16xi32>
        %lt3A_1412 = arith.cmpi slt, %xor3A_1410, %lt3A_1411 : vector<16xi32>
        %add3A_1413 = arith.constant 16 : i32
        %add3A_1414 = vector.broadcast %add3A_1413 : i32 to vector<16xi32>
        %add3A_1415 = arith.addi %xor3A_1410, %add3A_1414 : vector<16xi32>
        %select_n3A = arith.select %lt3A_1412, %add3A_1415, %xor3A_1410 : vector<16xi1>, vector<16xi32>
        %broadcast_in_dim3A_1416 = vector.shape_cast %select_n3A : vector<16xi32> to vector<16x1xi32>
        %gather3A = vector.shape_cast %broadcast_in_dim3A_1416 : vector<16x1xi32> to vector<16xi32>
        %gather3A_1417 = tpu.dynamic_gather %add3A_1408[%gather3A] in [0] : vector<16xf32>, vector<16xi32> -> vector<16xf32>
        %add3A_1418 = arith.addf %add3A_1408, %gather3A_1417 : vector<16xf32>
        %xor3A_1419 = arith.constant 4 : i32
        %xor3A_1420 = vector.broadcast %xor3A_1419 : i32 to vector<16xi32>
        %xor3A_1421 = arith.xori %iota3A, %xor3A_1420 : vector<16xi32>
        %lt3A_1422 = arith.constant 0 : i32
        %lt3A_1423 = vector.broadcast %lt3A_1422 : i32 to vector<16xi32>
        %lt3A_1424 = arith.cmpi slt, %xor3A_1421, %lt3A_1423 : vector<16xi32>
        %add3A_1425 = arith.constant 16 : i32
        %add3A_1426 = vector.broadcast %add3A_1425 : i32 to vector<16xi32>
        %add3A_1427 = arith.addi %xor3A_1421, %add3A_1426 : vector<16xi32>
        %select_n3A_1428 = arith.select %lt3A_1424, %add3A_1427, %xor3A_1421 : vector<16xi1>, vector<16xi32>
        %broadcast_in_dim3A_1429 = vector.shape_cast %select_n3A_1428 : vector<16xi32> to vector<16x1xi32>
        %gather3A_1430 = vector.shape_cast %broadcast_in_dim3A_1429 : vector<16x1xi32> to vector<16xi32>
        %gather3A_1431 = tpu.dynamic_gather %add3A_1418[%gather3A_1430] in [0] : vector<16xf32>, vector<16xi32> -> vector<16xf32>
        %add3A_1432 = arith.addf %add3A_1418, %gather3A_1431 : vector<16xf32>
        %xor3A_1433 = arith.constant 2 : i32
        %xor3A_1434 = vector.broadcast %xor3A_1433 : i32 to vector<16xi32>
        %xor3A_1435 = arith.xori %iota3A, %xor3A_1434 : vector<16xi32>
        %lt3A_1436 = arith.constant 0 : i32
        %lt3A_1437 = vector.broadcast %lt3A_1436 : i32 to vector<16xi32>
        %lt3A_1438 = arith.cmpi slt, %xor3A_1435, %lt3A_1437 : vector<16xi32>
        %add3A_1439 = arith.constant 16 : i32
        %add3A_1440 = vector.broadcast %add3A_1439 : i32 to vector<16xi32>
        %add3A_1441 = arith.addi %xor3A_1435, %add3A_1440 : vector<16xi32>
        %select_n3A_1442 = arith.select %lt3A_1438, %add3A_1441, %xor3A_1435 : vector<16xi1>, vector<16xi32>
        %broadcast_in_dim3A_1443 = vector.shape_cast %select_n3A_1442 : vector<16xi32> to vector<16x1xi32>
        %gather3A_1444 = vector.shape_cast %broadcast_in_dim3A_1443 : vector<16x1xi32> to vector<16xi32>
        %gather3A_1445 = tpu.dynamic_gather %add3A_1432[%gather3A_1444] in [0] : vector<16xf32>, vector<16xi32> -> vector<16xf32>
        %add3A_1446 = arith.addf %add3A_1432, %gather3A_1445 : vector<16xf32>
        %xor3A_1447 = arith.constant 1 : i32
        %xor3A_1448 = vector.broadcast %xor3A_1447 : i32 to vector<16xi32>
        %xor3A_1449 = arith.xori %iota3A, %xor3A_1448 : vector<16xi32>
        %lt3A_1450 = arith.constant 0 : i32
        %lt3A_1451 = vector.broadcast %lt3A_1450 : i32 to vector<16xi32>
        %lt3A_1452 = arith.cmpi slt, %xor3A_1449, %lt3A_1451 : vector<16xi32>
        %add3A_1453 = arith.constant 16 : i32
        %add3A_1454 = vector.broadcast %add3A_1453 : i32 to vector<16xi32>
        %add3A_1455 = arith.addi %xor3A_1449, %add3A_1454 : vector<16xi32>
        %select_n3A_1456 = arith.select %lt3A_1452, %add3A_1455, %xor3A_1449 : vector<16xi1>, vector<16xi32>
        %broadcast_in_dim3A_1457 = vector.shape_cast %select_n3A_1456 : vector<16xi32> to vector<16x1xi32>
        %gather3A_1458 = vector.shape_cast %broadcast_in_dim3A_1457 : vector<16x1xi32> to vector<16xi32>
        %gather3A_1459 = tpu.dynamic_gather %add3A_1446[%gather3A_1458] in [0] : vector<16xf32>, vector<16xi32> -> vector<16xf32>
        %add3A_1460 = arith.addf %add3A_1446, %gather3A_1459 : vector<16xf32>
        %eq3A = vector.broadcast %scan3A_1293 : i32 to vector<16xi32>
        %eq3A_1461 = arith.cmpi eq, %iota3A, %eq3A : vector<16xi32>
        %select_n3A_1462 = arith.select %eq3A_1461, %add3A_1460, %scan3A_1294 : vector<16xi1>, vector<16xf32>
        scf.yield %select_n3A_1462 : vector<16xf32>
      }
      %scan3A_1271 = arith.constant 16 : i32
      %mul3A_1272 = arith.constant 16 : i32
      %mul3A_1273 = arith.muli %scan3A_1264, %mul3A_1272 : i32
      %get3A = arith.constant 1 : i32
      %get3A_1274 = arith.index_cast %get3A : i32 to index
      %get3A_1275 = arith.index_cast %mul3A_1273 : i32 to index
      %get3A_1276 = tpu.vector_load %arg17[%get3A_1274, %get3A_1275] {strides = array<i32>} : memref<3x128xf32, #tpu.memory_space<vmem>>, vector<1x16xf32>,
      %get3A_1277 = vector.shape_cast %get3A_1276 : vector<1x16xf32> to vector<16xf32>
      %add3A_1278 = arith.addf %scan3A_1270, %get3A_1277 : vector<16xf32>
      %get3A_1279 = arith.constant 1 : i32
      %get3A_1280 = arith.index_cast %get3A_1279 : i32 to index
      %get3A_1281 = arith.index_cast %mul3A_1273 : i32 to index
      %get3A_1282 = tpu.vector_load %arg18[%get3A_1280, %get3A_1281] {strides = array<i32>} : memref<3x128xf32, #tpu.memory_space<vmem>>, vector<1x16xf32>,
      %get3A_1283 = vector.shape_cast %get3A_1282 : vector<1x16xf32> to vector<16xf32>
      %add3A_1284 = arith.addf %add3A_1278, %get3A_1283 : vector<16xf32>
      %add3A_1285 = arith.constant 3.500000e+00 : f32
      %add3A_1286 = vector.broadcast %add3A_1285 : f32 to vector<16xf32>
      %add3A_1287 = arith.addf %add3A_1284, %add3A_1286 : vector<16xf32>
      %swap3A = arith.constant 1 : i32
      %swap3A_1288 = arith.index_cast %swap3A : i32 to index
      %swap3A_1289 = arith.index_cast %mul3A_1273 : i32 to index
      %swap3A_1290 = tpu.vector_load %arg19[%swap3A_1288, %swap3A_1289] {strides = array<i32>} : memref<3x128xf32, #tpu.memory_space<vmem>>, vector<1x16xf32>,
      %swap3A_1291 = vector.shape_cast %swap3A_1290 : vector<1x16xf32> to vector<16xf32>
      %swap3A_1292 = vector.shape_cast %add3A_1287 : vector<16xf32> to vector<1x16xf32>
      tpu.vector_store %arg19[%swap3A_1288, %swap3A_1289], %swap3A_1292 {strides = array<i32>} : memref<3x128xf32, #tpu.memory_space<vmem>>, vector<1x16xf32>,
    }
    %scan3A_691 = arith.constant 8 : i32
    %dma_start3A_692 = arith.constant 1 : i32
    %dma_start3A_693 = arith.constant 1 : i32
    %dma_start3A_694 = arith.constant 0 : i32
    %dma_start3A_695 = tpu.memref_slice %arg19[%dma_start3A_692, %dma_start3A_694] : memref<3x128xf32, #tpu.memory_space<vmem>> -> memref<1x128xf32, #tpu.memory_space<vmem>>
    %dma_start3A_696 = tpu.memref_squeeze %dma_start3A_695 : memref<1x128xf32, #tpu.memory_space<vmem>> -> memref<128xf32, #tpu.memory_space<vmem>>
    %dma_start3A_697 = tpu.memref_slice %arg8[%add3A_545] : memref<16384xf32, #tpu.memory_space<hbm>> -> memref<128xf32, #tpu.memory_space<hbm>>
    %dma_start3A_698 = tpu.memref_slice %arg22[%dma_start3A_693] : memref<3x!tpu.dma_semaphore, #tpu.memory_space<semaphore_mem>> -> memref<1x!tpu.dma_semaphore, #tpu.memory_space<semaphore_mem>>
    %dma_start3A_699 = tpu.memref_squeeze %dma_start3A_698 : memref<1x!tpu.dma_semaphore, #tpu.memory_space<semaphore_mem>> -> memref<!tpu.dma_semaphore, #tpu.memory_space<semaphore_mem>>
    %dma_start3A_700 = tpu.memref_slice %arg8[%add3A_545] : memref<16384xf32, #tpu.memory_space<hbm>> -> memref<128xf32, #tpu.memory_space<hbm>>
    %dma_start3A_701 = arith.constant 0 : i32
    %dma_start3A_702 = tpu.memref_slice %arg19[%dma_start3A_692, %dma_start3A_701] : memref<3x128xf32, #tpu.memory_space<vmem>> -> memref<1x128xf32, #tpu.memory_space<vmem>>
    %dma_start3A_703 = tpu.memref_squeeze %dma_start3A_702 : memref<1x128xf32, #tpu.memory_space<vmem>> -> memref<128xf32, #tpu.memory_space<vmem>>
    tpu.enqueue_dma source(%dma_start3A_703 : memref<128xf32, #tpu.memory_space<vmem>>) target(%dma_start3A_700 : memref<128xf32, #tpu.memory_space<hbm>>) target_semaphore(%dma_start3A_699 : memref<!tpu.dma_semaphore, #tpu.memory_space<semaphore_mem>>)
    %add3A_704 = arith.constant 256 : i32
    %add3A_705 = arith.addi %mul3A_2, %add3A_704 : i32
    %dma_wait3A_706 = arith.constant 2 : i32
    %dma_wait3A_707 = arith.constant 2 : i32
    %dma_wait3A_708 = arith.constant 2 : i32
    %dma_wait3A_709 = arith.constant 0 : i32
    %dma_wait3A_710 = arith.constant 0 : i32
    %dma_wait3A_711 = arith.constant 0 : i32
    %dma_wait3A_712 = tpu.memref_slice %arg15[%dma_wait3A_707, %dma_wait3A_710, %dma_wait3A_711] : memref<3x128x128xf32, #tpu.memory_space<vmem>> -> memref<1x128x128xf32, #tpu.memory_space<vmem>>
    %dma_wait3A_713 = tpu.memref_squeeze %dma_wait3A_712 : memref<1x128x128xf32, #tpu.memory_space<vmem>> -> memref<128x128xf32, #tpu.memory_space<vmem>>
    %dma_wait3A_714 = arith.constant 0 : i32
    %dma_wait3A_715 = arith.constant 0 : i32
    %dma_wait3A_716 = tpu.memref_slice %dma_wait3A_713[%dma_wait3A_714, %dma_wait3A_715] : memref<128x128xf32, #tpu.memory_space<vmem>> -> memref<128x128xf32, #tpu.memory_space<vmem>>
    %dma_wait3A_717 = arith.constant 0 : i32
    %dma_wait3A_718 = tpu.memref_slice %arg13[%dma_wait3A_706, %dma_wait3A_717] : memref<4x128xi32, #tpu.memory_space<vmem>> -> memref<1x128xi32, #tpu.memory_space<vmem>>
    %dma_wait3A_719 = tpu.memref_squeeze %dma_wait3A_718 : memref<1x128xi32, #tpu.memory_space<vmem>> -> memref<128xi32, #tpu.memory_space<vmem>>
    %dma_wait3A_720 = arith.constant 0 : i32
    %dma_wait3A_721 = tpu.memref_slice %dma_wait3A_719[%dma_wait3A_720] : memref<128xi32, #tpu.memory_space<vmem>> -> memref<128xi32, #tpu.memory_space<vmem>>
    %dma_wait3A_722 = arith.constant 0 : i32
    %dma_wait3A_723 = arith.constant 0 : i32
    %dma_wait3A_724 = tpu.memref_slice %arg6[%dma_wait3A_722, %dma_wait3A_723] : memref<100001x128xf32, #tpu.memory_space<hbm>> -> memref<100001x128xf32, #tpu.memory_space<hbm>>
    %dma_wait3A_725 = tpu.memref_slice %arg20[%dma_wait3A_708, %dma_wait3A_709] : memref<3x4x!tpu.dma_semaphore, #tpu.memory_space<semaphore_mem>> -> memref<1x1x!tpu.dma_semaphore, #tpu.memory_space<semaphore_mem>>
    %dma_wait3A_726 = tpu.memref_squeeze %dma_wait3A_725 : memref<1x1x!tpu.dma_semaphore, #tpu.memory_space<semaphore_mem>> -> memref<!tpu.dma_semaphore, #tpu.memory_space<semaphore_mem>>
    tpu.wait_indirect_dma semaphore(%dma_wait3A_726 : memref<!tpu.dma_semaphore, #tpu.memory_space<semaphore_mem>>) src(%dma_wait3A_724 : memref<100001x128xf32, #tpu.memory_space<hbm>>) dst(%dma_wait3A_716 : memref<128x128xf32, #tpu.memory_space<vmem>>)
    %dma_wait3A_727 = arith.constant 2 : i32
    %dma_wait3A_728 = arith.constant 2 : i32
    %dma_wait3A_729 = arith.constant 2 : i32
    %dma_wait3A_730 = arith.constant 0 : i32
    %dma_wait3A_731 = arith.constant 0 : i32
    %dma_wait3A_732 = arith.constant 0 : i32
    %dma_wait3A_733 = tpu.memref_slice %arg16[%dma_wait3A_728, %dma_wait3A_731, %dma_wait3A_732] : memref<3x128x128xf32, #tpu.memory_space<vmem>> -> memref<1x128x128xf32, #tpu.memory_space<vmem>>
    %dma_wait3A_734 = tpu.memref_squeeze %dma_wait3A_733 : memref<1x128x128xf32, #tpu.memory_space<vmem>> -> memref<128x128xf32, #tpu.memory_space<vmem>>
    %dma_wait3A_735 = arith.constant 0 : i32
    %dma_wait3A_736 = arith.constant 0 : i32
    %dma_wait3A_737 = tpu.memref_slice %dma_wait3A_734[%dma_wait3A_735, %dma_wait3A_736] : memref<128x128xf32, #tpu.memory_space<vmem>> -> memref<128x128xf32, #tpu.memory_space<vmem>>
    %dma_wait3A_738 = arith.constant 0 : i32
    %dma_wait3A_739 = tpu.memref_slice %arg14[%dma_wait3A_727, %dma_wait3A_738] : memref<4x128xi32, #tpu.memory_space<vmem>> -> memref<1x128xi32, #tpu.memory_space<vmem>>
    %dma_wait3A_740 = tpu.memref_squeeze %dma_wait3A_739 : memref<1x128xi32, #tpu.memory_space<vmem>> -> memref<128xi32, #tpu.memory_space<vmem>>
    %dma_wait3A_741 = arith.constant 0 : i32
    %dma_wait3A_742 = tpu.memref_slice %dma_wait3A_740[%dma_wait3A_741] : memref<128xi32, #tpu.memory_space<vmem>> -> memref<128xi32, #tpu.memory_space<vmem>>
    %dma_wait3A_743 = arith.constant 0 : i32
    %dma_wait3A_744 = arith.constant 0 : i32
    %dma_wait3A_745 = tpu.memref_slice %arg7[%dma_wait3A_743, %dma_wait3A_744] : memref<1000001x128xf32, #tpu.memory_space<hbm>> -> memref<1000001x128xf32, #tpu.memory_space<hbm>>
    %dma_wait3A_746 = tpu.memref_slice %arg20[%dma_wait3A_729, %dma_wait3A_730] : memref<3x4x!tpu.dma_semaphore, #tpu.memory_space<semaphore_mem>> -> memref<1x1x!tpu.dma_semaphore, #tpu.memory_space<semaphore_mem>>
    %dma_wait3A_747 = tpu.memref_squeeze %dma_wait3A_746 : memref<1x1x!tpu.dma_semaphore, #tpu.memory_space<semaphore_mem>> -> memref<!tpu.dma_semaphore, #tpu.memory_space<semaphore_mem>>
    tpu.wait_indirect_dma semaphore(%dma_wait3A_747 : memref<!tpu.dma_semaphore, #tpu.memory_space<semaphore_mem>>) src(%dma_wait3A_745 : memref<1000001x128xf32, #tpu.memory_space<hbm>>) dst(%dma_wait3A_737 : memref<128x128xf32, #tpu.memory_space<vmem>>)
    %add3A_748 = arith.constant 0 : i32
    %add3A_749 = arith.addi %add3A_705, %add3A_748 : i32
    %dma_start3A_750 = arith.constant 2 : i32
    %dma_start3A_751 = arith.constant 2 : i32
    %dma_start3A_752 = arith.constant 0 : i32
    %dma_start3A_753 = arith.constant 0 : i32
    %dma_start3A_754 = tpu.memref_slice %arg15[%dma_start3A_750, %dma_start3A_752, %dma_start3A_753] : memref<3x128x128xf32, #tpu.memory_space<vmem>> -> memref<1x128x128xf32, #tpu.memory_space<vmem>>
    %dma_start3A_755 = tpu.memref_squeeze %dma_start3A_754 : memref<1x128x128xf32, #tpu.memory_space<vmem>> -> memref<128x128xf32, #tpu.memory_space<vmem>>
    %dma_start3A_756 = arith.constant 0 : i32
    %dma_start3A_757 = arith.constant 0 : i32
    %dma_start3A_758 = tpu.memref_slice %dma_start3A_755[%dma_start3A_756, %dma_start3A_757] : memref<128x128xf32, #tpu.memory_space<vmem>> -> memref<128x128xf32, #tpu.memory_space<vmem>>
    %dma_start3A_759 = arith.constant 0 : i32
    %dma_start3A_760 = tpu.memref_slice %arg11[%add3A_749, %dma_start3A_759] : memref<16384x128xf32, #tpu.memory_space<hbm>> -> memref<128x128xf32, #tpu.memory_space<hbm>>
    %dma_start3A_761 = tpu.memref_slice %arg22[%dma_start3A_751] : memref<3x!tpu.dma_semaphore, #tpu.memory_space<semaphore_mem>> -> memref<1x!tpu.dma_semaphore, #tpu.memory_space<semaphore_mem>>
    %dma_start3A_762 = tpu.memref_squeeze %dma_start3A_761 : memref<1x!tpu.dma_semaphore, #tpu.memory_space<semaphore_mem>> -> memref<!tpu.dma_semaphore, #tpu.memory_space<semaphore_mem>>
    %dma_start3A_763 = arith.constant 0 : i32
    %dma_start3A_764 = tpu.memref_slice %arg11[%add3A_749, %dma_start3A_763] : memref<16384x128xf32, #tpu.memory_space<hbm>> -> memref<128x128xf32, #tpu.memory_space<hbm>>
    %dma_start3A_765 = arith.constant 0 : i32
    %dma_start3A_766 = arith.constant 0 : i32
    %dma_start3A_767 = tpu.memref_slice %arg15[%dma_start3A_750, %dma_start3A_765, %dma_start3A_766] : memref<3x128x128xf32, #tpu.memory_space<vmem>> -> memref<1x128x128xf32, #tpu.memory_space<vmem>>
    %dma_start3A_768 = tpu.memref_squeeze %dma_start3A_767 : memref<1x128x128xf32, #tpu.memory_space<vmem>> -> memref<128x128xf32, #tpu.memory_space<vmem>>
    %dma_start3A_769 = arith.constant 0 : i32
    %dma_start3A_770 = arith.constant 0 : i32
    %dma_start3A_771 = tpu.memref_slice %dma_start3A_768[%dma_start3A_769, %dma_start3A_770] : memref<128x128xf32, #tpu.memory_space<vmem>> -> memref<128x128xf32, #tpu.memory_space<vmem>>
    tpu.enqueue_dma source(%dma_start3A_771 : memref<128x128xf32, #tpu.memory_space<vmem>>) target(%dma_start3A_764 : memref<128x128xf32, #tpu.memory_space<hbm>>) target_semaphore(%dma_start3A_762 : memref<!tpu.dma_semaphore, #tpu.memory_space<semaphore_mem>>)
    %add3A_772 = arith.constant 0 : i32
    %add3A_773 = arith.addi %add3A_705, %add3A_772 : i32
    %dma_start3A_774 = arith.constant 2 : i32
    %dma_start3A_775 = arith.constant 2 : i32
    %dma_start3A_776 = arith.constant 0 : i32
    %dma_start3A_777 = arith.constant 0 : i32
    %dma_start3A_778 = tpu.memref_slice %arg16[%dma_start3A_774, %dma_start3A_776, %dma_start3A_777] : memref<3x128x128xf32, #tpu.memory_space<vmem>> -> memref<1x128x128xf32, #tpu.memory_space<vmem>>
    %dma_start3A_779 = tpu.memref_squeeze %dma_start3A_778 : memref<1x128x128xf32, #tpu.memory_space<vmem>> -> memref<128x128xf32, #tpu.memory_space<vmem>>
    %dma_start3A_780 = arith.constant 0 : i32
    %dma_start3A_781 = arith.constant 0 : i32
    %dma_start3A_782 = tpu.memref_slice %dma_start3A_779[%dma_start3A_780, %dma_start3A_781] : memref<128x128xf32, #tpu.memory_space<vmem>> -> memref<128x128xf32, #tpu.memory_space<vmem>>
    %dma_start3A_783 = arith.constant 0 : i32
    %dma_start3A_784 = tpu.memref_slice %arg12[%add3A_773, %dma_start3A_783] : memref<16384x128xf32, #tpu.memory_space<hbm>> -> memref<128x128xf32, #tpu.memory_space<hbm>>
    %dma_start3A_785 = tpu.memref_slice %arg22[%dma_start3A_775] : memref<3x!tpu.dma_semaphore, #tpu.memory_space<semaphore_mem>> -> memref<1x!tpu.dma_semaphore, #tpu.memory_space<semaphore_mem>>
    %dma_start3A_786 = tpu.memref_squeeze %dma_start3A_785 : memref<1x!tpu.dma_semaphore, #tpu.memory_space<semaphore_mem>> -> memref<!tpu.dma_semaphore, #tpu.memory_space<semaphore_mem>>
    %dma_start3A_787 = arith.constant 0 : i32
    %dma_start3A_788 = tpu.memref_slice %arg12[%add3A_773, %dma_start3A_787] : memref<16384x128xf32, #tpu.memory_space<hbm>> -> memref<128x128xf32, #tpu.memory_space<hbm>>
    %dma_start3A_789 = arith.constant 0 : i32
    %dma_start3A_790 = arith.constant 0 : i32
    %dma_start3A_791 = tpu.memref_slice %arg16[%dma_start3A_774, %dma_start3A_789, %dma_start3A_790] : memref<3x128x128xf32, #tpu.memory_space<vmem>> -> memref<1x128x128xf32, #tpu.memory_space<vmem>>
    %dma_start3A_792 = tpu.memref_squeeze %dma_start3A_791 : memref<1x128x128xf32, #tpu.memory_space<vmem>> -> memref<128x128xf32, #tpu.memory_space<vmem>>
    %dma_start3A_793 = arith.constant 0 : i32
    %dma_start3A_794 = arith.constant 0 : i32
    %dma_start3A_795 = tpu.memref_slice %dma_start3A_792[%dma_start3A_793, %dma_start3A_794] : memref<128x128xf32, #tpu.memory_space<vmem>> -> memref<128x128xf32, #tpu.memory_space<vmem>>
    tpu.enqueue_dma source(%dma_start3A_795 : memref<128x128xf32, #tpu.memory_space<vmem>>) target(%dma_start3A_788 : memref<128x128xf32, #tpu.memory_space<hbm>>) target_semaphore(%dma_start3A_786 : memref<!tpu.dma_semaphore, #tpu.memory_space<semaphore_mem>>)
    %dma_wait3A_796 = arith.constant 2 : i32
    %dma_wait3A_797 = arith.constant 2 : i32
    %dma_wait3A_798 = arith.constant 2 : i32
    %dma_wait3A_799 = arith.constant 0 : i32
    %dma_wait3A_800 = tpu.memref_slice %arg17[%dma_wait3A_797, %dma_wait3A_799] : memref<3x128xf32, #tpu.memory_space<vmem>> -> memref<1x128xf32, #tpu.memory_space<vmem>>
    %dma_wait3A_801 = tpu.memref_squeeze %dma_wait3A_800 : memref<1x128xf32, #tpu.memory_space<vmem>> -> memref<128xf32, #tpu.memory_space<vmem>>
    %dma_wait3A_802 = arith.constant 0 : i32
    %dma_wait3A_803 = tpu.memref_slice %arg13[%dma_wait3A_796, %dma_wait3A_802] : memref<4x128xi32, #tpu.memory_space<vmem>> -> memref<1x128xi32, #tpu.memory_space<vmem>>
    %dma_wait3A_804 = tpu.memref_squeeze %dma_wait3A_803 : memref<1x128xi32, #tpu.memory_space<vmem>> -> memref<128xi32, #tpu.memory_space<vmem>>
    %dma_wait3A_805 = arith.constant 0 : i32
    %dma_wait3A_806 = tpu.memref_slice %arg4[%dma_wait3A_805] : memref<100001xf32, #tpu.memory_space<hbm>> -> memref<100001xf32, #tpu.memory_space<hbm>>
    %dma_wait3A_807 = tpu.memref_slice %arg21[%dma_wait3A_798] : memref<3x!tpu.dma_semaphore, #tpu.memory_space<semaphore_mem>> -> memref<1x!tpu.dma_semaphore, #tpu.memory_space<semaphore_mem>>
    %dma_wait3A_808 = tpu.memref_squeeze %dma_wait3A_807 : memref<1x!tpu.dma_semaphore, #tpu.memory_space<semaphore_mem>> -> memref<!tpu.dma_semaphore, #tpu.memory_space<semaphore_mem>>
    tpu.wait_indirect_dma semaphore(%dma_wait3A_808 : memref<!tpu.dma_semaphore, #tpu.memory_space<semaphore_mem>>) src(%dma_wait3A_806 : memref<100001xf32, #tpu.memory_space<hbm>>) dst(%dma_wait3A_801 : memref<128xf32, #tpu.memory_space<vmem>>)
    %dma_wait3A_809 = arith.constant 2 : i32
    %dma_wait3A_810 = arith.constant 2 : i32
    %dma_wait3A_811 = arith.constant 2 : i32
    %dma_wait3A_812 = arith.constant 0 : i32
    %dma_wait3A_813 = tpu.memref_slice %arg18[%dma_wait3A_810, %dma_wait3A_812] : memref<3x128xf32, #tpu.memory_space<vmem>> -> memref<1x128xf32, #tpu.memory_space<vmem>>
    %dma_wait3A_814 = tpu.memref_squeeze %dma_wait3A_813 : memref<1x128xf32, #tpu.memory_space<vmem>> -> memref<128xf32, #tpu.memory_space<vmem>>
    %dma_wait3A_815 = arith.constant 0 : i32
    %dma_wait3A_816 = tpu.memref_slice %arg14[%dma_wait3A_809, %dma_wait3A_815] : memref<4x128xi32, #tpu.memory_space<vmem>> -> memref<1x128xi32, #tpu.memory_space<vmem>>
    %dma_wait3A_817 = tpu.memref_squeeze %dma_wait3A_816 : memref<1x128xi32, #tpu.memory_space<vmem>> -> memref<128xi32, #tpu.memory_space<vmem>>
    %dma_wait3A_818 = arith.constant 0 : i32
    %dma_wait3A_819 = tpu.memref_slice %arg5[%dma_wait3A_818] : memref<1000001xf32, #tpu.memory_space<hbm>> -> memref<1000001xf32, #tpu.memory_space<hbm>>
    %dma_wait3A_820 = tpu.memref_slice %arg21[%dma_wait3A_811] : memref<3x!tpu.dma_semaphore, #tpu.memory_space<semaphore_mem>> -> memref<1x!tpu.dma_semaphore, #tpu.memory_space<semaphore_mem>>
    %dma_wait3A_821 = tpu.memref_squeeze %dma_wait3A_820 : memref<1x!tpu.dma_semaphore, #tpu.memory_space<semaphore_mem>> -> memref<!tpu.dma_semaphore, #tpu.memory_space<semaphore_mem>>
    tpu.wait_indirect_dma semaphore(%dma_wait3A_821 : memref<!tpu.dma_semaphore, #tpu.memory_space<semaphore_mem>>) src(%dma_wait3A_819 : memref<1000001xf32, #tpu.memory_space<hbm>>) dst(%dma_wait3A_814 : memref<128xf32, #tpu.memory_space<vmem>>)
    %dma_start3A_822 = arith.constant 2 : i32
    %dma_start3A_823 = arith.constant 2 : i32
    %dma_start3A_824 = arith.constant 0 : i32
    %dma_start3A_825 = tpu.memref_slice %arg17[%dma_start3A_822, %dma_start3A_824] : memref<3x128xf32, #tpu.memory_space<vmem>> -> memref<1x128xf32, #tpu.memory_space<vmem>>
    %dma_start3A_826 = tpu.memref_squeeze %dma_start3A_825 : memref<1x128xf32, #tpu.memory_space<vmem>> -> memref<128xf32, #tpu.memory_space<vmem>>
    %dma_start3A_827 = tpu.memref_slice %arg9[%add3A_705] : memref<16384xf32, #tpu.memory_space<hbm>> -> memref<128xf32, #tpu.memory_space<hbm>>
    %dma_start3A_828 = tpu.memref_slice %arg22[%dma_start3A_823] : memref<3x!tpu.dma_semaphore, #tpu.memory_space<semaphore_mem>> -> memref<1x!tpu.dma_semaphore, #tpu.memory_space<semaphore_mem>>
    %dma_start3A_829 = tpu.memref_squeeze %dma_start3A_828 : memref<1x!tpu.dma_semaphore, #tpu.memory_space<semaphore_mem>> -> memref<!tpu.dma_semaphore, #tpu.memory_space<semaphore_mem>>
    %dma_start3A_830 = tpu.memref_slice %arg9[%add3A_705] : memref<16384xf32, #tpu.memory_space<hbm>> -> memref<128xf32, #tpu.memory_space<hbm>>
    %dma_start3A_831 = arith.constant 0 : i32
    %dma_start3A_832 = tpu.memref_slice %arg17[%dma_start3A_822, %dma_start3A_831] : memref<3x128xf32, #tpu.memory_space<vmem>> -> memref<1x128xf32, #tpu.memory_space<vmem>>
    %dma_start3A_833 = tpu.memref_squeeze %dma_start3A_832 : memref<1x128xf32, #tpu.memory_space<vmem>> -> memref<128xf32, #tpu.memory_space<vmem>>
    tpu.enqueue_dma source(%dma_start3A_833 : memref<128xf32, #tpu.memory_space<vmem>>) target(%dma_start3A_830 : memref<128xf32, #tpu.memory_space<hbm>>) target_semaphore(%dma_start3A_829 : memref<!tpu.dma_semaphore, #tpu.memory_space<semaphore_mem>>)
    %dma_start3A_834 = arith.constant 2 : i32
    %dma_start3A_835 = arith.constant 2 : i32
    %dma_start3A_836 = arith.constant 0 : i32
    %dma_start3A_837 = tpu.memref_slice %arg18[%dma_start3A_834, %dma_start3A_836] : memref<3x128xf32, #tpu.memory_space<vmem>> -> memref<1x128xf32, #tpu.memory_space<vmem>>
    %dma_start3A_838 = tpu.memref_squeeze %dma_start3A_837 : memref<1x128xf32, #tpu.memory_space<vmem>> -> memref<128xf32, #tpu.memory_space<vmem>>
    %dma_start3A_839 = tpu.memref_slice %arg10[%add3A_705] : memref<16384xf32, #tpu.memory_space<hbm>> -> memref<128xf32, #tpu.memory_space<hbm>>
    %dma_start3A_840 = tpu.memref_slice %arg22[%dma_start3A_835] : memref<3x!tpu.dma_semaphore, #tpu.memory_space<semaphore_mem>> -> memref<1x!tpu.dma_semaphore, #tpu.memory_space<semaphore_mem>>
    %dma_start3A_841 = tpu.memref_squeeze %dma_start3A_840 : memref<1x!tpu.dma_semaphore, #tpu.memory_space<semaphore_mem>> -> memref<!tpu.dma_semaphore, #tpu.memory_space<semaphore_mem>>
    %dma_start3A_842 = tpu.memref_slice %arg10[%add3A_705] : memref<16384xf32, #tpu.memory_space<hbm>> -> memref<128xf32, #tpu.memory_space<hbm>>
    %dma_start3A_843 = arith.constant 0 : i32
    %dma_start3A_844 = tpu.memref_slice %arg18[%dma_start3A_834, %dma_start3A_843] : memref<3x128xf32, #tpu.memory_space<vmem>> -> memref<1x128xf32, #tpu.memory_space<vmem>>
    %dma_start3A_845 = tpu.memref_squeeze %dma_start3A_844 : memref<1x128xf32, #tpu.memory_space<vmem>> -> memref<128xf32, #tpu.memory_space<vmem>>
    tpu.enqueue_dma source(%dma_start3A_845 : memref<128xf32, #tpu.memory_space<vmem>>) target(%dma_start3A_842 : memref<128xf32, #tpu.memory_space<hbm>>) target_semaphore(%dma_start3A_841 : memref<!tpu.dma_semaphore, #tpu.memory_space<semaphore_mem>>)
    %scan3A_846 = arith.constant 0 : i32
    %scan3A_847 = arith.constant 0 : i32
    %scan3A_848 = arith.constant 8 : i32
    %scan3A_849 = arith.addi %scan3A_847, %scan3A_848 : i32
    %scan3A_850 = arith.constant 1 : i32
    scf.for %scan3A_1264 = %scan3A_847 to %scan3A_849 step %scan3A_850  : i32 {
      %broadcast_in_dim3A = arith.constant 0.000000e+00 : f32
      %broadcast_in_dim3A_1265 = vector.broadcast %broadcast_in_dim3A : f32 to vector<16xf32>
      %scan3A_1266 = arith.constant 0 : i32
      %scan3A_1267 = arith.constant 16 : i32
      %scan3A_1268 = arith.addi %scan3A_1266, %scan3A_1267 : i32
      %scan3A_1269 = arith.constant 1 : i32
      %scan3A_1270 = scf.for %scan3A_1293 = %scan3A_1266 to %scan3A_1268 step %scan3A_1269 iter_args(%scan3A_1294 = %broadcast_in_dim3A_1265) -> (vector<16xf32>)  : i32 {
        %mul3A_1295 = arith.constant 16 : i32
        %mul3A_1296 = arith.muli %scan3A_1264, %mul3A_1295 : i32
        %add3A_1297 = arith.addi %mul3A_1296, %scan3A_1293 : i32
        %get3A_1298 = arith.constant 2 : i32
        %get3A_1299 = arith.index_cast %get3A_1298 : i32 to index
        %get3A_1300 = arith.index_cast %add3A_1297 : i32 to index
        %get3A_1301 = arith.constant 0 : index
        %get3A_1302 = tpu.vector_load %arg15[%get3A_1299, %get3A_1300, %get3A_1301] {strides = array<i32>} : memref<3x128x128xf32, #tpu.memory_space<vmem>>, vector<1x1x16xf32>,
        %get3A_1303 = vector.shape_cast %get3A_1302 : vector<1x1x16xf32> to vector<16xf32>
        %get3A_1304 = arith.constant 2 : i32
        %get3A_1305 = arith.index_cast %get3A_1304 : i32 to index
        %get3A_1306 = arith.index_cast %add3A_1297 : i32 to index
        %get3A_1307 = arith.constant 0 : index
        %get3A_1308 = tpu.vector_load %arg16[%get3A_1305, %get3A_1306, %get3A_1307] {strides = array<i32>} : memref<3x128x128xf32, #tpu.memory_space<vmem>>, vector<1x1x16xf32>,
        %get3A_1309 = vector.shape_cast %get3A_1308 : vector<1x1x16xf32> to vector<16xf32>
        %mul3A_1310 = arith.mulf %get3A_1303, %get3A_1309 : vector<16xf32>
        %get3A_1311 = arith.constant 2 : i32
        %get3A_1312 = arith.index_cast %get3A_1311 : i32 to index
        %get3A_1313 = arith.index_cast %add3A_1297 : i32 to index
        %get3A_1314 = arith.constant 16 : index
        %get3A_1315 = tpu.vector_load %arg15[%get3A_1312, %get3A_1313, %get3A_1314] {strides = array<i32>} : memref<3x128x128xf32, #tpu.memory_space<vmem>>, vector<1x1x16xf32>,
        %get3A_1316 = vector.shape_cast %get3A_1315 : vector<1x1x16xf32> to vector<16xf32>
        %get3A_1317 = arith.constant 2 : i32
        %get3A_1318 = arith.index_cast %get3A_1317 : i32 to index
        %get3A_1319 = arith.index_cast %add3A_1297 : i32 to index
        %get3A_1320 = arith.constant 16 : index
        %get3A_1321 = tpu.vector_load %arg16[%get3A_1318, %get3A_1319, %get3A_1320] {strides = array<i32>} : memref<3x128x128xf32, #tpu.memory_space<vmem>>, vector<1x1x16xf32>,
        %get3A_1322 = vector.shape_cast %get3A_1321 : vector<1x1x16xf32> to vector<16xf32>
        %mul3A_1323 = arith.mulf %get3A_1316, %get3A_1322 : vector<16xf32>
        %get3A_1324 = arith.constant 2 : i32
        %get3A_1325 = arith.index_cast %get3A_1324 : i32 to index
        %get3A_1326 = arith.index_cast %add3A_1297 : i32 to index
        %get3A_1327 = arith.constant 32 : index
        %get3A_1328 = tpu.vector_load %arg15[%get3A_1325, %get3A_1326, %get3A_1327] {strides = array<i32>} : memref<3x128x128xf32, #tpu.memory_space<vmem>>, vector<1x1x16xf32>,
        %get3A_1329 = vector.shape_cast %get3A_1328 : vector<1x1x16xf32> to vector<16xf32>
        %get3A_1330 = arith.constant 2 : i32
        %get3A_1331 = arith.index_cast %get3A_1330 : i32 to index
        %get3A_1332 = arith.index_cast %add3A_1297 : i32 to index
        %get3A_1333 = arith.constant 32 : index
        %get3A_1334 = tpu.vector_load %arg16[%get3A_1331, %get3A_1332, %get3A_1333] {strides = array<i32>} : memref<3x128x128xf32, #tpu.memory_space<vmem>>, vector<1x1x16xf32>,
        %get3A_1335 = vector.shape_cast %get3A_1334 : vector<1x1x16xf32> to vector<16xf32>
        %mul3A_1336 = arith.mulf %get3A_1329, %get3A_1335 : vector<16xf32>
        %get3A_1337 = arith.constant 2 : i32
        %get3A_1338 = arith.index_cast %get3A_1337 : i32 to index
        %get3A_1339 = arith.index_cast %add3A_1297 : i32 to index
        %get3A_1340 = arith.constant 48 : index
        %get3A_1341 = tpu.vector_load %arg15[%get3A_1338, %get3A_1339, %get3A_1340] {strides = array<i32>} : memref<3x128x128xf32, #tpu.memory_space<vmem>>, vector<1x1x16xf32>,
        %get3A_1342 = vector.shape_cast %get3A_1341 : vector<1x1x16xf32> to vector<16xf32>
        %get3A_1343 = arith.constant 2 : i32
        %get3A_1344 = arith.index_cast %get3A_1343 : i32 to index
        %get3A_1345 = arith.index_cast %add3A_1297 : i32 to index
        %get3A_1346 = arith.constant 48 : index
        %get3A_1347 = tpu.vector_load %arg16[%get3A_1344, %get3A_1345, %get3A_1346] {strides = array<i32>} : memref<3x128x128xf32, #tpu.memory_space<vmem>>, vector<1x1x16xf32>,
        %get3A_1348 = vector.shape_cast %get3A_1347 : vector<1x1x16xf32> to vector<16xf32>
        %mul3A_1349 = arith.mulf %get3A_1342, %get3A_1348 : vector<16xf32>
        %get3A_1350 = arith.constant 2 : i32
        %get3A_1351 = arith.index_cast %get3A_1350 : i32 to index
        %get3A_1352 = arith.index_cast %add3A_1297 : i32 to index
        %get3A_1353 = arith.constant 64 : index
        %get3A_1354 = tpu.vector_load %arg15[%get3A_1351, %get3A_1352, %get3A_1353] {strides = array<i32>} : memref<3x128x128xf32, #tpu.memory_space<vmem>>, vector<1x1x16xf32>,
        %get3A_1355 = vector.shape_cast %get3A_1354 : vector<1x1x16xf32> to vector<16xf32>
        %get3A_1356 = arith.constant 2 : i32
        %get3A_1357 = arith.index_cast %get3A_1356 : i32 to index
        %get3A_1358 = arith.index_cast %add3A_1297 : i32 to index
        %get3A_1359 = arith.constant 64 : index
        %get3A_1360 = tpu.vector_load %arg16[%get3A_1357, %get3A_1358, %get3A_1359] {strides = array<i32>} : memref<3x128x128xf32, #tpu.memory_space<vmem>>, vector<1x1x16xf32>,
        %get3A_1361 = vector.shape_cast %get3A_1360 : vector<1x1x16xf32> to vector<16xf32>
        %mul3A_1362 = arith.mulf %get3A_1355, %get3A_1361 : vector<16xf32>
        %get3A_1363 = arith.constant 2 : i32
        %get3A_1364 = arith.index_cast %get3A_1363 : i32 to index
        %get3A_1365 = arith.index_cast %add3A_1297 : i32 to index
        %get3A_1366 = arith.constant 80 : index
        %get3A_1367 = tpu.vector_load %arg15[%get3A_1364, %get3A_1365, %get3A_1366] {strides = array<i32>} : memref<3x128x128xf32, #tpu.memory_space<vmem>>, vector<1x1x16xf32>,
        %get3A_1368 = vector.shape_cast %get3A_1367 : vector<1x1x16xf32> to vector<16xf32>
        %get3A_1369 = arith.constant 2 : i32
        %get3A_1370 = arith.index_cast %get3A_1369 : i32 to index
        %get3A_1371 = arith.index_cast %add3A_1297 : i32 to index
        %get3A_1372 = arith.constant 80 : index
        %get3A_1373 = tpu.vector_load %arg16[%get3A_1370, %get3A_1371, %get3A_1372] {strides = array<i32>} : memref<3x128x128xf32, #tpu.memory_space<vmem>>, vector<1x1x16xf32>,
        %get3A_1374 = vector.shape_cast %get3A_1373 : vector<1x1x16xf32> to vector<16xf32>
        %mul3A_1375 = arith.mulf %get3A_1368, %get3A_1374 : vector<16xf32>
        %get3A_1376 = arith.constant 2 : i32
        %get3A_1377 = arith.index_cast %get3A_1376 : i32 to index
        %get3A_1378 = arith.index_cast %add3A_1297 : i32 to index
        %get3A_1379 = arith.constant 96 : index
        %get3A_1380 = tpu.vector_load %arg15[%get3A_1377, %get3A_1378, %get3A_1379] {strides = array<i32>} : memref<3x128x128xf32, #tpu.memory_space<vmem>>, vector<1x1x16xf32>,
        %get3A_1381 = vector.shape_cast %get3A_1380 : vector<1x1x16xf32> to vector<16xf32>
        %get3A_1382 = arith.constant 2 : i32
        %get3A_1383 = arith.index_cast %get3A_1382 : i32 to index
        %get3A_1384 = arith.index_cast %add3A_1297 : i32 to index
        %get3A_1385 = arith.constant 96 : index
        %get3A_1386 = tpu.vector_load %arg16[%get3A_1383, %get3A_1384, %get3A_1385] {strides = array<i32>} : memref<3x128x128xf32, #tpu.memory_space<vmem>>, vector<1x1x16xf32>,
        %get3A_1387 = vector.shape_cast %get3A_1386 : vector<1x1x16xf32> to vector<16xf32>
        %mul3A_1388 = arith.mulf %get3A_1381, %get3A_1387 : vector<16xf32>
        %get3A_1389 = arith.constant 2 : i32
        %get3A_1390 = arith.index_cast %get3A_1389 : i32 to index
        %get3A_1391 = arith.index_cast %add3A_1297 : i32 to index
        %get3A_1392 = arith.constant 112 : index
        %get3A_1393 = tpu.vector_load %arg15[%get3A_1390, %get3A_1391, %get3A_1392] {strides = array<i32>} : memref<3x128x128xf32, #tpu.memory_space<vmem>>, vector<1x1x16xf32>,
        %get3A_1394 = vector.shape_cast %get3A_1393 : vector<1x1x16xf32> to vector<16xf32>
        %get3A_1395 = arith.constant 2 : i32
        %get3A_1396 = arith.index_cast %get3A_1395 : i32 to index
        %get3A_1397 = arith.index_cast %add3A_1297 : i32 to index
        %get3A_1398 = arith.constant 112 : index
        %get3A_1399 = tpu.vector_load %arg16[%get3A_1396, %get3A_1397, %get3A_1398] {strides = array<i32>} : memref<3x128x128xf32, #tpu.memory_space<vmem>>, vector<1x1x16xf32>,
        %get3A_1400 = vector.shape_cast %get3A_1399 : vector<1x1x16xf32> to vector<16xf32>
        %mul3A_1401 = arith.mulf %get3A_1394, %get3A_1400 : vector<16xf32>
        %add3A_1402 = arith.addf %mul3A_1310, %mul3A_1323 : vector<16xf32>
        %add3A_1403 = arith.addf %mul3A_1336, %mul3A_1349 : vector<16xf32>
        %add3A_1404 = arith.addf %add3A_1402, %add3A_1403 : vector<16xf32>
        %add3A_1405 = arith.addf %mul3A_1362, %mul3A_1375 : vector<16xf32>
        %add3A_1406 = arith.addf %mul3A_1388, %mul3A_1401 : vector<16xf32>
        %add3A_1407 = arith.addf %add3A_1405, %add3A_1406 : vector<16xf32>
        %add3A_1408 = arith.addf %add3A_1404, %add3A_1407 : vector<16xf32>
        %xor3A = arith.constant 8 : i32
        %xor3A_1409 = vector.broadcast %xor3A : i32 to vector<16xi32>
        %xor3A_1410 = arith.xori %iota3A, %xor3A_1409 : vector<16xi32>
        %lt3A = arith.constant 0 : i32
        %lt3A_1411 = vector.broadcast %lt3A : i32 to vector<16xi32>
        %lt3A_1412 = arith.cmpi slt, %xor3A_1410, %lt3A_1411 : vector<16xi32>
        %add3A_1413 = arith.constant 16 : i32
        %add3A_1414 = vector.broadcast %add3A_1413 : i32 to vector<16xi32>
        %add3A_1415 = arith.addi %xor3A_1410, %add3A_1414 : vector<16xi32>
        %select_n3A = arith.select %lt3A_1412, %add3A_1415, %xor3A_1410 : vector<16xi1>, vector<16xi32>
        %broadcast_in_dim3A_1416 = vector.shape_cast %select_n3A : vector<16xi32> to vector<16x1xi32>
        %gather3A = vector.shape_cast %broadcast_in_dim3A_1416 : vector<16x1xi32> to vector<16xi32>
        %gather3A_1417 = tpu.dynamic_gather %add3A_1408[%gather3A] in [0] : vector<16xf32>, vector<16xi32> -> vector<16xf32>
        %add3A_1418 = arith.addf %add3A_1408, %gather3A_1417 : vector<16xf32>
        %xor3A_1419 = arith.constant 4 : i32
        %xor3A_1420 = vector.broadcast %xor3A_1419 : i32 to vector<16xi32>
        %xor3A_1421 = arith.xori %iota3A, %xor3A_1420 : vector<16xi32>
        %lt3A_1422 = arith.constant 0 : i32
        %lt3A_1423 = vector.broadcast %lt3A_1422 : i32 to vector<16xi32>
        %lt3A_1424 = arith.cmpi slt, %xor3A_1421, %lt3A_1423 : vector<16xi32>
        %add3A_1425 = arith.constant 16 : i32
        %add3A_1426 = vector.broadcast %add3A_1425 : i32 to vector<16xi32>
        %add3A_1427 = arith.addi %xor3A_1421, %add3A_1426 : vector<16xi32>
        %select_n3A_1428 = arith.select %lt3A_1424, %add3A_1427, %xor3A_1421 : vector<16xi1>, vector<16xi32>
        %broadcast_in_dim3A_1429 = vector.shape_cast %select_n3A_1428 : vector<16xi32> to vector<16x1xi32>
        %gather3A_1430 = vector.shape_cast %broadcast_in_dim3A_1429 : vector<16x1xi32> to vector<16xi32>
        %gather3A_1431 = tpu.dynamic_gather %add3A_1418[%gather3A_1430] in [0] : vector<16xf32>, vector<16xi32> -> vector<16xf32>
        %add3A_1432 = arith.addf %add3A_1418, %gather3A_1431 : vector<16xf32>
        %xor3A_1433 = arith.constant 2 : i32
        %xor3A_1434 = vector.broadcast %xor3A_1433 : i32 to vector<16xi32>
        %xor3A_1435 = arith.xori %iota3A, %xor3A_1434 : vector<16xi32>
        %lt3A_1436 = arith.constant 0 : i32
        %lt3A_1437 = vector.broadcast %lt3A_1436 : i32 to vector<16xi32>
        %lt3A_1438 = arith.cmpi slt, %xor3A_1435, %lt3A_1437 : vector<16xi32>
        %add3A_1439 = arith.constant 16 : i32
        %add3A_1440 = vector.broadcast %add3A_1439 : i32 to vector<16xi32>
        %add3A_1441 = arith.addi %xor3A_1435, %add3A_1440 : vector<16xi32>
        %select_n3A_1442 = arith.select %lt3A_1438, %add3A_1441, %xor3A_1435 : vector<16xi1>, vector<16xi32>
        %broadcast_in_dim3A_1443 = vector.shape_cast %select_n3A_1442 : vector<16xi32> to vector<16x1xi32>
        %gather3A_1444 = vector.shape_cast %broadcast_in_dim3A_1443 : vector<16x1xi32> to vector<16xi32>
        %gather3A_1445 = tpu.dynamic_gather %add3A_1432[%gather3A_1444] in [0] : vector<16xf32>, vector<16xi32> -> vector<16xf32>
        %add3A_1446 = arith.addf %add3A_1432, %gather3A_1445 : vector<16xf32>
        %xor3A_1447 = arith.constant 1 : i32
        %xor3A_1448 = vector.broadcast %xor3A_1447 : i32 to vector<16xi32>
        %xor3A_1449 = arith.xori %iota3A, %xor3A_1448 : vector<16xi32>
        %lt3A_1450 = arith.constant 0 : i32
        %lt3A_1451 = vector.broadcast %lt3A_1450 : i32 to vector<16xi32>
        %lt3A_1452 = arith.cmpi slt, %xor3A_1449, %lt3A_1451 : vector<16xi32>
        %add3A_1453 = arith.constant 16 : i32
        %add3A_1454 = vector.broadcast %add3A_1453 : i32 to vector<16xi32>
        %add3A_1455 = arith.addi %xor3A_1449, %add3A_1454 : vector<16xi32>
        %select_n3A_1456 = arith.select %lt3A_1452, %add3A_1455, %xor3A_1449 : vector<16xi1>, vector<16xi32>
        %broadcast_in_dim3A_1457 = vector.shape_cast %select_n3A_1456 : vector<16xi32> to vector<16x1xi32>
        %gather3A_1458 = vector.shape_cast %broadcast_in_dim3A_1457 : vector<16x1xi32> to vector<16xi32>
        %gather3A_1459 = tpu.dynamic_gather %add3A_1446[%gather3A_1458] in [0] : vector<16xf32>, vector<16xi32> -> vector<16xf32>
        %add3A_1460 = arith.addf %add3A_1446, %gather3A_1459 : vector<16xf32>
        %eq3A = vector.broadcast %scan3A_1293 : i32 to vector<16xi32>
        %eq3A_1461 = arith.cmpi eq, %iota3A, %eq3A : vector<16xi32>
        %select_n3A_1462 = arith.select %eq3A_1461, %add3A_1460, %scan3A_1294 : vector<16xi1>, vector<16xf32>
        scf.yield %select_n3A_1462 : vector<16xf32>
      }
      %scan3A_1271 = arith.constant 16 : i32
      %mul3A_1272 = arith.constant 16 : i32
      %mul3A_1273 = arith.muli %scan3A_1264, %mul3A_1272 : i32
      %get3A = arith.constant 2 : i32
      %get3A_1274 = arith.index_cast %get3A : i32 to index
      %get3A_1275 = arith.index_cast %mul3A_1273 : i32 to index
      %get3A_1276 = tpu.vector_load %arg17[%get3A_1274, %get3A_1275] {strides = array<i32>} : memref<3x128xf32, #tpu.memory_space<vmem>>, vector<1x16xf32>,
      %get3A_1277 = vector.shape_cast %get3A_1276 : vector<1x16xf32> to vector<16xf32>
      %add3A_1278 = arith.addf %scan3A_1270, %get3A_1277 : vector<16xf32>
      %get3A_1279 = arith.constant 2 : i32
      %get3A_1280 = arith.index_cast %get3A_1279 : i32 to index
      %get3A_1281 = arith.index_cast %mul3A_1273 : i32 to index
      %get3A_1282 = tpu.vector_load %arg18[%get3A_1280, %get3A_1281] {strides = array<i32>} : memref<3x128xf32, #tpu.memory_space<vmem>>, vector<1x16xf32>,
      %get3A_1283 = vector.shape_cast %get3A_1282 : vector<1x16xf32> to vector<16xf32>
      %add3A_1284 = arith.addf %add3A_1278, %get3A_1283 : vector<16xf32>
      %add3A_1285 = arith.constant 3.500000e+00 : f32
      %add3A_1286 = vector.broadcast %add3A_1285 : f32 to vector<16xf32>
      %add3A_1287 = arith.addf %add3A_1284, %add3A_1286 : vector<16xf32>
      %swap3A = arith.constant 2 : i32
      %swap3A_1288 = arith.index_cast %swap3A : i32 to index
      %swap3A_1289 = arith.index_cast %mul3A_1273 : i32 to index
      %swap3A_1290 = tpu.vector_load %arg19[%swap3A_1288, %swap3A_1289] {strides = array<i32>} : memref<3x128xf32, #tpu.memory_space<vmem>>, vector<1x16xf32>,
      %swap3A_1291 = vector.shape_cast %swap3A_1290 : vector<1x16xf32> to vector<16xf32>
      %swap3A_1292 = vector.shape_cast %add3A_1287 : vector<16xf32> to vector<1x16xf32>
      tpu.vector_store %arg19[%swap3A_1288, %swap3A_1289], %swap3A_1292 {strides = array<i32>} : memref<3x128xf32, #tpu.memory_space<vmem>>, vector<1x16xf32>,
    }
    %scan3A_851 = arith.constant 8 : i32
    %dma_start3A_852 = arith.constant 2 : i32
    %dma_start3A_853 = arith.constant 2 : i32
    %dma_start3A_854 = arith.constant 0 : i32
    %dma_start3A_855 = tpu.memref_slice %arg19[%dma_start3A_852, %dma_start3A_854] : memref<3x128xf32, #tpu.memory_space<vmem>> -> memref<1x128xf32, #tpu.memory_space<vmem>>
    %dma_start3A_856 = tpu.memref_squeeze %dma_start3A_855 : memref<1x128xf32, #tpu.memory_space<vmem>> -> memref<128xf32, #tpu.memory_space<vmem>>
    %dma_start3A_857 = tpu.memref_slice %arg8[%add3A_705] : memref<16384xf32, #tpu.memory_space<hbm>> -> memref<128xf32, #tpu.memory_space<hbm>>
    %dma_start3A_858 = tpu.memref_slice %arg22[%dma_start3A_853] : memref<3x!tpu.dma_semaphore, #tpu.memory_space<semaphore_mem>> -> memref<1x!tpu.dma_semaphore, #tpu.memory_space<semaphore_mem>>
    %dma_start3A_859 = tpu.memref_squeeze %dma_start3A_858 : memref<1x!tpu.dma_semaphore, #tpu.memory_space<semaphore_mem>> -> memref<!tpu.dma_semaphore, #tpu.memory_space<semaphore_mem>>
    %dma_start3A_860 = tpu.memref_slice %arg8[%add3A_705] : memref<16384xf32, #tpu.memory_space<hbm>> -> memref<128xf32, #tpu.memory_space<hbm>>
    %dma_start3A_861 = arith.constant 0 : i32
    %dma_start3A_862 = tpu.memref_slice %arg19[%dma_start3A_852, %dma_start3A_861] : memref<3x128xf32, #tpu.memory_space<vmem>> -> memref<1x128xf32, #tpu.memory_space<vmem>>
    %dma_start3A_863 = tpu.memref_squeeze %dma_start3A_862 : memref<1x128xf32, #tpu.memory_space<vmem>> -> memref<128xf32, #tpu.memory_space<vmem>>
    tpu.enqueue_dma source(%dma_start3A_863 : memref<128xf32, #tpu.memory_space<vmem>>) target(%dma_start3A_860 : memref<128xf32, #tpu.memory_space<hbm>>) target_semaphore(%dma_start3A_859 : memref<!tpu.dma_semaphore, #tpu.memory_space<semaphore_mem>>)
    %add3A_864 = arith.constant 384 : i32
    %add3A_865 = arith.addi %mul3A_2, %add3A_864 : i32
    %dma_wait3A_866 = arith.constant 3 : i32
    %dma_wait3A_867 = arith.constant 0 : i32
    %dma_wait3A_868 = arith.constant 0 : i32
    %dma_wait3A_869 = arith.constant 0 : i32
    %dma_wait3A_870 = arith.constant 0 : i32
    %dma_wait3A_871 = arith.constant 0 : i32
    %dma_wait3A_872 = tpu.memref_slice %arg15[%dma_wait3A_867, %dma_wait3A_870, %dma_wait3A_871] : memref<3x128x128xf32, #tpu.memory_space<vmem>> -> memref<1x128x128xf32, #tpu.memory_space<vmem>>
    %dma_wait3A_873 = tpu.memref_squeeze %dma_wait3A_872 : memref<1x128x128xf32, #tpu.memory_space<vmem>> -> memref<128x128xf32, #tpu.memory_space<vmem>>
    %dma_wait3A_874 = arith.constant 0 : i32
    %dma_wait3A_875 = arith.constant 0 : i32
    %dma_wait3A_876 = tpu.memref_slice %dma_wait3A_873[%dma_wait3A_874, %dma_wait3A_875] : memref<128x128xf32, #tpu.memory_space<vmem>> -> memref<128x128xf32, #tpu.memory_space<vmem>>
    %dma_wait3A_877 = arith.constant 0 : i32
    %dma_wait3A_878 = tpu.memref_slice %arg13[%dma_wait3A_866, %dma_wait3A_877] : memref<4x128xi32, #tpu.memory_space<vmem>> -> memref<1x128xi32, #tpu.memory_space<vmem>>
    %dma_wait3A_879 = tpu.memref_squeeze %dma_wait3A_878 : memref<1x128xi32, #tpu.memory_space<vmem>> -> memref<128xi32, #tpu.memory_space<vmem>>
    %dma_wait3A_880 = arith.constant 0 : i32
    %dma_wait3A_881 = tpu.memref_slice %dma_wait3A_879[%dma_wait3A_880] : memref<128xi32, #tpu.memory_space<vmem>> -> memref<128xi32, #tpu.memory_space<vmem>>
    %dma_wait3A_882 = arith.constant 0 : i32
    %dma_wait3A_883 = arith.constant 0 : i32
    %dma_wait3A_884 = tpu.memref_slice %arg6[%dma_wait3A_882, %dma_wait3A_883] : memref<100001x128xf32, #tpu.memory_space<hbm>> -> memref<100001x128xf32, #tpu.memory_space<hbm>>
    %dma_wait3A_885 = tpu.memref_slice %arg20[%dma_wait3A_868, %dma_wait3A_869] : memref<3x4x!tpu.dma_semaphore, #tpu.memory_space<semaphore_mem>> -> memref<1x1x!tpu.dma_semaphore, #tpu.memory_space<semaphore_mem>>
    %dma_wait3A_886 = tpu.memref_squeeze %dma_wait3A_885 : memref<1x1x!tpu.dma_semaphore, #tpu.memory_space<semaphore_mem>> -> memref<!tpu.dma_semaphore, #tpu.memory_space<semaphore_mem>>
    tpu.wait_indirect_dma semaphore(%dma_wait3A_886 : memref<!tpu.dma_semaphore, #tpu.memory_space<semaphore_mem>>) src(%dma_wait3A_884 : memref<100001x128xf32, #tpu.memory_space<hbm>>) dst(%dma_wait3A_876 : memref<128x128xf32, #tpu.memory_space<vmem>>)
    %dma_wait3A_887 = arith.constant 3 : i32
    %dma_wait3A_888 = arith.constant 0 : i32
    %dma_wait3A_889 = arith.constant 0 : i32
    %dma_wait3A_890 = arith.constant 0 : i32
    %dma_wait3A_891 = arith.constant 0 : i32
    %dma_wait3A_892 = arith.constant 0 : i32
    %dma_wait3A_893 = tpu.memref_slice %arg16[%dma_wait3A_888, %dma_wait3A_891, %dma_wait3A_892] : memref<3x128x128xf32, #tpu.memory_space<vmem>> -> memref<1x128x128xf32, #tpu.memory_space<vmem>>
    %dma_wait3A_894 = tpu.memref_squeeze %dma_wait3A_893 : memref<1x128x128xf32, #tpu.memory_space<vmem>> -> memref<128x128xf32, #tpu.memory_space<vmem>>
    %dma_wait3A_895 = arith.constant 0 : i32
    %dma_wait3A_896 = arith.constant 0 : i32
    %dma_wait3A_897 = tpu.memref_slice %dma_wait3A_894[%dma_wait3A_895, %dma_wait3A_896] : memref<128x128xf32, #tpu.memory_space<vmem>> -> memref<128x128xf32, #tpu.memory_space<vmem>>
    %dma_wait3A_898 = arith.constant 0 : i32
    %dma_wait3A_899 = tpu.memref_slice %arg14[%dma_wait3A_887, %dma_wait3A_898] : memref<4x128xi32, #tpu.memory_space<vmem>> -> memref<1x128xi32, #tpu.memory_space<vmem>>
    %dma_wait3A_900 = tpu.memref_squeeze %dma_wait3A_899 : memref<1x128xi32, #tpu.memory_space<vmem>> -> memref<128xi32, #tpu.memory_space<vmem>>
    %dma_wait3A_901 = arith.constant 0 : i32
    %dma_wait3A_902 = tpu.memref_slice %dma_wait3A_900[%dma_wait3A_901] : memref<128xi32, #tpu.memory_space<vmem>> -> memref<128xi32, #tpu.memory_space<vmem>>
    %dma_wait3A_903 = arith.constant 0 : i32
    %dma_wait3A_904 = arith.constant 0 : i32
    %dma_wait3A_905 = tpu.memref_slice %arg7[%dma_wait3A_903, %dma_wait3A_904] : memref<1000001x128xf32, #tpu.memory_space<hbm>> -> memref<1000001x128xf32, #tpu.memory_space<hbm>>
    %dma_wait3A_906 = tpu.memref_slice %arg20[%dma_wait3A_889, %dma_wait3A_890] : memref<3x4x!tpu.dma_semaphore, #tpu.memory_space<semaphore_mem>> -> memref<1x1x!tpu.dma_semaphore, #tpu.memory_space<semaphore_mem>>
    %dma_wait3A_907 = tpu.memref_squeeze %dma_wait3A_906 : memref<1x1x!tpu.dma_semaphore, #tpu.memory_space<semaphore_mem>> -> memref<!tpu.dma_semaphore, #tpu.memory_space<semaphore_mem>>
    tpu.wait_indirect_dma semaphore(%dma_wait3A_907 : memref<!tpu.dma_semaphore, #tpu.memory_space<semaphore_mem>>) src(%dma_wait3A_905 : memref<1000001x128xf32, #tpu.memory_space<hbm>>) dst(%dma_wait3A_897 : memref<128x128xf32, #tpu.memory_space<vmem>>)
    %add3A_908 = arith.constant 0 : i32
    %add3A_909 = arith.addi %add3A_865, %add3A_908 : i32
    %dma_start3A_910 = arith.constant 0 : i32
    %dma_start3A_911 = arith.constant 0 : i32
    %dma_start3A_912 = arith.constant 0 : i32
    %dma_start3A_913 = arith.constant 0 : i32
    %dma_start3A_914 = tpu.memref_slice %arg15[%dma_start3A_910, %dma_start3A_912, %dma_start3A_913] : memref<3x128x128xf32, #tpu.memory_space<vmem>> -> memref<1x128x128xf32, #tpu.memory_space<vmem>>
    %dma_start3A_915 = tpu.memref_squeeze %dma_start3A_914 : memref<1x128x128xf32, #tpu.memory_space<vmem>> -> memref<128x128xf32, #tpu.memory_space<vmem>>
    %dma_start3A_916 = arith.constant 0 : i32
    %dma_start3A_917 = arith.constant 0 : i32
    %dma_start3A_918 = tpu.memref_slice %dma_start3A_915[%dma_start3A_916, %dma_start3A_917] : memref<128x128xf32, #tpu.memory_space<vmem>> -> memref<128x128xf32, #tpu.memory_space<vmem>>
    %dma_start3A_919 = arith.constant 0 : i32
    %dma_start3A_920 = tpu.memref_slice %arg11[%add3A_909, %dma_start3A_919] : memref<16384x128xf32, #tpu.memory_space<hbm>> -> memref<128x128xf32, #tpu.memory_space<hbm>>
    %dma_start3A_921 = tpu.memref_slice %arg22[%dma_start3A_911] : memref<3x!tpu.dma_semaphore, #tpu.memory_space<semaphore_mem>> -> memref<1x!tpu.dma_semaphore, #tpu.memory_space<semaphore_mem>>
    %dma_start3A_922 = tpu.memref_squeeze %dma_start3A_921 : memref<1x!tpu.dma_semaphore, #tpu.memory_space<semaphore_mem>> -> memref<!tpu.dma_semaphore, #tpu.memory_space<semaphore_mem>>
    %dma_start3A_923 = arith.constant 0 : i32
    %dma_start3A_924 = tpu.memref_slice %arg11[%add3A_909, %dma_start3A_923] : memref<16384x128xf32, #tpu.memory_space<hbm>> -> memref<128x128xf32, #tpu.memory_space<hbm>>
    %dma_start3A_925 = arith.constant 0 : i32
    %dma_start3A_926 = arith.constant 0 : i32
    %dma_start3A_927 = tpu.memref_slice %arg15[%dma_start3A_910, %dma_start3A_925, %dma_start3A_926] : memref<3x128x128xf32, #tpu.memory_space<vmem>> -> memref<1x128x128xf32, #tpu.memory_space<vmem>>
    %dma_start3A_928 = tpu.memref_squeeze %dma_start3A_927 : memref<1x128x128xf32, #tpu.memory_space<vmem>> -> memref<128x128xf32, #tpu.memory_space<vmem>>
    %dma_start3A_929 = arith.constant 0 : i32
    %dma_start3A_930 = arith.constant 0 : i32
    %dma_start3A_931 = tpu.memref_slice %dma_start3A_928[%dma_start3A_929, %dma_start3A_930] : memref<128x128xf32, #tpu.memory_space<vmem>> -> memref<128x128xf32, #tpu.memory_space<vmem>>
    tpu.enqueue_dma source(%dma_start3A_931 : memref<128x128xf32, #tpu.memory_space<vmem>>) target(%dma_start3A_924 : memref<128x128xf32, #tpu.memory_space<hbm>>) target_semaphore(%dma_start3A_922 : memref<!tpu.dma_semaphore, #tpu.memory_space<semaphore_mem>>)
    %add3A_932 = arith.constant 0 : i32
    %add3A_933 = arith.addi %add3A_865, %add3A_932 : i32
    %dma_start3A_934 = arith.constant 0 : i32
    %dma_start3A_935 = arith.constant 0 : i32
    %dma_start3A_936 = arith.constant 0 : i32
    %dma_start3A_937 = arith.constant 0 : i32
    %dma_start3A_938 = tpu.memref_slice %arg16[%dma_start3A_934, %dma_start3A_936, %dma_start3A_937] : memref<3x128x128xf32, #tpu.memory_space<vmem>> -> memref<1x128x128xf32, #tpu.memory_space<vmem>>
    %dma_start3A_939 = tpu.memref_squeeze %dma_start3A_938 : memref<1x128x128xf32, #tpu.memory_space<vmem>> -> memref<128x128xf32, #tpu.memory_space<vmem>>
    %dma_start3A_940 = arith.constant 0 : i32
    %dma_start3A_941 = arith.constant 0 : i32
    %dma_start3A_942 = tpu.memref_slice %dma_start3A_939[%dma_start3A_940, %dma_start3A_941] : memref<128x128xf32, #tpu.memory_space<vmem>> -> memref<128x128xf32, #tpu.memory_space<vmem>>
    %dma_start3A_943 = arith.constant 0 : i32
    %dma_start3A_944 = tpu.memref_slice %arg12[%add3A_933, %dma_start3A_943] : memref<16384x128xf32, #tpu.memory_space<hbm>> -> memref<128x128xf32, #tpu.memory_space<hbm>>
    %dma_start3A_945 = tpu.memref_slice %arg22[%dma_start3A_935] : memref<3x!tpu.dma_semaphore, #tpu.memory_space<semaphore_mem>> -> memref<1x!tpu.dma_semaphore, #tpu.memory_space<semaphore_mem>>
    %dma_start3A_946 = tpu.memref_squeeze %dma_start3A_945 : memref<1x!tpu.dma_semaphore, #tpu.memory_space<semaphore_mem>> -> memref<!tpu.dma_semaphore, #tpu.memory_space<semaphore_mem>>
    %dma_start3A_947 = arith.constant 0 : i32
    %dma_start3A_948 = tpu.memref_slice %arg12[%add3A_933, %dma_start3A_947] : memref<16384x128xf32, #tpu.memory_space<hbm>> -> memref<128x128xf32, #tpu.memory_space<hbm>>
    %dma_start3A_949 = arith.constant 0 : i32
    %dma_start3A_950 = arith.constant 0 : i32
    %dma_start3A_951 = tpu.memref_slice %arg16[%dma_start3A_934, %dma_start3A_949, %dma_start3A_950] : memref<3x128x128xf32, #tpu.memory_space<vmem>> -> memref<1x128x128xf32, #tpu.memory_space<vmem>>
    %dma_start3A_952 = tpu.memref_squeeze %dma_start3A_951 : memref<1x128x128xf32, #tpu.memory_space<vmem>> -> memref<128x128xf32, #tpu.memory_space<vmem>>
    %dma_start3A_953 = arith.constant 0 : i32
    %dma_start3A_954 = arith.constant 0 : i32
    %dma_start3A_955 = tpu.memref_slice %dma_start3A_952[%dma_start3A_953, %dma_start3A_954] : memref<128x128xf32, #tpu.memory_space<vmem>> -> memref<128x128xf32, #tpu.memory_space<vmem>>
    tpu.enqueue_dma source(%dma_start3A_955 : memref<128x128xf32, #tpu.memory_space<vmem>>) target(%dma_start3A_948 : memref<128x128xf32, #tpu.memory_space<hbm>>) target_semaphore(%dma_start3A_946 : memref<!tpu.dma_semaphore, #tpu.memory_space<semaphore_mem>>)
    %dma_wait3A_956 = arith.constant 3 : i32
    %dma_wait3A_957 = arith.constant 0 : i32
    %dma_wait3A_958 = arith.constant 0 : i32
    %dma_wait3A_959 = arith.constant 0 : i32
    %dma_wait3A_960 = tpu.memref_slice %arg17[%dma_wait3A_957, %dma_wait3A_959] : memref<3x128xf32, #tpu.memory_space<vmem>> -> memref<1x128xf32, #tpu.memory_space<vmem>>
    %dma_wait3A_961 = tpu.memref_squeeze %dma_wait3A_960 : memref<1x128xf32, #tpu.memory_space<vmem>> -> memref<128xf32, #tpu.memory_space<vmem>>
    %dma_wait3A_962 = arith.constant 0 : i32
    %dma_wait3A_963 = tpu.memref_slice %arg13[%dma_wait3A_956, %dma_wait3A_962] : memref<4x128xi32, #tpu.memory_space<vmem>> -> memref<1x128xi32, #tpu.memory_space<vmem>>
    %dma_wait3A_964 = tpu.memref_squeeze %dma_wait3A_963 : memref<1x128xi32, #tpu.memory_space<vmem>> -> memref<128xi32, #tpu.memory_space<vmem>>
    %dma_wait3A_965 = arith.constant 0 : i32
    %dma_wait3A_966 = tpu.memref_slice %arg4[%dma_wait3A_965] : memref<100001xf32, #tpu.memory_space<hbm>> -> memref<100001xf32, #tpu.memory_space<hbm>>
    %dma_wait3A_967 = tpu.memref_slice %arg21[%dma_wait3A_958] : memref<3x!tpu.dma_semaphore, #tpu.memory_space<semaphore_mem>> -> memref<1x!tpu.dma_semaphore, #tpu.memory_space<semaphore_mem>>
    %dma_wait3A_968 = tpu.memref_squeeze %dma_wait3A_967 : memref<1x!tpu.dma_semaphore, #tpu.memory_space<semaphore_mem>> -> memref<!tpu.dma_semaphore, #tpu.memory_space<semaphore_mem>>
    tpu.wait_indirect_dma semaphore(%dma_wait3A_968 : memref<!tpu.dma_semaphore, #tpu.memory_space<semaphore_mem>>) src(%dma_wait3A_966 : memref<100001xf32, #tpu.memory_space<hbm>>) dst(%dma_wait3A_961 : memref<128xf32, #tpu.memory_space<vmem>>)
    %dma_wait3A_969 = arith.constant 3 : i32
    %dma_wait3A_970 = arith.constant 0 : i32
    %dma_wait3A_971 = arith.constant 0 : i32
    %dma_wait3A_972 = arith.constant 0 : i32
    %dma_wait3A_973 = tpu.memref_slice %arg18[%dma_wait3A_970, %dma_wait3A_972] : memref<3x128xf32, #tpu.memory_space<vmem>> -> memref<1x128xf32, #tpu.memory_space<vmem>>
    %dma_wait3A_974 = tpu.memref_squeeze %dma_wait3A_973 : memref<1x128xf32, #tpu.memory_space<vmem>> -> memref<128xf32, #tpu.memory_space<vmem>>
    %dma_wait3A_975 = arith.constant 0 : i32
    %dma_wait3A_976 = tpu.memref_slice %arg14[%dma_wait3A_969, %dma_wait3A_975] : memref<4x128xi32, #tpu.memory_space<vmem>> -> memref<1x128xi32, #tpu.memory_space<vmem>>
    %dma_wait3A_977 = tpu.memref_squeeze %dma_wait3A_976 : memref<1x128xi32, #tpu.memory_space<vmem>> -> memref<128xi32, #tpu.memory_space<vmem>>
    %dma_wait3A_978 = arith.constant 0 : i32
    %dma_wait3A_979 = tpu.memref_slice %arg5[%dma_wait3A_978] : memref<1000001xf32, #tpu.memory_space<hbm>> -> memref<1000001xf32, #tpu.memory_space<hbm>>
    %dma_wait3A_980 = tpu.memref_slice %arg21[%dma_wait3A_971] : memref<3x!tpu.dma_semaphore, #tpu.memory_space<semaphore_mem>> -> memref<1x!tpu.dma_semaphore, #tpu.memory_space<semaphore_mem>>
    %dma_wait3A_981 = tpu.memref_squeeze %dma_wait3A_980 : memref<1x!tpu.dma_semaphore, #tpu.memory_space<semaphore_mem>> -> memref<!tpu.dma_semaphore, #tpu.memory_space<semaphore_mem>>
    tpu.wait_indirect_dma semaphore(%dma_wait3A_981 : memref<!tpu.dma_semaphore, #tpu.memory_space<semaphore_mem>>) src(%dma_wait3A_979 : memref<1000001xf32, #tpu.memory_space<hbm>>) dst(%dma_wait3A_974 : memref<128xf32, #tpu.memory_space<vmem>>)
    %dma_start3A_982 = arith.constant 0 : i32
    %dma_start3A_983 = arith.constant 0 : i32
    %dma_start3A_984 = arith.constant 0 : i32
    %dma_start3A_985 = tpu.memref_slice %arg17[%dma_start3A_982, %dma_start3A_984] : memref<3x128xf32, #tpu.memory_space<vmem>> -> memref<1x128xf32, #tpu.memory_space<vmem>>
    %dma_start3A_986 = tpu.memref_squeeze %dma_start3A_985 : memref<1x128xf32, #tpu.memory_space<vmem>> -> memref<128xf32, #tpu.memory_space<vmem>>
    %dma_start3A_987 = tpu.memref_slice %arg9[%add3A_865] : memref<16384xf32, #tpu.memory_space<hbm>> -> memref<128xf32, #tpu.memory_space<hbm>>
    %dma_start3A_988 = tpu.memref_slice %arg22[%dma_start3A_983] : memref<3x!tpu.dma_semaphore, #tpu.memory_space<semaphore_mem>> -> memref<1x!tpu.dma_semaphore, #tpu.memory_space<semaphore_mem>>
    %dma_start3A_989 = tpu.memref_squeeze %dma_start3A_988 : memref<1x!tpu.dma_semaphore, #tpu.memory_space<semaphore_mem>> -> memref<!tpu.dma_semaphore, #tpu.memory_space<semaphore_mem>>
    %dma_start3A_990 = tpu.memref_slice %arg9[%add3A_865] : memref<16384xf32, #tpu.memory_space<hbm>> -> memref<128xf32, #tpu.memory_space<hbm>>
    %dma_start3A_991 = arith.constant 0 : i32
    %dma_start3A_992 = tpu.memref_slice %arg17[%dma_start3A_982, %dma_start3A_991] : memref<3x128xf32, #tpu.memory_space<vmem>> -> memref<1x128xf32, #tpu.memory_space<vmem>>
    %dma_start3A_993 = tpu.memref_squeeze %dma_start3A_992 : memref<1x128xf32, #tpu.memory_space<vmem>> -> memref<128xf32, #tpu.memory_space<vmem>>
    tpu.enqueue_dma source(%dma_start3A_993 : memref<128xf32, #tpu.memory_space<vmem>>) target(%dma_start3A_990 : memref<128xf32, #tpu.memory_space<hbm>>) target_semaphore(%dma_start3A_989 : memref<!tpu.dma_semaphore, #tpu.memory_space<semaphore_mem>>)
    %dma_start3A_994 = arith.constant 0 : i32
    %dma_start3A_995 = arith.constant 0 : i32
    %dma_start3A_996 = arith.constant 0 : i32
    %dma_start3A_997 = tpu.memref_slice %arg18[%dma_start3A_994, %dma_start3A_996] : memref<3x128xf32, #tpu.memory_space<vmem>> -> memref<1x128xf32, #tpu.memory_space<vmem>>
    %dma_start3A_998 = tpu.memref_squeeze %dma_start3A_997 : memref<1x128xf32, #tpu.memory_space<vmem>> -> memref<128xf32, #tpu.memory_space<vmem>>
    %dma_start3A_999 = tpu.memref_slice %arg10[%add3A_865] : memref<16384xf32, #tpu.memory_space<hbm>> -> memref<128xf32, #tpu.memory_space<hbm>>
    %dma_start3A_1000 = tpu.memref_slice %arg22[%dma_start3A_995] : memref<3x!tpu.dma_semaphore, #tpu.memory_space<semaphore_mem>> -> memref<1x!tpu.dma_semaphore, #tpu.memory_space<semaphore_mem>>
    %dma_start3A_1001 = tpu.memref_squeeze %dma_start3A_1000 : memref<1x!tpu.dma_semaphore, #tpu.memory_space<semaphore_mem>> -> memref<!tpu.dma_semaphore, #tpu.memory_space<semaphore_mem>>
    %dma_start3A_1002 = tpu.memref_slice %arg10[%add3A_865] : memref<16384xf32, #tpu.memory_space<hbm>> -> memref<128xf32, #tpu.memory_space<hbm>>
    %dma_start3A_1003 = arith.constant 0 : i32
    %dma_start3A_1004 = tpu.memref_slice %arg18[%dma_start3A_994, %dma_start3A_1003] : memref<3x128xf32, #tpu.memory_space<vmem>> -> memref<1x128xf32, #tpu.memory_space<vmem>>
    %dma_start3A_1005 = tpu.memref_squeeze %dma_start3A_1004 : memref<1x128xf32, #tpu.memory_space<vmem>> -> memref<128xf32, #tpu.memory_space<vmem>>
    tpu.enqueue_dma source(%dma_start3A_1005 : memref<128xf32, #tpu.memory_space<vmem>>) target(%dma_start3A_1002 : memref<128xf32, #tpu.memory_space<hbm>>) target_semaphore(%dma_start3A_1001 : memref<!tpu.dma_semaphore, #tpu.memory_space<semaphore_mem>>)
    %scan3A_1006 = arith.constant 0 : i32
    %scan3A_1007 = arith.constant 0 : i32
    %scan3A_1008 = arith.constant 8 : i32
    %scan3A_1009 = arith.addi %scan3A_1007, %scan3A_1008 : i32
    %scan3A_1010 = arith.constant 1 : i32
    scf.for %scan3A_1264 = %scan3A_1007 to %scan3A_1009 step %scan3A_1010  : i32 {
      %broadcast_in_dim3A = arith.constant 0.000000e+00 : f32
      %broadcast_in_dim3A_1265 = vector.broadcast %broadcast_in_dim3A : f32 to vector<16xf32>
      %scan3A_1266 = arith.constant 0 : i32
      %scan3A_1267 = arith.constant 16 : i32
      %scan3A_1268 = arith.addi %scan3A_1266, %scan3A_1267 : i32
      %scan3A_1269 = arith.constant 1 : i32
      %scan3A_1270 = scf.for %scan3A_1293 = %scan3A_1266 to %scan3A_1268 step %scan3A_1269 iter_args(%scan3A_1294 = %broadcast_in_dim3A_1265) -> (vector<16xf32>)  : i32 {
        %mul3A_1295 = arith.constant 16 : i32
        %mul3A_1296 = arith.muli %scan3A_1264, %mul3A_1295 : i32
        %add3A_1297 = arith.addi %mul3A_1296, %scan3A_1293 : i32
        %get3A_1298 = arith.constant 0 : i32
        %get3A_1299 = arith.index_cast %get3A_1298 : i32 to index
        %get3A_1300 = arith.index_cast %add3A_1297 : i32 to index
        %get3A_1301 = arith.constant 0 : index
        %get3A_1302 = tpu.vector_load %arg15[%get3A_1299, %get3A_1300, %get3A_1301] {strides = array<i32>} : memref<3x128x128xf32, #tpu.memory_space<vmem>>, vector<1x1x16xf32>,
        %get3A_1303 = vector.shape_cast %get3A_1302 : vector<1x1x16xf32> to vector<16xf32>
        %get3A_1304 = arith.constant 0 : i32
        %get3A_1305 = arith.index_cast %get3A_1304 : i32 to index
        %get3A_1306 = arith.index_cast %add3A_1297 : i32 to index
        %get3A_1307 = arith.constant 0 : index
        %get3A_1308 = tpu.vector_load %arg16[%get3A_1305, %get3A_1306, %get3A_1307] {strides = array<i32>} : memref<3x128x128xf32, #tpu.memory_space<vmem>>, vector<1x1x16xf32>,
        %get3A_1309 = vector.shape_cast %get3A_1308 : vector<1x1x16xf32> to vector<16xf32>
        %mul3A_1310 = arith.mulf %get3A_1303, %get3A_1309 : vector<16xf32>
        %get3A_1311 = arith.constant 0 : i32
        %get3A_1312 = arith.index_cast %get3A_1311 : i32 to index
        %get3A_1313 = arith.index_cast %add3A_1297 : i32 to index
        %get3A_1314 = arith.constant 16 : index
        %get3A_1315 = tpu.vector_load %arg15[%get3A_1312, %get3A_1313, %get3A_1314] {strides = array<i32>} : memref<3x128x128xf32, #tpu.memory_space<vmem>>, vector<1x1x16xf32>,
        %get3A_1316 = vector.shape_cast %get3A_1315 : vector<1x1x16xf32> to vector<16xf32>
        %get3A_1317 = arith.constant 0 : i32
        %get3A_1318 = arith.index_cast %get3A_1317 : i32 to index
        %get3A_1319 = arith.index_cast %add3A_1297 : i32 to index
        %get3A_1320 = arith.constant 16 : index
        %get3A_1321 = tpu.vector_load %arg16[%get3A_1318, %get3A_1319, %get3A_1320] {strides = array<i32>} : memref<3x128x128xf32, #tpu.memory_space<vmem>>, vector<1x1x16xf32>,
        %get3A_1322 = vector.shape_cast %get3A_1321 : vector<1x1x16xf32> to vector<16xf32>
        %mul3A_1323 = arith.mulf %get3A_1316, %get3A_1322 : vector<16xf32>
        %get3A_1324 = arith.constant 0 : i32
        %get3A_1325 = arith.index_cast %get3A_1324 : i32 to index
        %get3A_1326 = arith.index_cast %add3A_1297 : i32 to index
        %get3A_1327 = arith.constant 32 : index
        %get3A_1328 = tpu.vector_load %arg15[%get3A_1325, %get3A_1326, %get3A_1327] {strides = array<i32>} : memref<3x128x128xf32, #tpu.memory_space<vmem>>, vector<1x1x16xf32>,
        %get3A_1329 = vector.shape_cast %get3A_1328 : vector<1x1x16xf32> to vector<16xf32>
        %get3A_1330 = arith.constant 0 : i32
        %get3A_1331 = arith.index_cast %get3A_1330 : i32 to index
        %get3A_1332 = arith.index_cast %add3A_1297 : i32 to index
        %get3A_1333 = arith.constant 32 : index
        %get3A_1334 = tpu.vector_load %arg16[%get3A_1331, %get3A_1332, %get3A_1333] {strides = array<i32>} : memref<3x128x128xf32, #tpu.memory_space<vmem>>, vector<1x1x16xf32>,
        %get3A_1335 = vector.shape_cast %get3A_1334 : vector<1x1x16xf32> to vector<16xf32>
        %mul3A_1336 = arith.mulf %get3A_1329, %get3A_1335 : vector<16xf32>
        %get3A_1337 = arith.constant 0 : i32
        %get3A_1338 = arith.index_cast %get3A_1337 : i32 to index
        %get3A_1339 = arith.index_cast %add3A_1297 : i32 to index
        %get3A_1340 = arith.constant 48 : index
        %get3A_1341 = tpu.vector_load %arg15[%get3A_1338, %get3A_1339, %get3A_1340] {strides = array<i32>} : memref<3x128x128xf32, #tpu.memory_space<vmem>>, vector<1x1x16xf32>,
        %get3A_1342 = vector.shape_cast %get3A_1341 : vector<1x1x16xf32> to vector<16xf32>
        %get3A_1343 = arith.constant 0 : i32
        %get3A_1344 = arith.index_cast %get3A_1343 : i32 to index
        %get3A_1345 = arith.index_cast %add3A_1297 : i32 to index
        %get3A_1346 = arith.constant 48 : index
        %get3A_1347 = tpu.vector_load %arg16[%get3A_1344, %get3A_1345, %get3A_1346] {strides = array<i32>} : memref<3x128x128xf32, #tpu.memory_space<vmem>>, vector<1x1x16xf32>,
        %get3A_1348 = vector.shape_cast %get3A_1347 : vector<1x1x16xf32> to vector<16xf32>
        %mul3A_1349 = arith.mulf %get3A_1342, %get3A_1348 : vector<16xf32>
        %get3A_1350 = arith.constant 0 : i32
        %get3A_1351 = arith.index_cast %get3A_1350 : i32 to index
        %get3A_1352 = arith.index_cast %add3A_1297 : i32 to index
        %get3A_1353 = arith.constant 64 : index
        %get3A_1354 = tpu.vector_load %arg15[%get3A_1351, %get3A_1352, %get3A_1353] {strides = array<i32>} : memref<3x128x128xf32, #tpu.memory_space<vmem>>, vector<1x1x16xf32>,
        %get3A_1355 = vector.shape_cast %get3A_1354 : vector<1x1x16xf32> to vector<16xf32>
        %get3A_1356 = arith.constant 0 : i32
        %get3A_1357 = arith.index_cast %get3A_1356 : i32 to index
        %get3A_1358 = arith.index_cast %add3A_1297 : i32 to index
        %get3A_1359 = arith.constant 64 : index
        %get3A_1360 = tpu.vector_load %arg16[%get3A_1357, %get3A_1358, %get3A_1359] {strides = array<i32>} : memref<3x128x128xf32, #tpu.memory_space<vmem>>, vector<1x1x16xf32>,
        %get3A_1361 = vector.shape_cast %get3A_1360 : vector<1x1x16xf32> to vector<16xf32>
        %mul3A_1362 = arith.mulf %get3A_1355, %get3A_1361 : vector<16xf32>
        %get3A_1363 = arith.constant 0 : i32
        %get3A_1364 = arith.index_cast %get3A_1363 : i32 to index
        %get3A_1365 = arith.index_cast %add3A_1297 : i32 to index
        %get3A_1366 = arith.constant 80 : index
        %get3A_1367 = tpu.vector_load %arg15[%get3A_1364, %get3A_1365, %get3A_1366] {strides = array<i32>} : memref<3x128x128xf32, #tpu.memory_space<vmem>>, vector<1x1x16xf32>,
        %get3A_1368 = vector.shape_cast %get3A_1367 : vector<1x1x16xf32> to vector<16xf32>
        %get3A_1369 = arith.constant 0 : i32
        %get3A_1370 = arith.index_cast %get3A_1369 : i32 to index
        %get3A_1371 = arith.index_cast %add3A_1297 : i32 to index
        %get3A_1372 = arith.constant 80 : index
        %get3A_1373 = tpu.vector_load %arg16[%get3A_1370, %get3A_1371, %get3A_1372] {strides = array<i32>} : memref<3x128x128xf32, #tpu.memory_space<vmem>>, vector<1x1x16xf32>,
        %get3A_1374 = vector.shape_cast %get3A_1373 : vector<1x1x16xf32> to vector<16xf32>
        %mul3A_1375 = arith.mulf %get3A_1368, %get3A_1374 : vector<16xf32>
        %get3A_1376 = arith.constant 0 : i32
        %get3A_1377 = arith.index_cast %get3A_1376 : i32 to index
        %get3A_1378 = arith.index_cast %add3A_1297 : i32 to index
        %get3A_1379 = arith.constant 96 : index
        %get3A_1380 = tpu.vector_load %arg15[%get3A_1377, %get3A_1378, %get3A_1379] {strides = array<i32>} : memref<3x128x128xf32, #tpu.memory_space<vmem>>, vector<1x1x16xf32>,
        %get3A_1381 = vector.shape_cast %get3A_1380 : vector<1x1x16xf32> to vector<16xf32>
        %get3A_1382 = arith.constant 0 : i32
        %get3A_1383 = arith.index_cast %get3A_1382 : i32 to index
        %get3A_1384 = arith.index_cast %add3A_1297 : i32 to index
        %get3A_1385 = arith.constant 96 : index
        %get3A_1386 = tpu.vector_load %arg16[%get3A_1383, %get3A_1384, %get3A_1385] {strides = array<i32>} : memref<3x128x128xf32, #tpu.memory_space<vmem>>, vector<1x1x16xf32>,
        %get3A_1387 = vector.shape_cast %get3A_1386 : vector<1x1x16xf32> to vector<16xf32>
        %mul3A_1388 = arith.mulf %get3A_1381, %get3A_1387 : vector<16xf32>
        %get3A_1389 = arith.constant 0 : i32
        %get3A_1390 = arith.index_cast %get3A_1389 : i32 to index
        %get3A_1391 = arith.index_cast %add3A_1297 : i32 to index
        %get3A_1392 = arith.constant 112 : index
        %get3A_1393 = tpu.vector_load %arg15[%get3A_1390, %get3A_1391, %get3A_1392] {strides = array<i32>} : memref<3x128x128xf32, #tpu.memory_space<vmem>>, vector<1x1x16xf32>,
        %get3A_1394 = vector.shape_cast %get3A_1393 : vector<1x1x16xf32> to vector<16xf32>
        %get3A_1395 = arith.constant 0 : i32
        %get3A_1396 = arith.index_cast %get3A_1395 : i32 to index
        %get3A_1397 = arith.index_cast %add3A_1297 : i32 to index
        %get3A_1398 = arith.constant 112 : index
        %get3A_1399 = tpu.vector_load %arg16[%get3A_1396, %get3A_1397, %get3A_1398] {strides = array<i32>} : memref<3x128x128xf32, #tpu.memory_space<vmem>>, vector<1x1x16xf32>,
        %get3A_1400 = vector.shape_cast %get3A_1399 : vector<1x1x16xf32> to vector<16xf32>
        %mul3A_1401 = arith.mulf %get3A_1394, %get3A_1400 : vector<16xf32>
        %add3A_1402 = arith.addf %mul3A_1310, %mul3A_1323 : vector<16xf32>
        %add3A_1403 = arith.addf %mul3A_1336, %mul3A_1349 : vector<16xf32>
        %add3A_1404 = arith.addf %add3A_1402, %add3A_1403 : vector<16xf32>
        %add3A_1405 = arith.addf %mul3A_1362, %mul3A_1375 : vector<16xf32>
        %add3A_1406 = arith.addf %mul3A_1388, %mul3A_1401 : vector<16xf32>
        %add3A_1407 = arith.addf %add3A_1405, %add3A_1406 : vector<16xf32>
        %add3A_1408 = arith.addf %add3A_1404, %add3A_1407 : vector<16xf32>
        %xor3A = arith.constant 8 : i32
        %xor3A_1409 = vector.broadcast %xor3A : i32 to vector<16xi32>
        %xor3A_1410 = arith.xori %iota3A, %xor3A_1409 : vector<16xi32>
        %lt3A = arith.constant 0 : i32
        %lt3A_1411 = vector.broadcast %lt3A : i32 to vector<16xi32>
        %lt3A_1412 = arith.cmpi slt, %xor3A_1410, %lt3A_1411 : vector<16xi32>
        %add3A_1413 = arith.constant 16 : i32
        %add3A_1414 = vector.broadcast %add3A_1413 : i32 to vector<16xi32>
        %add3A_1415 = arith.addi %xor3A_1410, %add3A_1414 : vector<16xi32>
        %select_n3A = arith.select %lt3A_1412, %add3A_1415, %xor3A_1410 : vector<16xi1>, vector<16xi32>
        %broadcast_in_dim3A_1416 = vector.shape_cast %select_n3A : vector<16xi32> to vector<16x1xi32>
        %gather3A = vector.shape_cast %broadcast_in_dim3A_1416 : vector<16x1xi32> to vector<16xi32>
        %gather3A_1417 = tpu.dynamic_gather %add3A_1408[%gather3A] in [0] : vector<16xf32>, vector<16xi32> -> vector<16xf32>
        %add3A_1418 = arith.addf %add3A_1408, %gather3A_1417 : vector<16xf32>
        %xor3A_1419 = arith.constant 4 : i32
        %xor3A_1420 = vector.broadcast %xor3A_1419 : i32 to vector<16xi32>
        %xor3A_1421 = arith.xori %iota3A, %xor3A_1420 : vector<16xi32>
        %lt3A_1422 = arith.constant 0 : i32
        %lt3A_1423 = vector.broadcast %lt3A_1422 : i32 to vector<16xi32>
        %lt3A_1424 = arith.cmpi slt, %xor3A_1421, %lt3A_1423 : vector<16xi32>
        %add3A_1425 = arith.constant 16 : i32
        %add3A_1426 = vector.broadcast %add3A_1425 : i32 to vector<16xi32>
        %add3A_1427 = arith.addi %xor3A_1421, %add3A_1426 : vector<16xi32>
        %select_n3A_1428 = arith.select %lt3A_1424, %add3A_1427, %xor3A_1421 : vector<16xi1>, vector<16xi32>
        %broadcast_in_dim3A_1429 = vector.shape_cast %select_n3A_1428 : vector<16xi32> to vector<16x1xi32>
        %gather3A_1430 = vector.shape_cast %broadcast_in_dim3A_1429 : vector<16x1xi32> to vector<16xi32>
        %gather3A_1431 = tpu.dynamic_gather %add3A_1418[%gather3A_1430] in [0] : vector<16xf32>, vector<16xi32> -> vector<16xf32>
        %add3A_1432 = arith.addf %add3A_1418, %gather3A_1431 : vector<16xf32>
        %xor3A_1433 = arith.constant 2 : i32
        %xor3A_1434 = vector.broadcast %xor3A_1433 : i32 to vector<16xi32>
        %xor3A_1435 = arith.xori %iota3A, %xor3A_1434 : vector<16xi32>
        %lt3A_1436 = arith.constant 0 : i32
        %lt3A_1437 = vector.broadcast %lt3A_1436 : i32 to vector<16xi32>
        %lt3A_1438 = arith.cmpi slt, %xor3A_1435, %lt3A_1437 : vector<16xi32>
        %add3A_1439 = arith.constant 16 : i32
        %add3A_1440 = vector.broadcast %add3A_1439 : i32 to vector<16xi32>
        %add3A_1441 = arith.addi %xor3A_1435, %add3A_1440 : vector<16xi32>
        %select_n3A_1442 = arith.select %lt3A_1438, %add3A_1441, %xor3A_1435 : vector<16xi1>, vector<16xi32>
        %broadcast_in_dim3A_1443 = vector.shape_cast %select_n3A_1442 : vector<16xi32> to vector<16x1xi32>
        %gather3A_1444 = vector.shape_cast %broadcast_in_dim3A_1443 : vector<16x1xi32> to vector<16xi32>
        %gather3A_1445 = tpu.dynamic_gather %add3A_1432[%gather3A_1444] in [0] : vector<16xf32>, vector<16xi32> -> vector<16xf32>
        %add3A_1446 = arith.addf %add3A_1432, %gather3A_1445 : vector<16xf32>
        %xor3A_1447 = arith.constant 1 : i32
        %xor3A_1448 = vector.broadcast %xor3A_1447 : i32 to vector<16xi32>
        %xor3A_1449 = arith.xori %iota3A, %xor3A_1448 : vector<16xi32>
        %lt3A_1450 = arith.constant 0 : i32
        %lt3A_1451 = vector.broadcast %lt3A_1450 : i32 to vector<16xi32>
        %lt3A_1452 = arith.cmpi slt, %xor3A_1449, %lt3A_1451 : vector<16xi32>
        %add3A_1453 = arith.constant 16 : i32
        %add3A_1454 = vector.broadcast %add3A_1453 : i32 to vector<16xi32>
        %add3A_1455 = arith.addi %xor3A_1449, %add3A_1454 : vector<16xi32>
        %select_n3A_1456 = arith.select %lt3A_1452, %add3A_1455, %xor3A_1449 : vector<16xi1>, vector<16xi32>
        %broadcast_in_dim3A_1457 = vector.shape_cast %select_n3A_1456 : vector<16xi32> to vector<16x1xi32>
        %gather3A_1458 = vector.shape_cast %broadcast_in_dim3A_1457 : vector<16x1xi32> to vector<16xi32>
        %gather3A_1459 = tpu.dynamic_gather %add3A_1446[%gather3A_1458] in [0] : vector<16xf32>, vector<16xi32> -> vector<16xf32>
        %add3A_1460 = arith.addf %add3A_1446, %gather3A_1459 : vector<16xf32>
        %eq3A = vector.broadcast %scan3A_1293 : i32 to vector<16xi32>
        %eq3A_1461 = arith.cmpi eq, %iota3A, %eq3A : vector<16xi32>
        %select_n3A_1462 = arith.select %eq3A_1461, %add3A_1460, %scan3A_1294 : vector<16xi1>, vector<16xf32>
        scf.yield %select_n3A_1462 : vector<16xf32>
      }
      %scan3A_1271 = arith.constant 16 : i32
      %mul3A_1272 = arith.constant 16 : i32
      %mul3A_1273 = arith.muli %scan3A_1264, %mul3A_1272 : i32
      %get3A = arith.constant 0 : i32
      %get3A_1274 = arith.index_cast %get3A : i32 to index
      %get3A_1275 = arith.index_cast %mul3A_1273 : i32 to index
      %get3A_1276 = tpu.vector_load %arg17[%get3A_1274, %get3A_1275] {strides = array<i32>} : memref<3x128xf32, #tpu.memory_space<vmem>>, vector<1x16xf32>,
      %get3A_1277 = vector.shape_cast %get3A_1276 : vector<1x16xf32> to vector<16xf32>
      %add3A_1278 = arith.addf %scan3A_1270, %get3A_1277 : vector<16xf32>
      %get3A_1279 = arith.constant 0 : i32
      %get3A_1280 = arith.index_cast %get3A_1279 : i32 to index
      %get3A_1281 = arith.index_cast %mul3A_1273 : i32 to index
      %get3A_1282 = tpu.vector_load %arg18[%get3A_1280, %get3A_1281] {strides = array<i32>} : memref<3x128xf32, #tpu.memory_space<vmem>>, vector<1x16xf32>,
      %get3A_1283 = vector.shape_cast %get3A_1282 : vector<1x16xf32> to vector<16xf32>
      %add3A_1284 = arith.addf %add3A_1278, %get3A_1283 : vector<16xf32>
      %add3A_1285 = arith.constant 3.500000e+00 : f32
      %add3A_1286 = vector.broadcast %add3A_1285 : f32 to vector<16xf32>
      %add3A_1287 = arith.addf %add3A_1284, %add3A_1286 : vector<16xf32>
      %swap3A = arith.constant 0 : i32
      %swap3A_1288 = arith.index_cast %swap3A : i32 to index
      %swap3A_1289 = arith.index_cast %mul3A_1273 : i32 to index
      %swap3A_1290 = tpu.vector_load %arg19[%swap3A_1288, %swap3A_1289] {strides = array<i32>} : memref<3x128xf32, #tpu.memory_space<vmem>>, vector<1x16xf32>,
      %swap3A_1291 = vector.shape_cast %swap3A_1290 : vector<1x16xf32> to vector<16xf32>
      %swap3A_1292 = vector.shape_cast %add3A_1287 : vector<16xf32> to vector<1x16xf32>
      tpu.vector_store %arg19[%swap3A_1288, %swap3A_1289], %swap3A_1292 {strides = array<i32>} : memref<3x128xf32, #tpu.memory_space<vmem>>, vector<1x16xf32>,
    }
    %scan3A_1011 = arith.constant 8 : i32
    %dma_start3A_1012 = arith.constant 0 : i32
    %dma_start3A_1013 = arith.constant 0 : i32
    %dma_start3A_1014 = arith.constant 0 : i32
    %dma_start3A_1015 = tpu.memref_slice %arg19[%dma_start3A_1012, %dma_start3A_1014] : memref<3x128xf32, #tpu.memory_space<vmem>> -> memref<1x128xf32, #tpu.memory_space<vmem>>
    %dma_start3A_1016 = tpu.memref_squeeze %dma_start3A_1015 : memref<1x128xf32, #tpu.memory_space<vmem>> -> memref<128xf32, #tpu.memory_space<vmem>>
    %dma_start3A_1017 = tpu.memref_slice %arg8[%add3A_865] : memref<16384xf32, #tpu.memory_space<hbm>> -> memref<128xf32, #tpu.memory_space<hbm>>
    %dma_start3A_1018 = tpu.memref_slice %arg22[%dma_start3A_1013] : memref<3x!tpu.dma_semaphore, #tpu.memory_space<semaphore_mem>> -> memref<1x!tpu.dma_semaphore, #tpu.memory_space<semaphore_mem>>
    %dma_start3A_1019 = tpu.memref_squeeze %dma_start3A_1018 : memref<1x!tpu.dma_semaphore, #tpu.memory_space<semaphore_mem>> -> memref<!tpu.dma_semaphore, #tpu.memory_space<semaphore_mem>>
    %dma_start3A_1020 = tpu.memref_slice %arg8[%add3A_865] : memref<16384xf32, #tpu.memory_space<hbm>> -> memref<128xf32, #tpu.memory_space<hbm>>
    %dma_start3A_1021 = arith.constant 0 : i32
    %dma_start3A_1022 = tpu.memref_slice %arg19[%dma_start3A_1012, %dma_start3A_1021] : memref<3x128xf32, #tpu.memory_space<vmem>> -> memref<1x128xf32, #tpu.memory_space<vmem>>
    %dma_start3A_1023 = tpu.memref_squeeze %dma_start3A_1022 : memref<1x128xf32, #tpu.memory_space<vmem>> -> memref<128xf32, #tpu.memory_space<vmem>>
    tpu.enqueue_dma source(%dma_start3A_1023 : memref<128xf32, #tpu.memory_space<vmem>>) target(%dma_start3A_1020 : memref<128xf32, #tpu.memory_space<hbm>>) target_semaphore(%dma_start3A_1019 : memref<!tpu.dma_semaphore, #tpu.memory_space<semaphore_mem>>)
    %dma_wait3A_1024 = arith.constant 0 : i32
    %dma_wait3A_1025 = arith.constant 0 : i32
    %dma_wait3A_1026 = arith.constant 0 : i32
    %dma_wait3A_1027 = arith.constant 0 : i32
    %dma_wait3A_1028 = tpu.memref_slice %arg15[%dma_wait3A_1024, %dma_wait3A_1026, %dma_wait3A_1027] : memref<3x128x128xf32, #tpu.memory_space<vmem>> -> memref<1x128x128xf32, #tpu.memory_space<vmem>>
    %dma_wait3A_1029 = tpu.memref_squeeze %dma_wait3A_1028 : memref<1x128x128xf32, #tpu.memory_space<vmem>> -> memref<128x128xf32, #tpu.memory_space<vmem>>
    %dma_wait3A_1030 = arith.constant 0 : i32
    %dma_wait3A_1031 = arith.constant 0 : i32
    %dma_wait3A_1032 = tpu.memref_slice %dma_wait3A_1029[%dma_wait3A_1030, %dma_wait3A_1031] : memref<128x128xf32, #tpu.memory_space<vmem>> -> memref<128x128xf32, #tpu.memory_space<vmem>>
    %dma_wait3A_1033 = arith.constant 0 : i32
    %dma_wait3A_1034 = tpu.memref_slice %arg11[%add3A_909, %dma_wait3A_1033] : memref<16384x128xf32, #tpu.memory_space<hbm>> -> memref<128x128xf32, #tpu.memory_space<hbm>>
    %dma_wait3A_1035 = tpu.memref_slice %arg22[%dma_wait3A_1025] : memref<3x!tpu.dma_semaphore, #tpu.memory_space<semaphore_mem>> -> memref<1x!tpu.dma_semaphore, #tpu.memory_space<semaphore_mem>>
    %dma_wait3A_1036 = tpu.memref_squeeze %dma_wait3A_1035 : memref<1x!tpu.dma_semaphore, #tpu.memory_space<semaphore_mem>> -> memref<!tpu.dma_semaphore, #tpu.memory_space<semaphore_mem>>
    %dma_wait3A_1037 = arith.constant 0 : i32
    %dma_wait3A_1038 = tpu.memref_slice %arg11[%add3A_909, %dma_wait3A_1037] : memref<16384x128xf32, #tpu.memory_space<hbm>> -> memref<128x128xf32, #tpu.memory_space<hbm>>
    %dma_wait3A_1039 = arith.constant 0 : i32
    %dma_wait3A_1040 = arith.constant 0 : i32
    %dma_wait3A_1041 = tpu.memref_slice %arg15[%dma_wait3A_1024, %dma_wait3A_1039, %dma_wait3A_1040] : memref<3x128x128xf32, #tpu.memory_space<vmem>> -> memref<1x128x128xf32, #tpu.memory_space<vmem>>
    %dma_wait3A_1042 = tpu.memref_squeeze %dma_wait3A_1041 : memref<1x128x128xf32, #tpu.memory_space<vmem>> -> memref<128x128xf32, #tpu.memory_space<vmem>>
    %dma_wait3A_1043 = arith.constant 0 : i32
    %dma_wait3A_1044 = arith.constant 0 : i32
    %dma_wait3A_1045 = tpu.memref_slice %dma_wait3A_1042[%dma_wait3A_1043, %dma_wait3A_1044] : memref<128x128xf32, #tpu.memory_space<vmem>> -> memref<128x128xf32, #tpu.memory_space<vmem>>
    tpu.wait_dma2 semaphore(%dma_wait3A_1036 : memref<!tpu.dma_semaphore, #tpu.memory_space<semaphore_mem>>) src(%dma_wait3A_1045 : memref<128x128xf32, #tpu.memory_space<vmem>>) dst(%dma_wait3A_1038 : memref<128x128xf32, #tpu.memory_space<hbm>>)
    %dma_wait3A_1046 = arith.constant 0 : i32
    %dma_wait3A_1047 = arith.constant 0 : i32
    %dma_wait3A_1048 = arith.constant 0 : i32
    %dma_wait3A_1049 = arith.constant 0 : i32
    %dma_wait3A_1050 = tpu.memref_slice %arg16[%dma_wait3A_1046, %dma_wait3A_1048, %dma_wait3A_1049] : memref<3x128x128xf32, #tpu.memory_space<vmem>> -> memref<1x128x128xf32, #tpu.memory_space<vmem>>
    %dma_wait3A_1051 = tpu.memref_squeeze %dma_wait3A_1050 : memref<1x128x128xf32, #tpu.memory_space<vmem>> -> memref<128x128xf32, #tpu.memory_space<vmem>>
    %dma_wait3A_1052 = arith.constant 0 : i32
    %dma_wait3A_1053 = arith.constant 0 : i32
    %dma_wait3A_1054 = tpu.memref_slice %dma_wait3A_1051[%dma_wait3A_1052, %dma_wait3A_1053] : memref<128x128xf32, #tpu.memory_space<vmem>> -> memref<128x128xf32, #tpu.memory_space<vmem>>
    %dma_wait3A_1055 = arith.constant 0 : i32
    %dma_wait3A_1056 = tpu.memref_slice %arg12[%add3A_933, %dma_wait3A_1055] : memref<16384x128xf32, #tpu.memory_space<hbm>> -> memref<128x128xf32, #tpu.memory_space<hbm>>
    %dma_wait3A_1057 = tpu.memref_slice %arg22[%dma_wait3A_1047] : memref<3x!tpu.dma_semaphore, #tpu.memory_space<semaphore_mem>> -> memref<1x!tpu.dma_semaphore, #tpu.memory_space<semaphore_mem>>
    %dma_wait3A_1058 = tpu.memref_squeeze %dma_wait3A_1057 : memref<1x!tpu.dma_semaphore, #tpu.memory_space<semaphore_mem>> -> memref<!tpu.dma_semaphore, #tpu.memory_space<semaphore_mem>>
    %dma_wait3A_1059 = arith.constant 0 : i32
    %dma_wait3A_1060 = tpu.memref_slice %arg12[%add3A_933, %dma_wait3A_1059] : memref<16384x128xf32, #tpu.memory_space<hbm>> -> memref<128x128xf32, #tpu.memory_space<hbm>>
    %dma_wait3A_1061 = arith.constant 0 : i32
    %dma_wait3A_1062 = arith.constant 0 : i32
    %dma_wait3A_1063 = tpu.memref_slice %arg16[%dma_wait3A_1046, %dma_wait3A_1061, %dma_wait3A_1062] : memref<3x128x128xf32, #tpu.memory_space<vmem>> -> memref<1x128x128xf32, #tpu.memory_space<vmem>>
    %dma_wait3A_1064 = tpu.memref_squeeze %dma_wait3A_1063 : memref<1x128x128xf32, #tpu.memory_space<vmem>> -> memref<128x128xf32, #tpu.memory_space<vmem>>
    %dma_wait3A_1065 = arith.constant 0 : i32
    %dma_wait3A_1066 = arith.constant 0 : i32
    %dma_wait3A_1067 = tpu.memref_slice %dma_wait3A_1064[%dma_wait3A_1065, %dma_wait3A_1066] : memref<128x128xf32, #tpu.memory_space<vmem>> -> memref<128x128xf32, #tpu.memory_space<vmem>>
    tpu.wait_dma2 semaphore(%dma_wait3A_1058 : memref<!tpu.dma_semaphore, #tpu.memory_space<semaphore_mem>>) src(%dma_wait3A_1067 : memref<128x128xf32, #tpu.memory_space<vmem>>) dst(%dma_wait3A_1060 : memref<128x128xf32, #tpu.memory_space<hbm>>)
    %dma_wait3A_1068 = arith.constant 0 : i32
    %dma_wait3A_1069 = arith.constant 0 : i32
    %dma_wait3A_1070 = arith.constant 0 : i32
    %dma_wait3A_1071 = tpu.memref_slice %arg17[%dma_wait3A_1068, %dma_wait3A_1070] : memref<3x128xf32, #tpu.memory_space<vmem>> -> memref<1x128xf32, #tpu.memory_space<vmem>>
    %dma_wait3A_1072 = tpu.memref_squeeze %dma_wait3A_1071 : memref<1x128xf32, #tpu.memory_space<vmem>> -> memref<128xf32, #tpu.memory_space<vmem>>
    %dma_wait3A_1073 = tpu.memref_slice %arg9[%add3A_865] : memref<16384xf32, #tpu.memory_space<hbm>> -> memref<128xf32, #tpu.memory_space<hbm>>
    %dma_wait3A_1074 = tpu.memref_slice %arg22[%dma_wait3A_1069] : memref<3x!tpu.dma_semaphore, #tpu.memory_space<semaphore_mem>> -> memref<1x!tpu.dma_semaphore, #tpu.memory_space<semaphore_mem>>
    %dma_wait3A_1075 = tpu.memref_squeeze %dma_wait3A_1074 : memref<1x!tpu.dma_semaphore, #tpu.memory_space<semaphore_mem>> -> memref<!tpu.dma_semaphore, #tpu.memory_space<semaphore_mem>>
    %dma_wait3A_1076 = tpu.memref_slice %arg9[%add3A_865] : memref<16384xf32, #tpu.memory_space<hbm>> -> memref<128xf32, #tpu.memory_space<hbm>>
    %dma_wait3A_1077 = arith.constant 0 : i32
    %dma_wait3A_1078 = tpu.memref_slice %arg17[%dma_wait3A_1068, %dma_wait3A_1077] : memref<3x128xf32, #tpu.memory_space<vmem>> -> memref<1x128xf32, #tpu.memory_space<vmem>>
    %dma_wait3A_1079 = tpu.memref_squeeze %dma_wait3A_1078 : memref<1x128xf32, #tpu.memory_space<vmem>> -> memref<128xf32, #tpu.memory_space<vmem>>
    tpu.wait_dma2 semaphore(%dma_wait3A_1075 : memref<!tpu.dma_semaphore, #tpu.memory_space<semaphore_mem>>) src(%dma_wait3A_1079 : memref<128xf32, #tpu.memory_space<vmem>>) dst(%dma_wait3A_1076 : memref<128xf32, #tpu.memory_space<hbm>>)
    %dma_wait3A_1080 = arith.constant 0 : i32
    %dma_wait3A_1081 = arith.constant 0 : i32
    %dma_wait3A_1082 = arith.constant 0 : i32
    %dma_wait3A_1083 = tpu.memref_slice %arg18[%dma_wait3A_1080, %dma_wait3A_1082] : memref<3x128xf32, #tpu.memory_space<vmem>> -> memref<1x128xf32, #tpu.memory_space<vmem>>
    %dma_wait3A_1084 = tpu.memref_squeeze %dma_wait3A_1083 : memref<1x128xf32, #tpu.memory_space<vmem>> -> memref<128xf32, #tpu.memory_space<vmem>>
    %dma_wait3A_1085 = tpu.memref_slice %arg10[%add3A_865] : memref<16384xf32, #tpu.memory_space<hbm>> -> memref<128xf32, #tpu.memory_space<hbm>>
    %dma_wait3A_1086 = tpu.memref_slice %arg22[%dma_wait3A_1081] : memref<3x!tpu.dma_semaphore, #tpu.memory_space<semaphore_mem>> -> memref<1x!tpu.dma_semaphore, #tpu.memory_space<semaphore_mem>>
    %dma_wait3A_1087 = tpu.memref_squeeze %dma_wait3A_1086 : memref<1x!tpu.dma_semaphore, #tpu.memory_space<semaphore_mem>> -> memref<!tpu.dma_semaphore, #tpu.memory_space<semaphore_mem>>
    %dma_wait3A_1088 = tpu.memref_slice %arg10[%add3A_865] : memref<16384xf32, #tpu.memory_space<hbm>> -> memref<128xf32, #tpu.memory_space<hbm>>
    %dma_wait3A_1089 = arith.constant 0 : i32
    %dma_wait3A_1090 = tpu.memref_slice %arg18[%dma_wait3A_1080, %dma_wait3A_1089] : memref<3x128xf32, #tpu.memory_space<vmem>> -> memref<1x128xf32, #tpu.memory_space<vmem>>
    %dma_wait3A_1091 = tpu.memref_squeeze %dma_wait3A_1090 : memref<1x128xf32, #tpu.memory_space<vmem>> -> memref<128xf32, #tpu.memory_space<vmem>>
    tpu.wait_dma2 semaphore(%dma_wait3A_1087 : memref<!tpu.dma_semaphore, #tpu.memory_space<semaphore_mem>>) src(%dma_wait3A_1091 : memref<128xf32, #tpu.memory_space<vmem>>) dst(%dma_wait3A_1088 : memref<128xf32, #tpu.memory_space<hbm>>)
    %dma_wait3A_1092 = arith.constant 0 : i32
    %dma_wait3A_1093 = arith.constant 0 : i32
    %dma_wait3A_1094 = arith.constant 0 : i32
    %dma_wait3A_1095 = tpu.memref_slice %arg19[%dma_wait3A_1092, %dma_wait3A_1094] : memref<3x128xf32, #tpu.memory_space<vmem>> -> memref<1x128xf32, #tpu.memory_space<vmem>>
    %dma_wait3A_1096 = tpu.memref_squeeze %dma_wait3A_1095 : memref<1x128xf32, #tpu.memory_space<vmem>> -> memref<128xf32, #tpu.memory_space<vmem>>
    %dma_wait3A_1097 = tpu.memref_slice %arg8[%add3A_865] : memref<16384xf32, #tpu.memory_space<hbm>> -> memref<128xf32, #tpu.memory_space<hbm>>
    %dma_wait3A_1098 = tpu.memref_slice %arg22[%dma_wait3A_1093] : memref<3x!tpu.dma_semaphore, #tpu.memory_space<semaphore_mem>> -> memref<1x!tpu.dma_semaphore, #tpu.memory_space<semaphore_mem>>
    %dma_wait3A_1099 = tpu.memref_squeeze %dma_wait3A_1098 : memref<1x!tpu.dma_semaphore, #tpu.memory_space<semaphore_mem>> -> memref<!tpu.dma_semaphore, #tpu.memory_space<semaphore_mem>>
    %dma_wait3A_1100 = tpu.memref_slice %arg8[%add3A_865] : memref<16384xf32, #tpu.memory_space<hbm>> -> memref<128xf32, #tpu.memory_space<hbm>>
    %dma_wait3A_1101 = arith.constant 0 : i32
    %dma_wait3A_1102 = tpu.memref_slice %arg19[%dma_wait3A_1092, %dma_wait3A_1101] : memref<3x128xf32, #tpu.memory_space<vmem>> -> memref<1x128xf32, #tpu.memory_space<vmem>>
    %dma_wait3A_1103 = tpu.memref_squeeze %dma_wait3A_1102 : memref<1x128xf32, #tpu.memory_space<vmem>> -> memref<128xf32, #tpu.memory_space<vmem>>
    tpu.wait_dma2 semaphore(%dma_wait3A_1099 : memref<!tpu.dma_semaphore, #tpu.memory_space<semaphore_mem>>) src(%dma_wait3A_1103 : memref<128xf32, #tpu.memory_space<vmem>>) dst(%dma_wait3A_1100 : memref<128xf32, #tpu.memory_space<hbm>>)
    %dma_wait3A_1104 = arith.constant 1 : i32
    %dma_wait3A_1105 = arith.constant 1 : i32
    %dma_wait3A_1106 = arith.constant 0 : i32
    %dma_wait3A_1107 = arith.constant 0 : i32
    %dma_wait3A_1108 = tpu.memref_slice %arg15[%dma_wait3A_1104, %dma_wait3A_1106, %dma_wait3A_1107] : memref<3x128x128xf32, #tpu.memory_space<vmem>> -> memref<1x128x128xf32, #tpu.memory_space<vmem>>
    %dma_wait3A_1109 = tpu.memref_squeeze %dma_wait3A_1108 : memref<1x128x128xf32, #tpu.memory_space<vmem>> -> memref<128x128xf32, #tpu.memory_space<vmem>>
    %dma_wait3A_1110 = arith.constant 0 : i32
    %dma_wait3A_1111 = arith.constant 0 : i32
    %dma_wait3A_1112 = tpu.memref_slice %dma_wait3A_1109[%dma_wait3A_1110, %dma_wait3A_1111] : memref<128x128xf32, #tpu.memory_space<vmem>> -> memref<128x128xf32, #tpu.memory_space<vmem>>
    %dma_wait3A_1113 = arith.constant 0 : i32
    %dma_wait3A_1114 = tpu.memref_slice %arg11[%add3A_589, %dma_wait3A_1113] : memref<16384x128xf32, #tpu.memory_space<hbm>> -> memref<128x128xf32, #tpu.memory_space<hbm>>
    %dma_wait3A_1115 = tpu.memref_slice %arg22[%dma_wait3A_1105] : memref<3x!tpu.dma_semaphore, #tpu.memory_space<semaphore_mem>> -> memref<1x!tpu.dma_semaphore, #tpu.memory_space<semaphore_mem>>
    %dma_wait3A_1116 = tpu.memref_squeeze %dma_wait3A_1115 : memref<1x!tpu.dma_semaphore, #tpu.memory_space<semaphore_mem>> -> memref<!tpu.dma_semaphore, #tpu.memory_space<semaphore_mem>>
    %dma_wait3A_1117 = arith.constant 0 : i32
    %dma_wait3A_1118 = tpu.memref_slice %arg11[%add3A_589, %dma_wait3A_1117] : memref<16384x128xf32, #tpu.memory_space<hbm>> -> memref<128x128xf32, #tpu.memory_space<hbm>>
    %dma_wait3A_1119 = arith.constant 0 : i32
    %dma_wait3A_1120 = arith.constant 0 : i32
    %dma_wait3A_1121 = tpu.memref_slice %arg15[%dma_wait3A_1104, %dma_wait3A_1119, %dma_wait3A_1120] : memref<3x128x128xf32, #tpu.memory_space<vmem>> -> memref<1x128x128xf32, #tpu.memory_space<vmem>>
    %dma_wait3A_1122 = tpu.memref_squeeze %dma_wait3A_1121 : memref<1x128x128xf32, #tpu.memory_space<vmem>> -> memref<128x128xf32, #tpu.memory_space<vmem>>
    %dma_wait3A_1123 = arith.constant 0 : i32
    %dma_wait3A_1124 = arith.constant 0 : i32
    %dma_wait3A_1125 = tpu.memref_slice %dma_wait3A_1122[%dma_wait3A_1123, %dma_wait3A_1124] : memref<128x128xf32, #tpu.memory_space<vmem>> -> memref<128x128xf32, #tpu.memory_space<vmem>>
    tpu.wait_dma2 semaphore(%dma_wait3A_1116 : memref<!tpu.dma_semaphore, #tpu.memory_space<semaphore_mem>>) src(%dma_wait3A_1125 : memref<128x128xf32, #tpu.memory_space<vmem>>) dst(%dma_wait3A_1118 : memref<128x128xf32, #tpu.memory_space<hbm>>)
    %dma_wait3A_1126 = arith.constant 1 : i32
    %dma_wait3A_1127 = arith.constant 1 : i32
    %dma_wait3A_1128 = arith.constant 0 : i32
    %dma_wait3A_1129 = arith.constant 0 : i32
    %dma_wait3A_1130 = tpu.memref_slice %arg16[%dma_wait3A_1126, %dma_wait3A_1128, %dma_wait3A_1129] : memref<3x128x128xf32, #tpu.memory_space<vmem>> -> memref<1x128x128xf32, #tpu.memory_space<vmem>>
    %dma_wait3A_1131 = tpu.memref_squeeze %dma_wait3A_1130 : memref<1x128x128xf32, #tpu.memory_space<vmem>> -> memref<128x128xf32, #tpu.memory_space<vmem>>
    %dma_wait3A_1132 = arith.constant 0 : i32
    %dma_wait3A_1133 = arith.constant 0 : i32
    %dma_wait3A_1134 = tpu.memref_slice %dma_wait3A_1131[%dma_wait3A_1132, %dma_wait3A_1133] : memref<128x128xf32, #tpu.memory_space<vmem>> -> memref<128x128xf32, #tpu.memory_space<vmem>>
    %dma_wait3A_1135 = arith.constant 0 : i32
    %dma_wait3A_1136 = tpu.memref_slice %arg12[%add3A_613, %dma_wait3A_1135] : memref<16384x128xf32, #tpu.memory_space<hbm>> -> memref<128x128xf32, #tpu.memory_space<hbm>>
    %dma_wait3A_1137 = tpu.memref_slice %arg22[%dma_wait3A_1127] : memref<3x!tpu.dma_semaphore, #tpu.memory_space<semaphore_mem>> -> memref<1x!tpu.dma_semaphore, #tpu.memory_space<semaphore_mem>>
    %dma_wait3A_1138 = tpu.memref_squeeze %dma_wait3A_1137 : memref<1x!tpu.dma_semaphore, #tpu.memory_space<semaphore_mem>> -> memref<!tpu.dma_semaphore, #tpu.memory_space<semaphore_mem>>
    %dma_wait3A_1139 = arith.constant 0 : i32
    %dma_wait3A_1140 = tpu.memref_slice %arg12[%add3A_613, %dma_wait3A_1139] : memref<16384x128xf32, #tpu.memory_space<hbm>> -> memref<128x128xf32, #tpu.memory_space<hbm>>
    %dma_wait3A_1141 = arith.constant 0 : i32
    %dma_wait3A_1142 = arith.constant 0 : i32
    %dma_wait3A_1143 = tpu.memref_slice %arg16[%dma_wait3A_1126, %dma_wait3A_1141, %dma_wait3A_1142] : memref<3x128x128xf32, #tpu.memory_space<vmem>> -> memref<1x128x128xf32, #tpu.memory_space<vmem>>
    %dma_wait3A_1144 = tpu.memref_squeeze %dma_wait3A_1143 : memref<1x128x128xf32, #tpu.memory_space<vmem>> -> memref<128x128xf32, #tpu.memory_space<vmem>>
    %dma_wait3A_1145 = arith.constant 0 : i32
    %dma_wait3A_1146 = arith.constant 0 : i32
    %dma_wait3A_1147 = tpu.memref_slice %dma_wait3A_1144[%dma_wait3A_1145, %dma_wait3A_1146] : memref<128x128xf32, #tpu.memory_space<vmem>> -> memref<128x128xf32, #tpu.memory_space<vmem>>
    tpu.wait_dma2 semaphore(%dma_wait3A_1138 : memref<!tpu.dma_semaphore, #tpu.memory_space<semaphore_mem>>) src(%dma_wait3A_1147 : memref<128x128xf32, #tpu.memory_space<vmem>>) dst(%dma_wait3A_1140 : memref<128x128xf32, #tpu.memory_space<hbm>>)
    %dma_wait3A_1148 = arith.constant 1 : i32
    %dma_wait3A_1149 = arith.constant 1 : i32
    %dma_wait3A_1150 = arith.constant 0 : i32
    %dma_wait3A_1151 = tpu.memref_slice %arg17[%dma_wait3A_1148, %dma_wait3A_1150] : memref<3x128xf32, #tpu.memory_space<vmem>> -> memref<1x128xf32, #tpu.memory_space<vmem>>
    %dma_wait3A_1152 = tpu.memref_squeeze %dma_wait3A_1151 : memref<1x128xf32, #tpu.memory_space<vmem>> -> memref<128xf32, #tpu.memory_space<vmem>>
    %dma_wait3A_1153 = tpu.memref_slice %arg9[%add3A_545] : memref<16384xf32, #tpu.memory_space<hbm>> -> memref<128xf32, #tpu.memory_space<hbm>>
    %dma_wait3A_1154 = tpu.memref_slice %arg22[%dma_wait3A_1149] : memref<3x!tpu.dma_semaphore, #tpu.memory_space<semaphore_mem>> -> memref<1x!tpu.dma_semaphore, #tpu.memory_space<semaphore_mem>>
    %dma_wait3A_1155 = tpu.memref_squeeze %dma_wait3A_1154 : memref<1x!tpu.dma_semaphore, #tpu.memory_space<semaphore_mem>> -> memref<!tpu.dma_semaphore, #tpu.memory_space<semaphore_mem>>
    %dma_wait3A_1156 = tpu.memref_slice %arg9[%add3A_545] : memref<16384xf32, #tpu.memory_space<hbm>> -> memref<128xf32, #tpu.memory_space<hbm>>
    %dma_wait3A_1157 = arith.constant 0 : i32
    %dma_wait3A_1158 = tpu.memref_slice %arg17[%dma_wait3A_1148, %dma_wait3A_1157] : memref<3x128xf32, #tpu.memory_space<vmem>> -> memref<1x128xf32, #tpu.memory_space<vmem>>
    %dma_wait3A_1159 = tpu.memref_squeeze %dma_wait3A_1158 : memref<1x128xf32, #tpu.memory_space<vmem>> -> memref<128xf32, #tpu.memory_space<vmem>>
    tpu.wait_dma2 semaphore(%dma_wait3A_1155 : memref<!tpu.dma_semaphore, #tpu.memory_space<semaphore_mem>>) src(%dma_wait3A_1159 : memref<128xf32, #tpu.memory_space<vmem>>) dst(%dma_wait3A_1156 : memref<128xf32, #tpu.memory_space<hbm>>)
    %dma_wait3A_1160 = arith.constant 1 : i32
    %dma_wait3A_1161 = arith.constant 1 : i32
    %dma_wait3A_1162 = arith.constant 0 : i32
    %dma_wait3A_1163 = tpu.memref_slice %arg18[%dma_wait3A_1160, %dma_wait3A_1162] : memref<3x128xf32, #tpu.memory_space<vmem>> -> memref<1x128xf32, #tpu.memory_space<vmem>>
    %dma_wait3A_1164 = tpu.memref_squeeze %dma_wait3A_1163 : memref<1x128xf32, #tpu.memory_space<vmem>> -> memref<128xf32, #tpu.memory_space<vmem>>
    %dma_wait3A_1165 = tpu.memref_slice %arg10[%add3A_545] : memref<16384xf32, #tpu.memory_space<hbm>> -> memref<128xf32, #tpu.memory_space<hbm>>
    %dma_wait3A_1166 = tpu.memref_slice %arg22[%dma_wait3A_1161] : memref<3x!tpu.dma_semaphore, #tpu.memory_space<semaphore_mem>> -> memref<1x!tpu.dma_semaphore, #tpu.memory_space<semaphore_mem>>
    %dma_wait3A_1167 = tpu.memref_squeeze %dma_wait3A_1166 : memref<1x!tpu.dma_semaphore, #tpu.memory_space<semaphore_mem>> -> memref<!tpu.dma_semaphore, #tpu.memory_space<semaphore_mem>>
    %dma_wait3A_1168 = tpu.memref_slice %arg10[%add3A_545] : memref<16384xf32, #tpu.memory_space<hbm>> -> memref<128xf32, #tpu.memory_space<hbm>>
    %dma_wait3A_1169 = arith.constant 0 : i32
    %dma_wait3A_1170 = tpu.memref_slice %arg18[%dma_wait3A_1160, %dma_wait3A_1169] : memref<3x128xf32, #tpu.memory_space<vmem>> -> memref<1x128xf32, #tpu.memory_space<vmem>>
    %dma_wait3A_1171 = tpu.memref_squeeze %dma_wait3A_1170 : memref<1x128xf32, #tpu.memory_space<vmem>> -> memref<128xf32, #tpu.memory_space<vmem>>
    tpu.wait_dma2 semaphore(%dma_wait3A_1167 : memref<!tpu.dma_semaphore, #tpu.memory_space<semaphore_mem>>) src(%dma_wait3A_1171 : memref<128xf32, #tpu.memory_space<vmem>>) dst(%dma_wait3A_1168 : memref<128xf32, #tpu.memory_space<hbm>>)
    %dma_wait3A_1172 = arith.constant 1 : i32
    %dma_wait3A_1173 = arith.constant 1 : i32
    %dma_wait3A_1174 = arith.constant 0 : i32
    %dma_wait3A_1175 = tpu.memref_slice %arg19[%dma_wait3A_1172, %dma_wait3A_1174] : memref<3x128xf32, #tpu.memory_space<vmem>> -> memref<1x128xf32, #tpu.memory_space<vmem>>
    %dma_wait3A_1176 = tpu.memref_squeeze %dma_wait3A_1175 : memref<1x128xf32, #tpu.memory_space<vmem>> -> memref<128xf32, #tpu.memory_space<vmem>>
    %dma_wait3A_1177 = tpu.memref_slice %arg8[%add3A_545] : memref<16384xf32, #tpu.memory_space<hbm>> -> memref<128xf32, #tpu.memory_space<hbm>>
    %dma_wait3A_1178 = tpu.memref_slice %arg22[%dma_wait3A_1173] : memref<3x!tpu.dma_semaphore, #tpu.memory_space<semaphore_mem>> -> memref<1x!tpu.dma_semaphore, #tpu.memory_space<semaphore_mem>>
    %dma_wait3A_1179 = tpu.memref_squeeze %dma_wait3A_1178 : memref<1x!tpu.dma_semaphore, #tpu.memory_space<semaphore_mem>> -> memref<!tpu.dma_semaphore, #tpu.memory_space<semaphore_mem>>
    %dma_wait3A_1180 = tpu.memref_slice %arg8[%add3A_545] : memref<16384xf32, #tpu.memory_space<hbm>> -> memref<128xf32, #tpu.memory_space<hbm>>
    %dma_wait3A_1181 = arith.constant 0 : i32
    %dma_wait3A_1182 = tpu.memref_slice %arg19[%dma_wait3A_1172, %dma_wait3A_1181] : memref<3x128xf32, #tpu.memory_space<vmem>> -> memref<1x128xf32, #tpu.memory_space<vmem>>
    %dma_wait3A_1183 = tpu.memref_squeeze %dma_wait3A_1182 : memref<1x128xf32, #tpu.memory_space<vmem>> -> memref<128xf32, #tpu.memory_space<vmem>>
    tpu.wait_dma2 semaphore(%dma_wait3A_1179 : memref<!tpu.dma_semaphore, #tpu.memory_space<semaphore_mem>>) src(%dma_wait3A_1183 : memref<128xf32, #tpu.memory_space<vmem>>) dst(%dma_wait3A_1180 : memref<128xf32, #tpu.memory_space<hbm>>)
    %dma_wait3A_1184 = arith.constant 2 : i32
    %dma_wait3A_1185 = arith.constant 2 : i32
    %dma_wait3A_1186 = arith.constant 0 : i32
    %dma_wait3A_1187 = arith.constant 0 : i32
    %dma_wait3A_1188 = tpu.memref_slice %arg15[%dma_wait3A_1184, %dma_wait3A_1186, %dma_wait3A_1187] : memref<3x128x128xf32, #tpu.memory_space<vmem>> -> memref<1x128x128xf32, #tpu.memory_space<vmem>>
    %dma_wait3A_1189 = tpu.memref_squeeze %dma_wait3A_1188 : memref<1x128x128xf32, #tpu.memory_space<vmem>> -> memref<128x128xf32, #tpu.memory_space<vmem>>
    %dma_wait3A_1190 = arith.constant 0 : i32
    %dma_wait3A_1191 = arith.constant 0 : i32
    %dma_wait3A_1192 = tpu.memref_slice %dma_wait3A_1189[%dma_wait3A_1190, %dma_wait3A_1191] : memref<128x128xf32, #tpu.memory_space<vmem>> -> memref<128x128xf32, #tpu.memory_space<vmem>>
    %dma_wait3A_1193 = arith.constant 0 : i32
    %dma_wait3A_1194 = tpu.memref_slice %arg11[%add3A_749, %dma_wait3A_1193] : memref<16384x128xf32, #tpu.memory_space<hbm>> -> memref<128x128xf32, #tpu.memory_space<hbm>>
    %dma_wait3A_1195 = tpu.memref_slice %arg22[%dma_wait3A_1185] : memref<3x!tpu.dma_semaphore, #tpu.memory_space<semaphore_mem>> -> memref<1x!tpu.dma_semaphore, #tpu.memory_space<semaphore_mem>>
    %dma_wait3A_1196 = tpu.memref_squeeze %dma_wait3A_1195 : memref<1x!tpu.dma_semaphore, #tpu.memory_space<semaphore_mem>> -> memref<!tpu.dma_semaphore, #tpu.memory_space<semaphore_mem>>
    %dma_wait3A_1197 = arith.constant 0 : i32
    %dma_wait3A_1198 = tpu.memref_slice %arg11[%add3A_749, %dma_wait3A_1197] : memref<16384x128xf32, #tpu.memory_space<hbm>> -> memref<128x128xf32, #tpu.memory_space<hbm>>
    %dma_wait3A_1199 = arith.constant 0 : i32
    %dma_wait3A_1200 = arith.constant 0 : i32
    %dma_wait3A_1201 = tpu.memref_slice %arg15[%dma_wait3A_1184, %dma_wait3A_1199, %dma_wait3A_1200] : memref<3x128x128xf32, #tpu.memory_space<vmem>> -> memref<1x128x128xf32, #tpu.memory_space<vmem>>
    %dma_wait3A_1202 = tpu.memref_squeeze %dma_wait3A_1201 : memref<1x128x128xf32, #tpu.memory_space<vmem>> -> memref<128x128xf32, #tpu.memory_space<vmem>>
    %dma_wait3A_1203 = arith.constant 0 : i32
    %dma_wait3A_1204 = arith.constant 0 : i32
    %dma_wait3A_1205 = tpu.memref_slice %dma_wait3A_1202[%dma_wait3A_1203, %dma_wait3A_1204] : memref<128x128xf32, #tpu.memory_space<vmem>> -> memref<128x128xf32, #tpu.memory_space<vmem>>
    tpu.wait_dma2 semaphore(%dma_wait3A_1196 : memref<!tpu.dma_semaphore, #tpu.memory_space<semaphore_mem>>) src(%dma_wait3A_1205 : memref<128x128xf32, #tpu.memory_space<vmem>>) dst(%dma_wait3A_1198 : memref<128x128xf32, #tpu.memory_space<hbm>>)
    %dma_wait3A_1206 = arith.constant 2 : i32
    %dma_wait3A_1207 = arith.constant 2 : i32
    %dma_wait3A_1208 = arith.constant 0 : i32
    %dma_wait3A_1209 = arith.constant 0 : i32
    %dma_wait3A_1210 = tpu.memref_slice %arg16[%dma_wait3A_1206, %dma_wait3A_1208, %dma_wait3A_1209] : memref<3x128x128xf32, #tpu.memory_space<vmem>> -> memref<1x128x128xf32, #tpu.memory_space<vmem>>
    %dma_wait3A_1211 = tpu.memref_squeeze %dma_wait3A_1210 : memref<1x128x128xf32, #tpu.memory_space<vmem>> -> memref<128x128xf32, #tpu.memory_space<vmem>>
    %dma_wait3A_1212 = arith.constant 0 : i32
    %dma_wait3A_1213 = arith.constant 0 : i32
    %dma_wait3A_1214 = tpu.memref_slice %dma_wait3A_1211[%dma_wait3A_1212, %dma_wait3A_1213] : memref<128x128xf32, #tpu.memory_space<vmem>> -> memref<128x128xf32, #tpu.memory_space<vmem>>
    %dma_wait3A_1215 = arith.constant 0 : i32
    %dma_wait3A_1216 = tpu.memref_slice %arg12[%add3A_773, %dma_wait3A_1215] : memref<16384x128xf32, #tpu.memory_space<hbm>> -> memref<128x128xf32, #tpu.memory_space<hbm>>
    %dma_wait3A_1217 = tpu.memref_slice %arg22[%dma_wait3A_1207] : memref<3x!tpu.dma_semaphore, #tpu.memory_space<semaphore_mem>> -> memref<1x!tpu.dma_semaphore, #tpu.memory_space<semaphore_mem>>
    %dma_wait3A_1218 = tpu.memref_squeeze %dma_wait3A_1217 : memref<1x!tpu.dma_semaphore, #tpu.memory_space<semaphore_mem>> -> memref<!tpu.dma_semaphore, #tpu.memory_space<semaphore_mem>>
    %dma_wait3A_1219 = arith.constant 0 : i32
    %dma_wait3A_1220 = tpu.memref_slice %arg12[%add3A_773, %dma_wait3A_1219] : memref<16384x128xf32, #tpu.memory_space<hbm>> -> memref<128x128xf32, #tpu.memory_space<hbm>>
    %dma_wait3A_1221 = arith.constant 0 : i32
    %dma_wait3A_1222 = arith.constant 0 : i32
    %dma_wait3A_1223 = tpu.memref_slice %arg16[%dma_wait3A_1206, %dma_wait3A_1221, %dma_wait3A_1222] : memref<3x128x128xf32, #tpu.memory_space<vmem>> -> memref<1x128x128xf32, #tpu.memory_space<vmem>>
    %dma_wait3A_1224 = tpu.memref_squeeze %dma_wait3A_1223 : memref<1x128x128xf32, #tpu.memory_space<vmem>> -> memref<128x128xf32, #tpu.memory_space<vmem>>
    %dma_wait3A_1225 = arith.constant 0 : i32
    %dma_wait3A_1226 = arith.constant 0 : i32
    %dma_wait3A_1227 = tpu.memref_slice %dma_wait3A_1224[%dma_wait3A_1225, %dma_wait3A_1226] : memref<128x128xf32, #tpu.memory_space<vmem>> -> memref<128x128xf32, #tpu.memory_space<vmem>>
    tpu.wait_dma2 semaphore(%dma_wait3A_1218 : memref<!tpu.dma_semaphore, #tpu.memory_space<semaphore_mem>>) src(%dma_wait3A_1227 : memref<128x128xf32, #tpu.memory_space<vmem>>) dst(%dma_wait3A_1220 : memref<128x128xf32, #tpu.memory_space<hbm>>)
    %dma_wait3A_1228 = arith.constant 2 : i32
    %dma_wait3A_1229 = arith.constant 2 : i32
    %dma_wait3A_1230 = arith.constant 0 : i32
    %dma_wait3A_1231 = tpu.memref_slice %arg17[%dma_wait3A_1228, %dma_wait3A_1230] : memref<3x128xf32, #tpu.memory_space<vmem>> -> memref<1x128xf32, #tpu.memory_space<vmem>>
    %dma_wait3A_1232 = tpu.memref_squeeze %dma_wait3A_1231 : memref<1x128xf32, #tpu.memory_space<vmem>> -> memref<128xf32, #tpu.memory_space<vmem>>
    %dma_wait3A_1233 = tpu.memref_slice %arg9[%add3A_705] : memref<16384xf32, #tpu.memory_space<hbm>> -> memref<128xf32, #tpu.memory_space<hbm>>
    %dma_wait3A_1234 = tpu.memref_slice %arg22[%dma_wait3A_1229] : memref<3x!tpu.dma_semaphore, #tpu.memory_space<semaphore_mem>> -> memref<1x!tpu.dma_semaphore, #tpu.memory_space<semaphore_mem>>
    %dma_wait3A_1235 = tpu.memref_squeeze %dma_wait3A_1234 : memref<1x!tpu.dma_semaphore, #tpu.memory_space<semaphore_mem>> -> memref<!tpu.dma_semaphore, #tpu.memory_space<semaphore_mem>>
    %dma_wait3A_1236 = tpu.memref_slice %arg9[%add3A_705] : memref<16384xf32, #tpu.memory_space<hbm>> -> memref<128xf32, #tpu.memory_space<hbm>>
    %dma_wait3A_1237 = arith.constant 0 : i32
    %dma_wait3A_1238 = tpu.memref_slice %arg17[%dma_wait3A_1228, %dma_wait3A_1237] : memref<3x128xf32, #tpu.memory_space<vmem>> -> memref<1x128xf32, #tpu.memory_space<vmem>>
    %dma_wait3A_1239 = tpu.memref_squeeze %dma_wait3A_1238 : memref<1x128xf32, #tpu.memory_space<vmem>> -> memref<128xf32, #tpu.memory_space<vmem>>
    tpu.wait_dma2 semaphore(%dma_wait3A_1235 : memref<!tpu.dma_semaphore, #tpu.memory_space<semaphore_mem>>) src(%dma_wait3A_1239 : memref<128xf32, #tpu.memory_space<vmem>>) dst(%dma_wait3A_1236 : memref<128xf32, #tpu.memory_space<hbm>>)
    %dma_wait3A_1240 = arith.constant 2 : i32
    %dma_wait3A_1241 = arith.constant 2 : i32
    %dma_wait3A_1242 = arith.constant 0 : i32
    %dma_wait3A_1243 = tpu.memref_slice %arg18[%dma_wait3A_1240, %dma_wait3A_1242] : memref<3x128xf32, #tpu.memory_space<vmem>> -> memref<1x128xf32, #tpu.memory_space<vmem>>
    %dma_wait3A_1244 = tpu.memref_squeeze %dma_wait3A_1243 : memref<1x128xf32, #tpu.memory_space<vmem>> -> memref<128xf32, #tpu.memory_space<vmem>>
    %dma_wait3A_1245 = tpu.memref_slice %arg10[%add3A_705] : memref<16384xf32, #tpu.memory_space<hbm>> -> memref<128xf32, #tpu.memory_space<hbm>>
    %dma_wait3A_1246 = tpu.memref_slice %arg22[%dma_wait3A_1241] : memref<3x!tpu.dma_semaphore, #tpu.memory_space<semaphore_mem>> -> memref<1x!tpu.dma_semaphore, #tpu.memory_space<semaphore_mem>>
    %dma_wait3A_1247 = tpu.memref_squeeze %dma_wait3A_1246 : memref<1x!tpu.dma_semaphore, #tpu.memory_space<semaphore_mem>> -> memref<!tpu.dma_semaphore, #tpu.memory_space<semaphore_mem>>
    %dma_wait3A_1248 = tpu.memref_slice %arg10[%add3A_705] : memref<16384xf32, #tpu.memory_space<hbm>> -> memref<128xf32, #tpu.memory_space<hbm>>
    %dma_wait3A_1249 = arith.constant 0 : i32
    %dma_wait3A_1250 = tpu.memref_slice %arg18[%dma_wait3A_1240, %dma_wait3A_1249] : memref<3x128xf32, #tpu.memory_space<vmem>> -> memref<1x128xf32, #tpu.memory_space<vmem>>
    %dma_wait3A_1251 = tpu.memref_squeeze %dma_wait3A_1250 : memref<1x128xf32, #tpu.memory_space<vmem>> -> memref<128xf32, #tpu.memory_space<vmem>>
    tpu.wait_dma2 semaphore(%dma_wait3A_1247 : memref<!tpu.dma_semaphore, #tpu.memory_space<semaphore_mem>>) src(%dma_wait3A_1251 : memref<128xf32, #tpu.memory_space<vmem>>) dst(%dma_wait3A_1248 : memref<128xf32, #tpu.memory_space<hbm>>)
    %dma_wait3A_1252 = arith.constant 2 : i32
    %dma_wait3A_1253 = arith.constant 2 : i32
    %dma_wait3A_1254 = arith.constant 0 : i32
    %dma_wait3A_1255 = tpu.memref_slice %arg19[%dma_wait3A_1252, %dma_wait3A_1254] : memref<3x128xf32, #tpu.memory_space<vmem>> -> memref<1x128xf32, #tpu.memory_space<vmem>>
    %dma_wait3A_1256 = tpu.memref_squeeze %dma_wait3A_1255 : memref<1x128xf32, #tpu.memory_space<vmem>> -> memref<128xf32, #tpu.memory_space<vmem>>
    %dma_wait3A_1257 = tpu.memref_slice %arg8[%add3A_705] : memref<16384xf32, #tpu.memory_space<hbm>> -> memref<128xf32, #tpu.memory_space<hbm>>
    %dma_wait3A_1258 = tpu.memref_slice %arg22[%dma_wait3A_1253] : memref<3x!tpu.dma_semaphore, #tpu.memory_space<semaphore_mem>> -> memref<1x!tpu.dma_semaphore, #tpu.memory_space<semaphore_mem>>
    %dma_wait3A_1259 = tpu.memref_squeeze %dma_wait3A_1258 : memref<1x!tpu.dma_semaphore, #tpu.memory_space<semaphore_mem>> -> memref<!tpu.dma_semaphore, #tpu.memory_space<semaphore_mem>>
    %dma_wait3A_1260 = tpu.memref_slice %arg8[%add3A_705] : memref<16384xf32, #tpu.memory_space<hbm>> -> memref<128xf32, #tpu.memory_space<hbm>>
    %dma_wait3A_1261 = arith.constant 0 : i32
    %dma_wait3A_1262 = tpu.memref_slice %arg19[%dma_wait3A_1252, %dma_wait3A_1261] : memref<3x128xf32, #tpu.memory_space<vmem>> -> memref<1x128xf32, #tpu.memory_space<vmem>>
    %dma_wait3A_1263 = tpu.memref_squeeze %dma_wait3A_1262 : memref<1x128xf32, #tpu.memory_space<vmem>> -> memref<128xf32, #tpu.memory_space<vmem>>
    tpu.wait_dma2 semaphore(%dma_wait3A_1259 : memref<!tpu.dma_semaphore, #tpu.memory_space<semaphore_mem>>) src(%dma_wait3A_1263 : memref<128xf32, #tpu.memory_space<vmem>>) dst(%dma_wait3A_1260 : memref<128xf32, #tpu.memory_space<hbm>>)
    return
  }
}

</mosaic_0001>

<sc_bundles>
// kernel: kernel.3.cloned.1.call-start
scs
__scs_entry_jumppad:
0x0: {  	(pc) =	sbr.rel $0x88, $3  }
0x1: {  	(tag) =	ssettag $0x0;
	lr =	simm.s32 $0x1  }
0x2: {  	[smem:$0x3F9B] =	sst lr;
	_ =	strace $0xD0000000  }
0x3: {  	_ = 	snop  }
0x4: {  	_ = 	snop  }
0x5: {  	_ = 	snop  }
0x6: {  	_ = 	snop  }
0x7: {  	_ = 	snop  }
__scs_overlays_trampoline_lowered:
0x8: {  	[smem:$0x3FAA] =	sst s0  }
0x9: {  	[smem:$0x3FAB] =	sst s1  }
0xa: {  	[smem:$0x3FAC] =	sst s2  }
0xb: {  	[smem:$0x3FAD] =	sst s3  }
0xc: {  	[smem:$0x3FAE] =	sst s4  }
0xd: {  	[smem:$0x3FAF] =	sst s5  }
0xe: {  	[smem:$0x3FB0] =	sst s6  }
0xf: {  	[smem:$0x3FB1] =	sst s7  }
0x10: {  	[smem:$0x3FB2] =	sst s8  }
0x11: {  	[smem:$0x3FB3] =	sst s9;
	s0 =	simm.s32 @!p0 $0x0  }
0x12: {  	s1 =	sld [smem:$0x3F99];
	s0 =	simm.s32 @p0 $0x1  }
0x13: {  	[smem:$0x3FB4] =	sst s0;
	s0 =	simm.s32 @!p1 $0x0  }
0x14: {  	s2 =	sld [smem:$0x3F98];
	s0 =	simm.s32 @p1 $0x1  }
0x15: {  	[smem:$0x3FB5] =	sst s0;
	s0 =	simm.s32 @!p2 $0x0  }
0x16: {  	s3 =	sld [smem:$0x3FDB];
	s0 =	simm.s32 @p2 $0x1  }
0x17: {  	s4 =	simm.s32 $0x1BF5;
	[smem:$0x3FB7] =	sst s0  }
0x18: {  	s0 =	sld [smem:$0x3F9A];
	_ =	swait.ge [sflag:s4], $0x0  }
0x19: {  	s7 =	sld [smem:$0x3F9B]  }
0x1a: {  	s8 =	sadd.s32 $0xFFFFE003, lr  }
0x1b: {  	s9 =	sadd.s32 $0xFFFFFEF7, lr;
	s5 =	simm.s32 $0xFFFFFFFF;
	p2 =	slt.u32 s8, $0xFFFFF086  }
0x1c: {  	p1 =	slt.u32 s9, $0xF7A;
	s5 =	simm.s32 @!p2 $0x0  }
0x1d: {  	s5 =	simm.s32 @p1 $0x1;
	p0 =	seq.s32 s7, s2  }
0x1e: {  	s7 =	smul.u32 @!p0 $0xF7A, s2;
	p2 =	seq.s32 @!p0 s5, $0x0  }
0x1f: {  	s9 =	smul.u32 $0xF7A, s1;
	s8 =	simm.s32 @!p0 $0x1BF5;
	p2 =	por !p2, p0  }
0x20: {  	[sflag:s8] =	ssyncset.s32 @!p0 $0xFFFFF086;
	s6 =	sadd.s32 @!p0 s3, s7;
	s7 =	simm.s32 @!p0 $0x108  }
0x21: {  	s3 =	sadd.s32 s3, s9;
	s6 =	sadd.s32 @!p0 $0x88, s6;
	s7 =	simm.s32 @p2 $0x1082  }
0x22: {  	[simem:s7], [sflag:s8] =	dma.local @!p0 [hbm:s6], $0xF7A  }
0x23: {  	s9 =	sor.u32 $0xD0000000, s2;
	s6 =	simm.s32 $0x108;
	_ =	swait.ge @!p0 [sflag:s8], $0x0  }
0x24: {  	s3 =	sadd.s32 $0x88, s3;
	s6 =	simm.s32 @!p1 $0x1082;
	[sflag:s4] =	ssyncset.s32 $0xFFFFF086  }
0x25: {  	[simem:s6], [sflag:s4] =	dma.local [hbm:s3], $0xF7A  }
0x26: {  	[smem:$0x3F9B] =	sst s1;
	(tag) =	ssettag s2;
	_ =	strace s9  }
0x27: {  	s1 =	sld [smem:$0x3FAB]  }
0x28: {  	s2 =	sld [smem:$0x3FAC]  }
0x29: {  	s4 =	sld [smem:$0x3FAE]  }
0x2a: {  	p0 =	seq.s32 s5, $0x0;
	s5 =	sld [smem:$0x3FAF]  }
0x2b: {  	s6 =	sld [smem:$0x3FB0]  }
0x2c: {  	s7 =	sld [smem:$0x3FB1]  }
0x2d: {  	s3 =	simm.s32 $0x108;
	s8 =	sld [smem:$0x3FB2]  }
0x2e: {  	s3 =	simm.s32 @!p0 $0x1082;
	s9 =	sld [smem:$0x3FB3]  }
0x2f: {  	lr =	sadd.s32 s0, s3;
	s0 =	sld [smem:$0x3FAA]  }
0x30: {  	s3 =	sld [smem:$0x3FAD]  }
0x31: {  	[smem:$0x3FB6] =	sst s10  }
0x32: {  	s10 =	sld [smem:$0x3FB4];
	_ =	sdelay $0x3  }
0x33: {  	p0 =	seq.s32 s10, $0x1;
	s10 =	sld [smem:$0x3FB6];
	_ =	sdelay $0x3  }
0x34: {  	[smem:$0x3FB6] =	sst s10  }
0x35: {  	s10 =	sld [smem:$0x3FB5];
	_ =	sdelay $0x3  }
0x36: {  	p1 =	seq.s32 s10, $0x1;
	s10 =	sld [smem:$0x3FB6];
	_ =	sdelay $0x3  }
0x37: {  	[smem:$0x3FB6] =	sst s10  }
0x38: {  	s10 =	sld [smem:$0x3FB7]  }
0x39: {  	_ = 	snop;
	(pc) =	sbr.ind lr, $3  }
0x3a: {  	_ = 	snop  }
0x3b: {  	_ = 	snop  }
0x3c: {  	p2 =	seq.s32 s10, $0x1;
	s10 =	sld [smem:$0x3FB6]  }
0x3d: {  	_ =	shalt  }
0x3e: {  	_ =	shalt  }
0x3f: {  	_ =	shalt  }
0x40: {  	_ =	shalt  }
0x41: {  	_ =	shalt  }
0x42: {  	_ =	shalt  }
0x43: {  	_ =	shalt  }
0x44: {  	_ =	shalt  }
0x45: {  	_ =	shalt  }
0x46: {  	_ =	shalt  }
0x47: {  	_ =	shalt  }
0x48: {  	_ =	shalt  }
0x49: {  	_ =	shalt  }
0x4a: {  	_ =	shalt  }
0x4b: {  	_ =	shalt  }
0x4c: {  	_ =	shalt  }
0x4d: {  	_ =	shalt  }
0x4e: {  	_ =	shalt  }
0x4f: {  	_ =	shalt  }
0x50: {  	_ =	shalt  }
0x51: {  	_ =	shalt  }
0x52: {  	_ =	shalt  }
0x53: {  	_ =	shalt  }
0x54: {  	_ =	shalt  }
0x55: {  	_ =	shalt  }
0x56: {  	_ =	shalt  }
0x57: {  	_ =	shalt  }
0x58: {  	_ =	shalt  }
0x59: {  	_ =	shalt  }
0x5a: {  	_ =	shalt  }
0x5b: {  	_ =	shalt  }
0x5c: {  	_ =	shalt  }
0x5d: {  	_ =	shalt  }
0x5e: {  	_ =	shalt  }
0x5f: {  	_ =	shalt  }
0x60: {  	_ =	shalt  }
0x61: {  	_ =	shalt  }
0x62: {  	_ =	shalt  }
0x63: {  	_ =	shalt  }
0x64: {  	_ =	shalt  }
0x65: {  	_ =	shalt  }
0x66: {  	_ =	shalt  }
0x67: {  	_ =	shalt  }
0x68: {  	_ =	shalt  }
0x69: {  	_ =	shalt  }
0x6a: {  	_ =	shalt  }
0x6b: {  	_ =	shalt  }
0x6c: {  	_ =	shalt  }
0x6d: {  	_ =	shalt  }
0x6e: {  	_ =	shalt  }
0x6f: {  	_ =	shalt  }
0x70: {  	_ =	shalt  }
0x71: {  	_ =	shalt  }
0x72: {  	_ =	shalt  }
0x73: {  	_ =	shalt  }
0x74: {  	_ =	shalt  }
0x75: {  	_ =	shalt  }
0x76: {  	_ =	shalt  }
0x77: {  	_ =	shalt  }
0x78: {  	_ =	shalt  }
0x79: {  	_ =	shalt  }
0x7a: {  	_ =	shalt  }
0x7b: {  	_ =	shalt  }
0x7c: {  	_ =	shalt  }
0x7d: {  	_ =	shalt  }
0x7e: {  	_ =	shalt  }
0x7f: {  	_ =	shalt  }
0x80: {  	_ =	shalt  }
0x81: {  	_ =	shalt  }
0x82: {  	_ =	shalt  }
0x83: {  	_ =	shalt  }
0x84: {  	_ =	shalt  }
0x85: {  	_ =	shalt  }
0x86: {  	_ =	shalt  }
0x87: {  	_ =	shalt  }
.Lfunc_end0:
.L_simem_size_0:
called_computation_lowered:
.L_overlay_start_0:
0x88: {  	s2 =	sld [smem:$0x3FD9]  }
0x89: {  	s3 =	sld [smem:$0x3FFE];
	_ =	sdelay $0x1  }
0x8a: {  	s1 =	srdreg.scid  }
0x8b: {  	s0 =	sand.u32 $0x1, s1  }
0x8c: {  	s14 =	sshll.u32 s0, $0xA;
	s2 =	sadd.s32 s3, s2  }
0x8d: {  	s2 =	sadd.s32 s2, s14  }
0x8e: {  	[smem:$0x3FC2] =	sst s2  }
0x8f: {  	_ = 	snop  }
0x90: {  	s2 =	sld [smem:$0x3FC9]  }
0x91: {  	s15 =	sld [smem:$0x3FD0]  }
0x92: {  	s4 =	sld [smem:$0x3FC8]  }
0x93: {  	s5 =	sld [smem:$0x3FC5]  }
0x94: {  	s7 =	simm.s32 $0xA;
	s8 =	simm.s32 $0x10;
	s6 =	sld [smem:$0x3FC4]  }
0x95: {  	[smem:s8], [sflag:s7] =	dma.local [hbm:s15], $0x1  }
0x96: {  	_ =	swait.eq [sflag:s7], $0x1  }
0x97: {  	s16 =	sld [smem:$0x10]  }
0x98: {  	s17 =	sld [smem:$0x11]  }
0x99: {  	s9 =	sld [smem:$0x12];
	[sflag:s7] =	ssyncset.done $0x0  }
0x9a: {  	s10 =	sld [smem:$0x13];
	[sflag:s7] =	ssyncadd.s32 $0xFFFFFFFF  }
0x9b: {  	s18 =	sld [smem:$0x14];
	(tm) =	ssettm $0x1  }
0x9c: {  	s11 =	sld [smem:$0x3FFB];
	_ =	sdelay $0x3  }
0x9d: {  	_ =	strace s11  }
0x9e: {  	s11 =	sld [smem:$0x3FFC];
	_ =	sdelay $0x3  }
0x9f: {  	_ =	strace s11  }
0xa0: {  	s11 =	sld [smem:$0x3FFD];
	_ =	sdelay $0x3  }
0xa1: {  	_ =	strace s11  }
0xa2: {  	_ =	strace $0x8FFFFFFF  }
0xa3: {  	s19 =	sld [smem:$0x3FDB];
	_ =	sdelay $0x1  }
0xa4: {  	s12 =	simm.s32 $_scs_section_size  }
0xa5: {  	s13 =	simm.s32 $_size__tile_overlayer_lowered;
	s14 =	simm.s32 $_tile_overlayer_lowered  }
0xa6: {  	s22 =	simm.s32 $0x1BFF;
	s21 =	sshll.u32 s14, $0x1;
	s11 =	sadd.s32 s12, s19  }
0xa7: {  	s20 =	sshll.u32 s13, $0x1;
	s15 =	simm.s32 $0x0;
	s13 =	sadd.s32 s21, s11  }
0xa8: {  	[timem:s15], [sflag:s22] =	dma.local [hbm:s13], s20  }
0xa9: {  	_ =	swait.ge [sflag:s22], s20  }
0xaa: {  	s12 =	ssub.s32 $0x0, s20;
	[sflag:s22] =	ssyncset.done $0x0  }
0xab: {  	[sflag:s22] =	ssyncadd.s32 s12;
	_ =	sdelay $0x1  }
0xac: {  	s23 =	simm.s32 $0x1B8B  }
0xad: {  	_ =	swait.ge [sflag:s23], $0x1  }
0xae: {  	[sflag:s23] =	ssyncset.done $0x0  }
0xaf: {  	s25 =	simm.s32 $0x1B8E;
	s24 =	sld [smem:$0x3FFE];
	[sflag:s23] =	ssyncadd.s32 $0xFFFFFFFF  }
0xb0: {  	s26 =	simm.s32 $execute0_lowered;
	[smem:$0x3FD2] =	sst s25  }
0xb1: {  	s13 =	sshll.u32 s26, $0x1;
	_ =	strace $0x80000046;
	[dreg:$0x1] =	wrdreg $0xFFFFFFFF  }
0xb2: {  	s28 =	simm.s32 $_size_execute0_lowered;
	s11 =	sadd.s32 s11, s13;
	[dreg:$0x0] =	wrdreg $0x0  }
0xb3: {  	s13 =	sshll.u32 s28, $0x1;
	[dreg:$0x2] =	wrdreg s11  }
0xb4: {  	[dreg:$0x3] =	wrdreg s13  }
0xb5: {  	[dreg:$0x4] =	wrdreg $0xC0  }
0xb6: {  	_ =	task [dreg:s15], $0x5FFFF  }
0xb7: {  	[dreg:$0x1] =	wrdreg $0xFFFFFFFF  }
0xb8: {  	[dreg:$0x0] =	wrdreg $0x60  }
0xb9: {  	[dreg:$0x2] =	wrdreg s2  }
0xba: {  	[dreg:$0x3] =	wrdreg s4  }
0xbb: {  	[dreg:$0x4] =	wrdreg s24  }
0xbc: {  	[dreg:$0x5] =	wrdreg s5  }
0xbd: {  	[dreg:$0x6] =	wrdreg s6  }
0xbe: {  	[dreg:$0x7] =	wrdreg s16  }
0xbf: {  	[dreg:$0x8] =	wrdreg s17  }
0xc0: {  	[dreg:$0x9] =	wrdreg s9  }
0xc1: {  	[dreg:$0xa] =	wrdreg s10  }
0xc2: {  	[dreg:$0xb] =	wrdreg s18  }
0xc3: {  	[dreg:$0xc] =	wrdreg $0x9  }
0xc4: {  	_ =	task.clear_ibuf [dreg:s15], $0xDFFFF;
	_ =	strace $0x90000046  }
0xc5: {  	s29 =	simm.s32 $0x9;
	_ =	strace $0x80000048  }
0xc6: {  	_ =	swait.ge [sflag:s29], $0x1  }
0xc7: {  	[sflag:s29] =	ssyncadd.s32 $0xFFFFFFFF  }
0xc8: {  	_ =	strace $0x90000048  }
0xc9: {  	_ =	sfence  }
0xca: {  	s30 =	sld [smem:$0x0];
	_ =	sdelay $0x2  }
0xcb: {  	s31 =	sshll.u32 s1, $0xD;
	s1 =	sshrl.u32 s1, $0x2  }
0xcc: {  	s3 =	sand.u32 $0x4000, s31;
	s1 =	sadd.s32 s1, s30  }
0xcd: {  	s0 =	sor.u32 s3, s0;
	s1 =	sshll.u32 s1, $0x11  }
0xce: {  	s0 =	sor.u32 s1, s0  }
0xcf: {  	s0 =	sadd.s32 $0x8F2B, s0  }
0xd0: {  	[sflag:s0] =	ssyncadd.remote.s32 $0x1  }
0xd1: {  	_ =	sfence.sel $0xFFFF  }
0xd2: {  	[dreg:$0x0] =	wrdreg $0xFFFFFFFF;
	(pc) =	sbr.abs _section_cstart, $3  }
0xd3: {  	[dreg:$0x1] =	wrdreg $0xFFFFFFFF  }
0xd4: {  	_ =	task.clear_ibuf [dreg:s15], $0x2FFFF;
	_ =	strace $0x9FFFFFFF  }
0xd5: {  	(tm) =	ssettm $0x7FFFFFFF  }
tec
execute0_lowered:
.L_overlay_start_1:
0x0: {  	(tag) =	ssettag $0x1  }
0x1: {  	s1 =	rddreg [dreg:$0x0]  }
0x2: {  	s4 =	rddreg [dreg:$0x1]  }
0x3: {  	s0 =	rddreg [dreg:$0x2]  }
0x4: {  	s2 =	rddreg [dreg:$0x3]  }
0x5: {  	s5 =	rddreg [dreg:$0x5]  }
0x6: {  	s6 =	rddreg [dreg:$0x6];
	s3 =	srdreg.scid  }
0x7: {  	s9 =	stileid.u32;
	s7 =	rddreg [dreg:$0x7]  }
0x8: {  	s11 =	rddreg [dreg:$0x9];
	s31 =	simm.s32 $0x200;
	s28 =	simm.s32 $0xE  }
0x9: {  	s8 =	sand.u32 $0x1, s3;
	s25 =	sshll.u32 s9, $0x1;
	s9 =	rddreg [dreg:$0x8]  }
0xa: {  	s3 =	simm.s32 $0x0;
	s10 =	sor.u32 s8, s25;
	s13 =	ssub.s32 $0x2, s8  }
0xb: {  	s8 =	sshll.u32 s8, $0x9;
	[smem:$0x7FF] =	sst s3;
	s12 =	sshll.u32 s10, $0x9  }
0xc: {  	s15 =	sshrl.u32 s13, $0x1;
	s26 =	sshll.u32 s10, $0xD;
	s17 =	sshll.u32 s10, $0x6  }
0xd: {  	s14 =	sand.u32 $0x3C00, s12;
	s13 =	ssub.s32 s13, s15;
	s15 =	sadd.s32 s9, s26  }
0xe: {  	s16 =	sadd.s32 s11, s26;
	s18 =	sor.u32 $0x80, s12;
	[dreg:$0xd] =	wrdreg s15  }
0xf: {  	s19 =	sadd.s32 s6, s17;
	s20 =	sadd.s32 s7, s17;
	[dreg:$0xe] =	wrdreg s16  }
0x10: {  	s25 =	sor.u32 $0x100, s12;
	[dreg:$0xf] =	wrdreg s19;
	s21 =	sshll.u32 s18, $0x4  }
0x11: {  	s8 =	sor.u32 s8, s14;
	[dreg:$0x10] =	wrdreg s20;
	s22 =	sadd.s32 s9, s21  }
0x12: {  	s24 =	sshrl.u32 s18, $0x3;
	s23 =	sadd.s32 s11, s21;
	[dreg:$0x12] =	wrdreg s22  }
0x13: {  	s15 =	sshll.u32 s25, $0x4;
	s14 =	sadd.s32 s6, s24;
	[dreg:$0x13] =	wrdreg s23  }
0x14: {  	s26 =	sor.u32 $0x180, s12;
	s16 =	sadd.s32 s9, s15;
	[dreg:$0x14] =	wrdreg s14  }
0x15: {  	s12 =	sshll.u32 s26, $0x4;
	s10 =	sadd.s32 s11, s15;
	[dreg:$0x15] =	wrdreg s16  }
0x16: {  	s29 =	simm.s32 $0xF;
	s9 =	sadd.s32 s9, s12;
	[dreg:$0x16] =	wrdreg s10  }
0x17: {  	s8 =	sshrl.u32 s8, $0x3;
	s18 =	sadd.s32 s7, s24;
	[dreg:$0x17] =	wrdreg s9  }
0x18: {  	s30 =	sadd.s32 $0x3200, s0;
	s1 =	sadd.s32 s1, s8;
	[dreg:$0x19] =	wrdreg s18  }
0x19: {  	s8 =	sadd.s32 s4, s8;
	s4 =	sshrl.u32 s25, $0x3;
	[dreg:$0xb] =	wrdreg s1  }
0x1a: {  	s22 =	sshrl.u32 s26, $0x3;
	[dreg:$0xc] =	wrdreg s8;
	s1 =	sadd.s32 s5, s17  }
0x1b: {  	s26 =	smax.u32 s13, $0x1;
	s17 =	sadd.s32 s11, s12;
	[dreg:$0x11] =	wrdreg s1  }
0x1c: {  	v0 =	vimm.s32 $0xFEDCBA98;
	v1 =	vimm.s32 $0x76543210;
	s9 =	simm.s32 $0x11;
	s19 =	sadd.s32 s6, s4;
	[dreg:$0x18] =	wrdreg s17  }
0x1d: {  	v2 =	vimm.s32 $0xBA98FEDC;
	v3 =	vimm.s32 $0x32107654;
	s10 =	simm.s32 $0x12;
	s20 =	sadd.s32 s7, s4;
	[dreg:$0x1b] =	wrdreg s19  }
0x1e: {  	v4 =	vimm.s32 $0xDCFE98BA;
	v5 =	vimm.s32 $0x54761032;
	v6 =	vimm.s32 $0xEFCDAB89;
	s21 =	sadd.s32 s5, s4;
	s23 =	sadd.s32 s6, s22;
	[dreg:$0x1c] =	wrdreg s20  }
0x1f: {  	v7 =	vimm.s32 $0x67452301;
	v0 =	vunpack.c.l.s4.s8 v0;
	v1 =	vunpack.c.l.s4.s8 v1;
	s25 =	sadd.s32 s7, s22;
	s4 =	simm.s32 $0x400;
	[dreg:$0x1d] =	wrdreg s21  }
0x20: {  	v2 =	vunpack.c.l.s4.s8 v2;
	v3 =	vunpack.c.l.s4.s8 v3;
	v4 =	vunpack.c.l.s4.s8 v4;
	s6 =	simm.s32 $0x18400;
	s1 =	sadd.s32 s5, s24;
	s24 =	rddreg [dreg:$0x4]  }
0x21: {  	v5 =	vunpack.c.l.s4.s8 v5;
	v6 =	vunpack.c.l.s4.s8 v6;
	v7 =	vunpack.c.l.s4.s8 v7;
	s7 =	simm.s32 $0x18600;
	s8 =	simm.s32 $0x9;
	[dreg:$0x1e] =	wrdreg s23  }
0x22: {  	v0 =	vunpack.c.0.s8.s32 v0;
	v1 =	vunpack.c.0.s8.s32 v1;
	v2 =	vunpack.c.0.s8.s32 v2;
	s11 =	simm.s32 $0x0;
	[dreg:$0x1f] =	wrdreg s25;
	s19 =	simm.s32 $0x1  }
0x23: {  	v3 =	vunpack.c.0.s8.s32 v3;
	v4 =	vunpack.c.0.s8.s32 v4;
	v5 =	vunpack.c.0.s8.s32 v5;
	s21 =	simm.s32 $0x10;
	s23 =	simm.s32 $0x180;
	s25 =	simm.s32 $0x380  }
0x24: {  	v6 =	vunpack.c.0.s8.s32 v6;
	v7 =	vunpack.c.0.s8.s32 v7;
	v0 =	vand.u32 $0xF, v0;
	[dreg:$0x1a] =	wrdreg s1;
	s1 =	sadd.s32 s5, s22;
	s22 =	simm.s32 $0xD  }
0x25: {  	v0 =	vcombine.low v0, v1;
	v1 =	vcombine.low v3, v2;
	s5 =	simm.s32 $0xC400;
	[smem:$0x7FC] =	sst s1;
	s1 =	simm.s32 $0x80  }
0x26: {  	v2 =	vcombine.low v5, v4;
	v3 =	vcombine.low v7, v6;
	v4 =	vlaneseq.u32;
	_ =	strace $0x80000047;
	[smem:$0x7FD] =	sst s26;
	s26 =	simm.s32 $0x5  }
.LBB2_1:
0x27: {  	s12 =	rddreg [dreg:$0xb]  }
0x28: {  	[tilespmem:s3], [sflag:$0xD] =	stream.linear.gather [hbm4b:s12+s3], $0x200, $0x38;
	[tilespmem:$0x18A00] =	vst v63  }
0x29: {  	s17 =	rddreg [dreg:$0xc]  }
0x2a: {  	[tilespmem:s31], [sflag:$0xD] =	stream.linear.gather [hbm4b:s17+s3], $0x200, $0x38;
	[tilespmem:$0x18A00] =	vst v63  }
0x2b: {  	_ =	swait.ge [sflag:s22], $0x200  }
0x2c: {  	[sflag:s22] =	ssyncset.done $0x0  }
0x2d: {  	[sflag:s22] =	ssyncadd.s32 $0xFFFFFE00  }
0x2e: {  	_ =	swait.ge [sflag:s22], $0x200  }
0x2f: {  	[sflag:s22] =	ssyncset.done $0x0  }
0x30: {  	[sflag:s22] =	ssyncadd.s32 $0xFFFFFE00  }
0x31: {  	[tilespmem:s4], [sflag:$0x1] =	stream.indirect.gather [hbm4b:s2+s1], $0x80, s3, s1, $0xb8;
	[tilespmem:$0x18A00] =	vst v63  }
0x32: {  	_ = 	snop  }
0x33: {  	[tilespmem:s5], [sflag:$0x1] =	stream.indirect.gather [hbm4b:s24+s1], $0x80, s31, s1, $0xb8;
	[tilespmem:$0x18A00] =	vst v63  }
0x34: {  	_ = 	snop  }
0x35: {  	[tilespmem:s6], [sflag:$0xD] =	stream.indirect.gather [hbm4b:s0+s1], $0x1, s3, s1, $0xb8;
	[tilespmem:$0x18A00] =	vst v63  }
0x36: {  	_ = 	snop  }
0x37: {  	[tilespmem:s7], [sflag:$0xD] =	stream.indirect.gather [hbm4b:s30+s1], $0x1, s31, s1, $0xb8;
	[tilespmem:$0x18A00] =	vst v63  }
0x38: {  	s18 =	simm.s32 $0x4400  }
0x39: {  	[tilespmem:s18], [sflag:$0x5] =	stream.indirect.gather [hbm4b:s2+s1], $0x80, s1, s1, $0xb8;
	[tilespmem:$0x18A00] =	vst v63  }
0x3a: {  	s20 =	simm.s32 $0x280;
	s13 =	simm.s32 $0x10400  }
0x3b: {  	[tilespmem:s13], [sflag:$0x5] =	stream.indirect.gather [hbm4b:s24+s1], $0x80, s20, s1, $0xb8;
	[tilespmem:$0x18A00] =	vst v63  }
0x3c: {  	s14 =	simm.s32 $0x18480  }
0x3d: {  	[tilespmem:s14], [sflag:$0xE] =	stream.indirect.gather [hbm4b:s0+s1], $0x1, s1, s1, $0xb8;
	[tilespmem:$0x18A00] =	vst v63  }
0x3e: {  	s15 =	simm.s32 $0x18680  }
0x3f: {  	[tilespmem:s15], [sflag:$0xE] =	stream.indirect.gather [hbm4b:s30+s1], $0x1, s20, s1, $0xb8;
	[tilespmem:$0x18A00] =	vst v63  }
0x40: {  	s16 =	simm.s32 $0x100;
	s17 =	simm.s32 $0x8400  }
0x41: {  	[tilespmem:s17], [sflag:$0x9] =	stream.indirect.gather [hbm4b:s2+s1], $0x80, s16, s1, $0xb8;
	[tilespmem:$0x18A00] =	vst v63  }
0x42: {  	s18 =	simm.s32 $0x300;
	s14 =	simm.s32 $0x14400  }
0x43: {  	[tilespmem:s14], [sflag:$0x9] =	stream.indirect.gather [hbm4b:s24+s1], $0x80, s18, s1, $0xb8;
	[tilespmem:$0x18A00] =	vst v63  }
0x44: {  	s20 =	simm.s32 $0x18500  }
0x45: {  	[tilespmem:s20], [sflag:$0xF] =	stream.indirect.gather [hbm4b:s0+s1], $0x1, s16, s1, $0xb8;
	[tilespmem:$0x18A00] =	vst v63  }
0x46: {  	s15 =	simm.s32 $0x18700  }
0x47: {  	[tilespmem:s15], [sflag:$0xF] =	stream.indirect.gather [hbm4b:s30+s1], $0x1, s18, s1, $0xb8;
	[tilespmem:$0x18A00] =	vst v63  }
0x48: {  	_ =	swait.ge [sflag:s19], $0x4000  }
0x49: {  	[sflag:s19] =	ssyncset.done $0x0  }
0x4a: {  	[sflag:s19] =	ssyncadd.s32 $0xFFFFC000  }
0x4b: {  	_ =	swait.ge [sflag:s19], $0x4000  }
0x4c: {  	[sflag:s19] =	ssyncset.done $0x0  }
0x4d: {  	s16 =	rddreg [dreg:$0xd];
	[sflag:s19] =	ssyncadd.s32 $0xFFFFC000  }
0x4e: {  	[hbm4b:s16+s3] =	stream.linear.scatter [tilespmem:s4], [sflag:$0x10], $0x4000, $0x38;
	[tilespmem:$0x18A00] =	vst v63  }
0x4f: {  	s17 =	rddreg [dreg:$0xe]  }
0x50: {  	[hbm4b:s17+s3] =	stream.linear.scatter [tilespmem:s5], [sflag:$0x10], $0x4000, $0x38;
	[tilespmem:$0x18A00] =	vst v63  }
0x51: {  	_ =	swait.ge [sflag:s22], $0x80  }
0x52: {  	[sflag:s22] =	ssyncset.done $0x0  }
0x53: {  	[sflag:s22] =	ssyncadd.s32 $0xFFFFFF80  }
0x54: {  	_ =	swait.ge [sflag:s22], $0x80  }
0x55: {  	[sflag:s22] =	ssyncset.done $0x0  }
0x56: {  	s12 =	simm.s32 $0x440;
	s18 =	rddreg [dreg:$0xf];
	[sflag:s22] =	ssyncadd.s32 $0xFFFFFF80  }
0x57: {  	[hbm4b:s18+s3] =	stream.linear.scatter [tilespmem:s6], [sflag:$0x10], $0x80, $0x38;
	[tilespmem:$0x18A00] =	vst v63  }
0x58: {  	s13 =	simm.s32 $0xC440;
	s14 =	simm.s32 $0x0;
	s20 =	rddreg [dreg:$0x10]  }
0x59: {  	[hbm4b:s20+s3] =	stream.linear.scatter [tilespmem:s7], [sflag:$0x10], $0x80, $0x38;
	[tilespmem:$0x18A00] =	vst v63  }
.LBB2_2:
0x5a: {  	v5 =	vld [tilespmem:s12+$0xFFFFFFC0]  }
0x5b: {  	v8 =	vld [tilespmem:s13+$0xFFFFFFC0]  }
0x5c: {  	v9 =	vld [tilespmem:s12+$0xFFFFFFD0]  }
0x5d: {  	v10 =	vld [tilespmem:s13+$0xFFFFFFD0]  }
0x5e: {  	v11 =	vld [tilespmem:s12+$0xFFFFFFE0]  }
0x5f: {  	v12 =	vld [tilespmem:s13+$0xFFFFFFE0]  }
0x60: {  	v13 =	vld [tilespmem:s12+$0xFFFFFFF0]  }
0x61: {  	v14 =	vld [tilespmem:s13+$0xFFFFFFF0]  }
0x62: {  	v15 =	vld [tilespmem:s12+$0x0]  }
0x63: {  	v16 =	vld [tilespmem:s13+$0x0]  }
0x64: {  	v17 =	vld [tilespmem:s12+$0x10]  }
0x65: {  	v18 =	vld [tilespmem:s13+$0x10]  }
0x66: {  	v19 =	vld [tilespmem:s12+$0x20]  }
0x67: {  	v20 =	vld [tilespmem:s13+$0x20]  }
0x68: {  	v21 =	vld [tilespmem:s12+$0x30]  }
0x69: {  	v22 =	vld [tilespmem:s13+$0x30];
	s18 =	sadd.s32 $0x80, s12  }
0x6a: {  	s16 =	sadd.s32 $0x80, s13;
	v6 =	vld [tilespmem:s18+$0xFFFFFFC0]  }
0x6b: {  	v7 =	vld [tilespmem:s16+$0xFFFFFFC0];
	v5 =	vmul.f32 v8, v5;
	v23 =	vmul.f32 v10, v9  }
0x6c: {  	v8 =	vld [tilespmem:s18+$0xFFFFFFD0];
	v12 =	vmul.f32 v12, v11;
	v13 =	vmul.f32 v14, v13  }
0x6d: {  	v9 =	vld [tilespmem:s16+$0xFFFFFFD0];
	v14 =	vmul.f32 v16, v15;
	v15 =	vmul.f32 v18, v17  }
0x6e: {  	v10 =	vld [tilespmem:s18+$0xFFFFFFE0];
	v16 =	vmul.f32 v20, v19;
	v17 =	vmul.f32 v22, v21  }
0x6f: {  	v11 =	vld [tilespmem:s16+$0xFFFFFFE0];
	v5 =	vadd.f32 v23, v5;
	v18 =	vadd.f32 v13, v12  }
0x70: {  	v20 =	vld [tilespmem:s16+$0x20];
	v15 =	vadd.f32 v15, v14;
	v16 =	vadd.f32 v17, v16  }
0x71: {  	v21 =	vld [tilespmem:s18+$0x30]  }
0x72: {  	v12 =	vld [tilespmem:s18+$0xFFFFFFF0];
	v5 =	vadd.f32 v18, v5;
	v17 =	vadd.f32 v16, v15  }
0x73: {  	v13 =	vld [tilespmem:s16+$0xFFFFFFF0]  }
0x74: {  	v14 =	vld [tilespmem:s18+$0x0];
	v19 =	vadd.f32 v17, v5  }
0x75: {  	v16 =	vld [tilespmem:s16+$0x0]  }
0x76: {  	v15 =	vld [tilespmem:s18+$0x10];
	v22 =	vperm.xlane v19, v0  }
0x77: {  	v18 =	vld [tilespmem:s18+$0x20]  }
0x78: {  	s17 =	simm.s32 $0x0;
	v17 =	vld [tilespmem:s16+$0x10];
	v19 =	vadd.f32 v19, v22  }
0x79: {  	s15 =	simm.s32 $0x1;
	s20 =	simm.s32 $0x2;
	s18 =	sadd.s32 $0x80, s18;
	v5 =	vimm.f32 $0.0e+00;
	v22 =	vld [tilespmem:s16+$0x30]  }
.LBB2_3:
0x7a: {  	p0 =	sne.s32 s20, $0xF;
	v23 =	vmul.f32 v7, v6;
	v6 =	vld [tilespmem:s18+$0xFFFFFFC0];
	s16 =	sadd.s32 $0x80, s16;
	v24 =	vperm.xlane v19, v1  }
0x7b: {  	v25 =	vmul.f32 v9, v8;
	v26 =	vmul.f32 v11, v10;
	v7 =	vld [tilespmem:s16+$0xFFFFFFC0]  }
0x7c: {  	v12 =	vmul.f32 v13, v12;
	v13 =	vmul.f32 v16, v14;
	v8 =	vld [tilespmem:s18+$0xFFFFFFD0];
	v14 =	vadd.f32 v19, v24  }
0x7d: {  	v15 =	vmul.f32 v17, v15;
	v16 =	vmul.f32 v20, v18;
	v9 =	vld [tilespmem:s16+$0xFFFFFFD0]  }
0x7e: {  	v18 =	vadd.f32 v25, v23;
	v10 =	vld [tilespmem:s18+$0xFFFFFFE0];
	v17 =	vmul.f32 v22, v21;
	v19 =	vperm.xlane v14, v2  }
0x7f: {  	v20 =	vadd.f32 v12, v26;
	v15 =	vadd.f32 v15, v13;
	v11 =	vld [tilespmem:s16+$0xFFFFFFE0]  }
0x80: {  	v12 =	vld [tilespmem:s18+$0xFFFFFFF0];
	v16 =	vadd.f32 v17, v16;
	v17 =	vadd.f32 v14, v19  }
0x81: {  	v13 =	vld [tilespmem:s16+$0xFFFFFFF0]  }
0x82: {  	v18 =	vadd.f32 v20, v18;
	v14 =	vld [tilespmem:s18+$0x0];
	v19 =	vadd.f32 v16, v15;
	v20 =	vperm.xlane v17, v3  }
0x83: {  	v16 =	vld [tilespmem:s16+$0x0]  }
0x84: {  	v15 =	vld [tilespmem:s18+$0x10];
	v19 =	vadd.f32 v19, v18;
	v20 =	vadd.f32 v17, v20;
	v18 =	vmov s17;
	s17 =	smov.u32 s15;
	s15 =	smov.u32 s20  }
.Ltmp0:
0x85: {  	v17 =	vld [tilespmem:s16+$0x10];
	vm0 =	veq.s32 v18, v4;
	(pc) =	sbr.rel @p0 .LBB2_3-.Ltmp0, $4  }
0x86: {  	v18 =	vld [tilespmem:s18+$0x20];
	v22 =	vperm.xlane v19, v0;
	v5 =	vsel vm0, v20, v5  }
0x87: {  	v20 =	vld [tilespmem:s16+$0x20]  }
0x88: {  	v21 =	vld [tilespmem:s18+$0x30];
	v19 =	vadd.f32 v19, v22  }
0x89: {  	s20 =	sadd.s32 $0x1, s20;
	s18 =	sadd.s32 $0x80, s18;
	v22 =	vld [tilespmem:s16+$0x30]  }
0x8a: {  	_ = 	snop  }
0x8b: {  	v6 =	vmul.f32 v7, v6;
	v7 =	vmul.f32 v9, v8  }
0x8c: {  	v49 =	vmul.f32 v11, v10;
	v50 =	vmul.f32 v13, v12  }
0x8d: {  	v51 =	vmul.f32 v16, v14;
	v52 =	vmul.f32 v17, v15  }
0x8e: {  	v53 =	vmul.f32 v20, v18;
	v54 =	vmul.f32 v22, v21  }
0x8f: {  	v6 =	vadd.f32 v7, v6;
	v7 =	vadd.f32 v50, v49  }
0x90: {  	v55 =	vadd.f32 v52, v51;
	v56 =	vadd.f32 v54, v53;
	_ =	sdelay $0x1  }
0x91: {  	v6 =	vadd.f32 v7, v6;
	v7 =	vadd.f32 v56, v55;
	_ =	sdelay $0x1  }
0x92: {  	v6 =	vadd.f32 v7, v6;
	_ =	sdelay $0x1  }
0x93: {  	v7 =	vperm.xlane v6, v0;
	_ =	sdelay $0x1  }
0x94: {  	v6 =	vadd.f32 v6, v7  }
0x95: {  	v7 =	vperm.xlane v19, v1  }
0x96: {  	v57 =	vperm.xlane v6, v1  }
0x97: {  	v7 =	vadd.f32 v19, v7  }
0x98: {  	v6 =	vadd.f32 v6, v57  }
0x99: {  	v58 =	vperm.xlane v7, v2  }
0x9a: {  	v59 =	vperm.xlane v6, v2  }
0x9b: {  	v7 =	vadd.f32 v7, v58  }
0x9c: {  	v6 =	vadd.f32 v6, v59  }
0x9d: {  	s16 =	sshll.u32 s14, $0x4;
	v8 =	vperm.xlane v7, v3  }
0x9e: {  	v60 =	vld [tilespmem:s16+$0x18400];
	v9 =	vperm.xlane v6, v3  }
0x9f: {  	v61 =	vmov s17;
	v7 =	vadd.f32 v7, v8  }
0xa0: {  	v62 =	vmov s15;
	vm0 =	veq.s32 v61, v4;
	v63 =	vld [tilespmem:s16+$0x18600];
	v6 =	vadd.f32 v6, v9  }
0xa1: {  	vm15 =	veq.s32 v62, v4;
	v5 =	vsel vm0, v7, v5  }
0xa2: {  	v5 =	vsel vm15, v6, v5  }
0xa3: {  	s14 =	sadd.s32 $0x1, s14;
	v5 =	vadd.f32 v60, v5  }
0xa4: {  	p0 =	sne.s32 s14, $0x8  }
.Ltmp1:
0xa5: {  	v5 =	vadd.f32 v63, v5;
	(pc) =	sbr.rel @p0 .LBB2_2-.Ltmp1, $3  }
0xa6: {  	_ = 	snop  }
0xa7: {  	v5 =	vadd.f32 $3.500000000e+00, v5;
	_ =	sdelay $0x1  }
0xa8: {  	s12 =	sadd.s32 $0x800, s12;
	s13 =	sadd.s32 $0x800, s13;
	[tilespmem:s16+$0x18800] =	vst v5  }
0xa9: {  	s12 =	simm.s32 $0x0;
	s13 =	rddreg [dreg:$0x11];
	s14 =	simm.s32 $0x18800  }
0xaa: {  	[hbm4b:s13+s12] =	stream.linear.scatter [tilespmem:s14], [sflag:$0x10], $0x80, $0x38;
	[tilespmem:$0x18A00] =	vst v63  }
0xab: {  	_ =	swait.ge [sflag:s21], $0x4000  }
0xac: {  	[sflag:s21] =	ssyncset.done $0x0  }
0xad: {  	[sflag:s21] =	ssyncadd.s32 $0xFFFFC000  }
0xae: {  	_ =	swait.ge [sflag:s21], $0x4000  }
0xaf: {  	[sflag:s21] =	ssyncset.done $0x0  }
0xb0: {  	[sflag:s21] =	ssyncadd.s32 $0xFFFFC000  }
0xb1: {  	_ =	swait.ge [sflag:s21], $0x80  }
0xb2: {  	[sflag:s21] =	ssyncset.done $0x0  }
0xb3: {  	[sflag:s21] =	ssyncadd.s32 $0xFFFFFF80  }
0xb4: {  	_ =	swait.ge [sflag:s21], $0x80  }
0xb5: {  	[sflag:s21] =	ssyncset.done $0x0  }
0xb6: {  	[sflag:s21] =	ssyncadd.s32 $0xFFFFFF80  }
0xb7: {  	_ =	swait.ge [sflag:s21], $0x80  }
0xb8: {  	[sflag:s21] =	ssyncset.done $0x0  }
0xb9: {  	s13 =	simm.s32 $0x400;
	[sflag:s21] =	ssyncadd.s32 $0xFFFFFF80  }
0xba: {  	[tilespmem:s13], [sflag:$0x1] =	stream.indirect.gather [hbm4b:s2+s1], $0x80, s23, s1, $0xb8;
	[tilespmem:$0x18A00] =	vst v63  }
0xbb: {  	s14 =	simm.s32 $0xC400  }
0xbc: {  	[tilespmem:s14], [sflag:$0x1] =	stream.indirect.gather [hbm4b:s24+s1], $0x80, s25, s1, $0xb8;
	[tilespmem:$0x18A00] =	vst v63  }
0xbd: {  	_ = 	snop  }
0xbe: {  	[tilespmem:s6], [sflag:$0xD] =	stream.indirect.gather [hbm4b:s0+s1], $0x1, s23, s1, $0xb8;
	[tilespmem:$0x18A00] =	vst v63  }
0xbf: {  	_ = 	snop  }
0xc0: {  	[tilespmem:s7], [sflag:$0xD] =	stream.indirect.gather [hbm4b:s30+s1], $0x1, s25, s1, $0xb8;
	[tilespmem:$0x18A00] =	vst v63  }
0xc1: {  	_ =	swait.ge [sflag:s26], $0x4000  }
0xc2: {  	[sflag:s26] =	ssyncset.done $0x0  }
0xc3: {  	[sflag:s26] =	ssyncadd.s32 $0xFFFFC000  }
0xc4: {  	_ =	swait.ge [sflag:s26], $0x4000  }
0xc5: {  	[sflag:s26] =	ssyncset.done $0x0  }
0xc6: {  	s16 =	simm.s32 $0x4400;
	s15 =	rddreg [dreg:$0x12];
	[sflag:s26] =	ssyncadd.s32 $0xFFFFC000  }
0xc7: {  	[hbm4b:s15+s12] =	stream.linear.scatter [tilespmem:s16], [sflag:$0x11], $0x4000, $0x38;
	[tilespmem:$0x18A00] =	vst v63  }
0xc8: {  	s20 =	simm.s32 $0x10400;
	s18 =	rddreg [dreg:$0x13]  }
0xc9: {  	[hbm4b:s18+s12] =	stream.linear.scatter [tilespmem:s20], [sflag:$0x11], $0x4000, $0x38;
	[tilespmem:$0x18A00] =	vst v63  }
0xca: {  	_ =	swait.ge [sflag:s28], $0x80  }
0xcb: {  	[sflag:s28] =	ssyncset.done $0x0  }
0xcc: {  	[sflag:s28] =	ssyncadd.s32 $0xFFFFFF80  }
0xcd: {  	_ =	swait.ge [sflag:s28], $0x80  }
0xce: {  	[sflag:s28] =	ssyncset.done $0x0  }
0xcf: {  	s17 =	simm.s32 $0x18480;
	s16 =	rddreg [dreg:$0x14];
	[sflag:s28] =	ssyncadd.s32 $0xFFFFFF80  }
0xd0: {  	[hbm4b:s16+s12] =	stream.linear.scatter [tilespmem:s17], [sflag:$0x11], $0x80, $0x38;
	[tilespmem:$0x18A00] =	vst v63  }
0xd1: {  	s15 =	simm.s32 $0x0;
	s20 =	simm.s32 $0x18680;
	s18 =	rddreg [dreg:$0x19]  }
0xd2: {  	[hbm4b:s18+s12] =	stream.linear.scatter [tilespmem:s20], [sflag:$0x11], $0x80, $0x38;
	[tilespmem:$0x18A00] =	vst v63  }
.LBB2_6:
0xd3: {  	v6 =	vmov s13  }
0xd4: {  	v5 =	vmov s14;
	_ =	sdelay $0x2  }
0xd5: {  	s16 =	simm.s32 $0x0  }
0xd6: {  	v7 =	vld.idx.msk [tilespmem:v6+s16+$0x4000 ss:$0x1], $0xffff  }
0xd7: {  	v8 =	vld.idx.msk [tilespmem:v5+s16+$0x4000 ss:$0x1], $0xffff  }
0xd8: {  	v9 =	vld.idx.msk [tilespmem:v6+s16+$0x4010 ss:$0x1], $0xffff  }
0xd9: {  	v10 =	vld.idx.msk [tilespmem:v5+s16+$0x4010 ss:$0x1], $0xffff  }
0xda: {  	v11 =	vld.idx.msk [tilespmem:v6+s16+$0x4020 ss:$0x1], $0xffff  }
0xdb: {  	v12 =	vld.idx.msk [tilespmem:v5+s16+$0x4020 ss:$0x1], $0xffff  }
0xdc: {  	v13 =	vld.idx.msk [tilespmem:v6+s16+$0x4030 ss:$0x1], $0xffff  }
0xdd: {  	v14 =	vld.idx.msk [tilespmem:v5+s16+$0x4030 ss:$0x1], $0xffff  }
0xde: {  	v15 =	vld.idx.msk [tilespmem:v6+s16+$0x4040 ss:$0x1], $0xffff  }
0xdf: {  	v16 =	vld.idx.msk [tilespmem:v5+s16+$0x4040 ss:$0x1], $0xffff  }
0xe0: {  	v17 =	vld.idx.msk [tilespmem:v6+s16+$0x4050 ss:$0x1], $0xffff  }
0xe1: {  	v18 =	vld.idx.msk [tilespmem:v5+s16+$0x4050 ss:$0x1], $0xffff  }
0xe2: {  	v19 =	vld.idx.msk [tilespmem:v6+s16+$0x4060 ss:$0x1], $0xffff  }
0xe3: {  	v20 =	vld.idx.msk [tilespmem:v5+s16+$0x4060 ss:$0x1], $0xffff  }
0xe4: {  	v21 =	vld.idx.msk [tilespmem:v6+s16+$0x4070 ss:$0x1], $0xffff  }
0xe5: {  	s17 =	simm.s32 $0x80;
	v22 =	vld.idx.msk [tilespmem:v5+s16+$0x4070 ss:$0x1], $0xffff  }
0xe6: {  	v23 =	vld.idx.msk [tilespmem:v6+s17+$0x4000 ss:$0x1], $0xffff  }
0xe7: {  	v24 =	vld.idx.msk [tilespmem:v5+s17+$0x4000 ss:$0x1], $0xffff  }
0xe8: {  	v25 =	vld.idx.msk [tilespmem:v6+s17+$0x4010 ss:$0x1], $0xffff  }
0xe9: {  	v26 =	vld.idx.msk [tilespmem:v5+s17+$0x4070 ss:$0x1], $0xffff;
	v7 =	vmul.f32 v8, v7;
	v8 =	vmul.f32 v10, v9  }
0xea: {  	v10 =	vld.idx.msk [tilespmem:v5+s17+$0x4010 ss:$0x1], $0xffff;
	v9 =	vmul.f32 v12, v11;
	v11 =	vmul.f32 v14, v13  }
0xeb: {  	v12 =	vld.idx.msk [tilespmem:v6+s17+$0x4020 ss:$0x1], $0xffff;
	v13 =	vmul.f32 v16, v15;
	v14 =	vmul.f32 v18, v17  }
0xec: {  	v15 =	vld.idx.msk [tilespmem:v5+s17+$0x4020 ss:$0x1], $0xffff;
	v16 =	vmul.f32 v20, v19;
	v17 =	vmul.f32 v22, v21  }
0xed: {  	v18 =	vld.idx.msk [tilespmem:v6+s17+$0x4030 ss:$0x1], $0xffff;
	v7 =	vadd.f32 v8, v7;
	v8 =	vadd.f32 v11, v9  }
0xee: {  	v19 =	vld.idx.msk [tilespmem:v5+s17+$0x4050 ss:$0x1], $0xffff;
	v9 =	vadd.f32 v14, v13;
	v13 =	vadd.f32 v17, v16  }
0xef: {  	v20 =	vld.idx.msk [tilespmem:v6+s17+$0x4060 ss:$0x1], $0xffff  }
0xf0: {  	v21 =	vld.idx.msk [tilespmem:v5+s17+$0x4060 ss:$0x1], $0xffff;
	v7 =	vadd.f32 v8, v7;
	v8 =	vadd.f32 v13, v9  }
0xf1: {  	v22 =	vld.idx.msk [tilespmem:v6+s17+$0x4070 ss:$0x1], $0xffff  }
0xf2: {  	v11 =	vld.idx.msk [tilespmem:v5+s17+$0x4030 ss:$0x1], $0xffff;
	v7 =	vadd.f32 v8, v7  }
0xf3: {  	v14 =	vld.idx.msk [tilespmem:v6+s17+$0x4040 ss:$0x1], $0xffff  }
0xf4: {  	v16 =	vld.idx.msk [tilespmem:v5+s17+$0x4040 ss:$0x1], $0xffff;
	v8 =	vperm.xlane v7, v0  }
0xf5: {  	s16 =	simm.s32 $0x100;
	v17 =	vld.idx.msk [tilespmem:v6+s17+$0x4050 ss:$0x1], $0xffff  }
0xf6: {  	v13 =	vld.idx.msk [tilespmem:v6+s16+$0x4000 ss:$0x1], $0xffff;
	v7 =	vadd.f32 v7, v8  }
0xf7: {  	v23 =	vmul.f32 v24, v23;
	v9 =	vld.idx.msk [tilespmem:v6+s16+$0x4010 ss:$0x1], $0xffff  }
0xf8: {  	v25 =	vmul.f32 v10, v25;
	v10 =	vld.idx.msk [tilespmem:v5+s16+$0x4010 ss:$0x1], $0xffff;
	v24 =	vperm.xlane v7, v1  }
0xf9: {  	v15 =	vmul.f32 v15, v12;
	v12 =	vld.idx.msk [tilespmem:v5+s16+$0x4020 ss:$0x1], $0xffff;
	v18 =	vmul.f32 v11, v18  }
0xfa: {  	v16 =	vmul.f32 v16, v14;
	v11 =	vld.idx.msk [tilespmem:v6+s16+$0x4020 ss:$0x1], $0xffff;
	v17 =	vmul.f32 v19, v17;
	v7 =	vadd.f32 v7, v24  }
0xfb: {  	v19 =	vmul.f32 v21, v20;
	v20 =	vmul.f32 v26, v22;
	v14 =	vld.idx.msk [tilespmem:v6+s16+$0x4030 ss:$0x1], $0xffff  }
0xfc: {  	v21 =	vadd.f32 v25, v23;
	v18 =	vadd.f32 v18, v15;
	v15 =	vld.idx.msk [tilespmem:v5+s16+$0x4030 ss:$0x1], $0xffff;
	v22 =	vperm.xlane v7, v2  }
0xfd: {  	v23 =	vadd.f32 v17, v16;
	v19 =	vadd.f32 v20, v19;
	v16 =	vld.idx.msk [tilespmem:v6+s16+$0x4040 ss:$0x1], $0xffff  }
0xfe: {  	v17 =	vld.idx.msk [tilespmem:v5+s16+$0x4040 ss:$0x1], $0xffff;
	v7 =	vadd.f32 v7, v22  }
0xff: {  	v8 =	vld.idx.msk [tilespmem:v5+s16+$0x4000 ss:$0x1], $0xffff;
	v20 =	vadd.f32 v18, v21;
	v21 =	vadd.f32 v19, v23  }
0x100: {  	v18 =	vld.idx.msk [tilespmem:v6+s16+$0x4050 ss:$0x1], $0xffff;
	v22 =	vperm.xlane v7, v3  }
0x101: {  	v19 =	vld.idx.msk [tilespmem:v5+s16+$0x4050 ss:$0x1], $0xffff;
	v21 =	vadd.f32 v21, v20  }
0x102: {  	v20 =	vld.idx.msk [tilespmem:v6+s16+$0x4060 ss:$0x1], $0xffff;
	v7 =	vadd.f32 v7, v22;
	v22 =	vmov s12  }
0x103: {  	v23 =	vimm.f32 $0.0e+00;
	v24 =	vperm.xlane v21, v0;
	vm0 =	veq.s32 v22, v4;
	v22 =	vld.idx.msk [tilespmem:v5+s16+$0x4060 ss:$0x1], $0xffff  }
0x104: {  	s18 =	simm.s32 $0x600;
	s17 =	simm.s32 $0x0;
	v7 =	vsel vm0, v7, v23;
	v23 =	vld.idx.msk [tilespmem:v6+s16+$0x4070 ss:$0x1], $0xffff  }
.LBB2_7:
0x105: {  	p0 =	sne.s32 s18, $0x1E00;
	v25 =	vld.idx.msk [tilespmem:v5+s16+$0x4070 ss:$0x1], $0xffff;
	s16 =	sshra.s32 s18, $0x2;
	v21 =	vadd.f32 v21, v24  }
0x106: {  	v24 =	vld.idx.msk [tilespmem:v6+s16+$0x4000 ss:$0x1], $0xffff  }
0x107: {  	v13 =	vmul.f32 v8, v13;
	v8 =	vld.idx.msk [tilespmem:v5+s16+$0x4000 ss:$0x1], $0xffff;
	v26 =	vperm.xlane v21, v1  }
0x108: {  	v27 =	vmul.f32 v10, v9;
	v28 =	vmul.f32 v12, v11;
	v9 =	vld.idx.msk [tilespmem:v6+s16+$0x4010 ss:$0x1], $0xffff  }
0x109: {  	v15 =	vmul.f32 v15, v14;
	v16 =	vmul.f32 v17, v16;
	v10 =	vld.idx.msk [tilespmem:v5+s16+$0x4010 ss:$0x1], $0xffff;
	v17 =	vadd.f32 v21, v26  }
0x10a: {  	v18 =	vmul.f32 v19, v18;
	v19 =	vmul.f32 v22, v20;
	v11 =	vld.idx.msk [tilespmem:v6+s16+$0x4020 ss:$0x1], $0xffff  }
0x10b: {  	v21 =	vadd.f32 v27, v13;
	v20 =	vmul.f32 v25, v23;
	v12 =	vld.idx.msk [tilespmem:v5+s16+$0x4020 ss:$0x1], $0xffff;
	v22 =	vperm.xlane v17, v2  }
0x10c: {  	v18 =	vadd.f32 v18, v16;
	v23 =	vadd.f32 v15, v28;
	v13 =	vmov v24;
	v14 =	vld.idx.msk [tilespmem:v6+s16+$0x4030 ss:$0x1], $0xffff  }
0x10d: {  	v19 =	vadd.f32 v20, v19;
	v15 =	vld.idx.msk [tilespmem:v5+s16+$0x4030 ss:$0x1], $0xffff;
	v20 =	vadd.f32 v17, v22  }
0x10e: {  	v16 =	vld.idx.msk [tilespmem:v6+s16+$0x4040 ss:$0x1], $0xffff  }
0x10f: {  	v21 =	vadd.f32 v23, v21;
	v22 =	vadd.f32 v19, v18;
	v17 =	vld.idx.msk [tilespmem:v5+s16+$0x4040 ss:$0x1], $0xffff;
	v23 =	vperm.xlane v20, v3  }
.Ltmp2:
0x110: {  	s17 =	sadd.s32 $0x1, s17;
	v18 =	vld.idx.msk [tilespmem:v6+s16+$0x4050 ss:$0x1], $0xffff;
	(pc) =	sbr.rel @p0 .LBB2_7-.Ltmp2, $4  }
0x111: {  	v21 =	vadd.f32 v22, v21;
	v22 =	vmov s17;
	v19 =	vld.idx.msk [tilespmem:v5+s16+$0x4050 ss:$0x1], $0xffff;
	v23 =	vadd.f32 v20, v23  }
0x112: {  	vm0 =	veq.s32 v22, v4;
	v20 =	vld.idx.msk [tilespmem:v6+s16+$0x4060 ss:$0x1], $0xffff  }
0x113: {  	v24 =	vperm.xlane v21, v0;
	v22 =	vld.idx.msk [tilespmem:v5+s16+$0x4060 ss:$0x1], $0xffff;
	v7 =	vsel vm0, v23, v7  }
0x114: {  	s18 =	sadd.s32 $0x200, s18;
	v23 =	vld.idx.msk [tilespmem:v6+s16+$0x4070 ss:$0x1], $0xffff  }
0x115: {  	_ =	sdelay $0x3  }
0x116: {  	v5 =	vld.idx.msk [tilespmem:v5+s16+$0x4070 ss:$0x1], $0xffff;
	_ =	sdelay $0x1  }
0x117: {  	v6 =	vmul.f32 v8, v13;
	v50 =	vmul.f32 v10, v9  }
0x118: {  	v51 =	vmul.f32 v12, v11;
	v52 =	vmul.f32 v15, v14  }
0x119: {  	v53 =	vmul.f32 v17, v16;
	v54 =	vmul.f32 v19, v18  }
0x11a: {  	v55 =	vmul.f32 v22, v20;
	v5 =	vmul.f32 v5, v23  }
0x11b: {  	v6 =	vadd.f32 v50, v6;
	v56 =	vadd.f32 v52, v51  }
0x11c: {  	v57 =	vadd.f32 v54, v53;
	v5 =	vadd.f32 v5, v55;
	_ =	sdelay $0x1  }
0x11d: {  	v6 =	vadd.f32 v56, v6;
	v5 =	vadd.f32 v5, v57;
	_ =	sdelay $0x1  }
0x11e: {  	v5 =	vadd.f32 v5, v6;
	_ =	sdelay $0x1  }
0x11f: {  	v6 =	vperm.xlane v5, v0  }
0x120: {  	v58 =	vadd.f32 v21, v24  }
0x121: {  	v5 =	vadd.f32 v5, v6  }
0x122: {  	v6 =	vperm.xlane v58, v1  }
0x123: {  	v59 =	vperm.xlane v5, v1  }
0x124: {  	v6 =	vadd.f32 v58, v6  }
0x125: {  	v5 =	vadd.f32 v5, v59  }
0x126: {  	v8 =	vperm.xlane v6, v2  }
0x127: {  	v9 =	vperm.xlane v5, v2  }
0x128: {  	v6 =	vadd.f32 v6, v8  }
0x129: {  	v5 =	vadd.f32 v5, v9  }
0x12a: {  	s20 =	sshll.u32 s15, $0x4;
	v8 =	vperm.xlane v6, v3  }
0x12b: {  	s17 =	sadd.s32 $0x1, s17;
	v60 =	vld [tilespmem:s20+$0x18480];
	v9 =	vperm.xlane v5, v3  }
0x12c: {  	v61 =	vmov s17;
	s17 =	sadd.s32 $0x1, s17;
	v6 =	vadd.f32 v6, v8  }
0x12d: {  	v63 =	vld [tilespmem:s20+$0x18680];
	vm0 =	veq.s32 v61, v4;
	v62 =	vmov s17;
	v5 =	vadd.f32 v5, v9  }
0x12e: {  	vm15 =	veq.s32 v62, v4;
	v6 =	vsel vm0, v6, v7  }
0x12f: {  	v5 =	vsel vm15, v5, v6  }
0x130: {  	s15 =	sadd.s32 $0x1, s15;
	v5 =	vadd.f32 v60, v5  }
0x131: {  	p0 =	sne.s32 s15, $0x8  }
.Ltmp3:
0x132: {  	v5 =	vadd.f32 v63, v5;
	(pc) =	sbr.rel @p0 .LBB2_6-.Ltmp3, $3  }
0x133: {  	_ = 	snop  }
0x134: {  	v5 =	vadd.f32 $3.500000000e+00, v5;
	_ =	sdelay $0x1  }
0x135: {  	s13 =	sadd.s32 $0x800, s13;
	s14 =	sadd.s32 $0x800, s14;
	[tilespmem:s20+$0x18880] =	vst v5  }
0x136: {  	s12 =	simm.s32 $0x0;
	s13 =	rddreg [dreg:$0x1a];
	s14 =	simm.s32 $0x18880  }
0x137: {  	[hbm4b:s13+s12] =	stream.linear.scatter [tilespmem:s14], [sflag:$0x11], $0x80, $0x38;
	[tilespmem:$0x18A00] =	vst v63  }
0x138: {  	_ =	swait.ge [sflag:s8], $0x4000  }
0x139: {  	[sflag:s8] =	ssyncset.done $0x0  }
0x13a: {  	[sflag:s8] =	ssyncadd.s32 $0xFFFFC000  }
0x13b: {  	_ =	swait.ge [sflag:s8], $0x4000  }
0x13c: {  	[sflag:s8] =	ssyncset.done $0x0  }
0x13d: {  	s20 =	simm.s32 $0x8400;
	s18 =	rddreg [dreg:$0x15];
	[sflag:s8] =	ssyncadd.s32 $0xFFFFC000  }
0x13e: {  	[hbm4b:s18+s12] =	stream.linear.scatter [tilespmem:s20], [sflag:$0x12], $0x4000, $0x38;
	[tilespmem:$0x18A00] =	vst v63  }
0x13f: {  	s15 =	simm.s32 $0x14400;
	s14 =	rddreg [dreg:$0x16]  }
0x140: {  	[hbm4b:s14+s12] =	stream.linear.scatter [tilespmem:s15], [sflag:$0x12], $0x4000, $0x38;
	[tilespmem:$0x18A00] =	vst v63  }
0x141: {  	_ =	swait.ge [sflag:s29], $0x80  }
0x142: {  	[sflag:s29] =	ssyncset.done $0x0  }
0x143: {  	[sflag:s29] =	ssyncadd.s32 $0xFFFFFF80  }
0x144: {  	_ =	swait.ge [sflag:s29], $0x80  }
0x145: {  	s17 =	simm.s32 $0x18500;
	s13 =	simm.s32 $0x400;
	[sflag:s29] =	ssyncset.done $0x0  }
0x146: {  	s20 =	simm.s32 $0x18700;
	s16 =	rddreg [dreg:$0x1b];
	[sflag:s29] =	ssyncadd.s32 $0xFFFFFF80  }
0x147: {  	[hbm4b:s16+s12] =	stream.linear.scatter [tilespmem:s17], [sflag:$0x12], $0x80, $0x38;
	[tilespmem:$0x18A00] =	vst v63  }
0x148: {  	s14 =	simm.s32 $0xC400;
	s15 =	simm.s32 $0x0;
	s18 =	rddreg [dreg:$0x1c]  }
0x149: {  	[hbm4b:s18+s12] =	stream.linear.scatter [tilespmem:s20], [sflag:$0x12], $0x80, $0x38;
	[tilespmem:$0x18A00] =	vst v63  }
.LBB2_10:
0x14a: {  	v6 =	vmov s13  }
0x14b: {  	v5 =	vmov s14;
	_ =	sdelay $0x2  }
0x14c: {  	s16 =	simm.s32 $0x0  }
0x14d: {  	v7 =	vld.idx.msk [tilespmem:v6+s16+$0x8000 ss:$0x1], $0xffff  }
0x14e: {  	v8 =	vld.idx.msk [tilespmem:v5+s16+$0x8000 ss:$0x1], $0xffff  }
0x14f: {  	v9 =	vld.idx.msk [tilespmem:v6+s16+$0x8010 ss:$0x1], $0xffff  }
0x150: {  	v10 =	vld.idx.msk [tilespmem:v5+s16+$0x8010 ss:$0x1], $0xffff  }
0x151: {  	v11 =	vld.idx.msk [tilespmem:v6+s16+$0x8020 ss:$0x1], $0xffff  }
0x152: {  	v12 =	vld.idx.msk [tilespmem:v5+s16+$0x8020 ss:$0x1], $0xffff  }
0x153: {  	v13 =	vld.idx.msk [tilespmem:v6+s16+$0x8030 ss:$0x1], $0xffff  }
0x154: {  	v14 =	vld.idx.msk [tilespmem:v5+s16+$0x8030 ss:$0x1], $0xffff  }
0x155: {  	v15 =	vld.idx.msk [tilespmem:v6+s16+$0x8040 ss:$0x1], $0xffff  }
0x156: {  	v16 =	vld.idx.msk [tilespmem:v5+s16+$0x8040 ss:$0x1], $0xffff  }
0x157: {  	v17 =	vld.idx.msk [tilespmem:v6+s16+$0x8050 ss:$0x1], $0xffff  }
0x158: {  	v18 =	vld.idx.msk [tilespmem:v5+s16+$0x8050 ss:$0x1], $0xffff  }
0x159: {  	v19 =	vld.idx.msk [tilespmem:v6+s16+$0x8060 ss:$0x1], $0xffff  }
0x15a: {  	v20 =	vld.idx.msk [tilespmem:v5+s16+$0x8060 ss:$0x1], $0xffff  }
0x15b: {  	v21 =	vld.idx.msk [tilespmem:v6+s16+$0x8070 ss:$0x1], $0xffff  }
0x15c: {  	s17 =	simm.s32 $0x80;
	v22 =	vld.idx.msk [tilespmem:v5+s16+$0x8070 ss:$0x1], $0xffff  }
0x15d: {  	v23 =	vld.idx.msk [tilespmem:v6+s17+$0x8000 ss:$0x1], $0xffff  }
0x15e: {  	v24 =	vld.idx.msk [tilespmem:v5+s17+$0x8000 ss:$0x1], $0xffff  }
0x15f: {  	v25 =	vld.idx.msk [tilespmem:v6+s17+$0x8010 ss:$0x1], $0xffff  }
0x160: {  	v26 =	vld.idx.msk [tilespmem:v5+s17+$0x8070 ss:$0x1], $0xffff;
	v7 =	vmul.f32 v8, v7;
	v8 =	vmul.f32 v10, v9  }
0x161: {  	v10 =	vld.idx.msk [tilespmem:v5+s17+$0x8010 ss:$0x1], $0xffff;
	v9 =	vmul.f32 v12, v11;
	v11 =	vmul.f32 v14, v13  }
0x162: {  	v12 =	vld.idx.msk [tilespmem:v6+s17+$0x8020 ss:$0x1], $0xffff;
	v13 =	vmul.f32 v16, v15;
	v14 =	vmul.f32 v18, v17  }
0x163: {  	v15 =	vld.idx.msk [tilespmem:v5+s17+$0x8020 ss:$0x1], $0xffff;
	v16 =	vmul.f32 v20, v19;
	v17 =	vmul.f32 v22, v21  }
0x164: {  	v18 =	vld.idx.msk [tilespmem:v6+s17+$0x8030 ss:$0x1], $0xffff;
	v7 =	vadd.f32 v8, v7;
	v8 =	vadd.f32 v11, v9  }
0x165: {  	v19 =	vld.idx.msk [tilespmem:v5+s17+$0x8050 ss:$0x1], $0xffff;
	v9 =	vadd.f32 v14, v13;
	v13 =	vadd.f32 v17, v16  }
0x166: {  	v20 =	vld.idx.msk [tilespmem:v6+s17+$0x8060 ss:$0x1], $0xffff  }
0x167: {  	v21 =	vld.idx.msk [tilespmem:v5+s17+$0x8060 ss:$0x1], $0xffff;
	v7 =	vadd.f32 v8, v7;
	v8 =	vadd.f32 v13, v9  }
0x168: {  	v22 =	vld.idx.msk [tilespmem:v6+s17+$0x8070 ss:$0x1], $0xffff  }
0x169: {  	v11 =	vld.idx.msk [tilespmem:v5+s17+$0x8030 ss:$0x1], $0xffff;
	v7 =	vadd.f32 v8, v7  }
0x16a: {  	v14 =	vld.idx.msk [tilespmem:v6+s17+$0x8040 ss:$0x1], $0xffff  }
0x16b: {  	v16 =	vld.idx.msk [tilespmem:v5+s17+$0x8040 ss:$0x1], $0xffff;
	v8 =	vperm.xlane v7, v0  }
0x16c: {  	s16 =	simm.s32 $0x100;
	v17 =	vld.idx.msk [tilespmem:v6+s17+$0x8050 ss:$0x1], $0xffff  }
0x16d: {  	v13 =	vld.idx.msk [tilespmem:v6+s16+$0x8000 ss:$0x1], $0xffff;
	v7 =	vadd.f32 v7, v8  }
0x16e: {  	v23 =	vmul.f32 v24, v23;
	v9 =	vld.idx.msk [tilespmem:v6+s16+$0x8010 ss:$0x1], $0xffff  }
0x16f: {  	v25 =	vmul.f32 v10, v25;
	v10 =	vld.idx.msk [tilespmem:v5+s16+$0x8010 ss:$0x1], $0xffff;
	v24 =	vperm.xlane v7, v1  }
0x170: {  	v15 =	vmul.f32 v15, v12;
	v12 =	vld.idx.msk [tilespmem:v5+s16+$0x8020 ss:$0x1], $0xffff;
	v18 =	vmul.f32 v11, v18  }
0x171: {  	v16 =	vmul.f32 v16, v14;
	v11 =	vld.idx.msk [tilespmem:v6+s16+$0x8020 ss:$0x1], $0xffff;
	v17 =	vmul.f32 v19, v17;
	v7 =	vadd.f32 v7, v24  }
0x172: {  	v19 =	vmul.f32 v21, v20;
	v20 =	vmul.f32 v26, v22;
	v14 =	vld.idx.msk [tilespmem:v6+s16+$0x8030 ss:$0x1], $0xffff  }
0x173: {  	v21 =	vadd.f32 v25, v23;
	v18 =	vadd.f32 v18, v15;
	v15 =	vld.idx.msk [tilespmem:v5+s16+$0x8030 ss:$0x1], $0xffff;
	v22 =	vperm.xlane v7, v2  }
0x174: {  	v23 =	vadd.f32 v17, v16;
	v19 =	vadd.f32 v20, v19;
	v16 =	vld.idx.msk [tilespmem:v6+s16+$0x8040 ss:$0x1], $0xffff  }
0x175: {  	v17 =	vld.idx.msk [tilespmem:v5+s16+$0x8040 ss:$0x1], $0xffff;
	v7 =	vadd.f32 v7, v22  }
0x176: {  	v8 =	vld.idx.msk [tilespmem:v5+s16+$0x8000 ss:$0x1], $0xffff;
	v20 =	vadd.f32 v18, v21;
	v21 =	vadd.f32 v19, v23  }
0x177: {  	v18 =	vld.idx.msk [tilespmem:v6+s16+$0x8050 ss:$0x1], $0xffff;
	v22 =	vperm.xlane v7, v3  }
0x178: {  	v19 =	vld.idx.msk [tilespmem:v5+s16+$0x8050 ss:$0x1], $0xffff;
	v21 =	vadd.f32 v21, v20  }
0x179: {  	v20 =	vld.idx.msk [tilespmem:v6+s16+$0x8060 ss:$0x1], $0xffff;
	v7 =	vadd.f32 v7, v22;
	v22 =	vmov s12  }
0x17a: {  	v23 =	vimm.f32 $0.0e+00;
	v24 =	vperm.xlane v21, v0;
	vm0 =	veq.s32 v22, v4;
	v22 =	vld.idx.msk [tilespmem:v5+s16+$0x8060 ss:$0x1], $0xffff  }
0x17b: {  	s18 =	simm.s32 $0x600;
	s17 =	simm.s32 $0x0;
	v7 =	vsel vm0, v7, v23;
	v23 =	vld.idx.msk [tilespmem:v6+s16+$0x8070 ss:$0x1], $0xffff  }
.LBB2_11:
0x17c: {  	p0 =	sne.s32 s18, $0x1E00;
	v25 =	vld.idx.msk [tilespmem:v5+s16+$0x8070 ss:$0x1], $0xffff;
	s16 =	sshra.s32 s18, $0x2;
	v21 =	vadd.f32 v21, v24  }
0x17d: {  	v24 =	vld.idx.msk [tilespmem:v6+s16+$0x8000 ss:$0x1], $0xffff  }
0x17e: {  	v13 =	vmul.f32 v8, v13;
	v8 =	vld.idx.msk [tilespmem:v5+s16+$0x8000 ss:$0x1], $0xffff;
	v26 =	vperm.xlane v21, v1  }
0x17f: {  	v27 =	vmul.f32 v10, v9;
	v28 =	vmul.f32 v12, v11;
	v9 =	vld.idx.msk [tilespmem:v6+s16+$0x8010 ss:$0x1], $0xffff  }
0x180: {  	v15 =	vmul.f32 v15, v14;
	v16 =	vmul.f32 v17, v16;
	v10 =	vld.idx.msk [tilespmem:v5+s16+$0x8010 ss:$0x1], $0xffff;
	v17 =	vadd.f32 v21, v26  }
0x181: {  	v18 =	vmul.f32 v19, v18;
	v19 =	vmul.f32 v22, v20;
	v11 =	vld.idx.msk [tilespmem:v6+s16+$0x8020 ss:$0x1], $0xffff  }
0x182: {  	v21 =	vadd.f32 v27, v13;
	v20 =	vmul.f32 v25, v23;
	v12 =	vld.idx.msk [tilespmem:v5+s16+$0x8020 ss:$0x1], $0xffff;
	v22 =	vperm.xlane v17, v2  }
0x183: {  	v18 =	vadd.f32 v18, v16;
	v23 =	vadd.f32 v15, v28;
	v13 =	vmov v24;
	v14 =	vld.idx.msk [tilespmem:v6+s16+$0x8030 ss:$0x1], $0xffff  }
0x184: {  	v19 =	vadd.f32 v20, v19;
	v15 =	vld.idx.msk [tilespmem:v5+s16+$0x8030 ss:$0x1], $0xffff;
	v20 =	vadd.f32 v17, v22  }
0x185: {  	v16 =	vld.idx.msk [tilespmem:v6+s16+$0x8040 ss:$0x1], $0xffff  }
0x186: {  	v21 =	vadd.f32 v23, v21;
	v22 =	vadd.f32 v19, v18;
	v17 =	vld.idx.msk [tilespmem:v5+s16+$0x8040 ss:$0x1], $0xffff;
	v23 =	vperm.xlane v20, v3  }
.Ltmp4:
0x187: {  	s17 =	sadd.s32 $0x1, s17;
	v18 =	vld.idx.msk [tilespmem:v6+s16+$0x8050 ss:$0x1], $0xffff;
	(pc) =	sbr.rel @p0 .LBB2_11-.Ltmp4, $4  }
0x188: {  	v21 =	vadd.f32 v22, v21;
	v22 =	vmov s17;
	v19 =	vld.idx.msk [tilespmem:v5+s16+$0x8050 ss:$0x1], $0xffff;
	v23 =	vadd.f32 v20, v23  }
0x189: {  	vm0 =	veq.s32 v22, v4;
	v20 =	vld.idx.msk [tilespmem:v6+s16+$0x8060 ss:$0x1], $0xffff  }
0x18a: {  	v24 =	vperm.xlane v21, v0;
	v22 =	vld.idx.msk [tilespmem:v5+s16+$0x8060 ss:$0x1], $0xffff;
	v7 =	vsel vm0, v23, v7  }
0x18b: {  	s18 =	sadd.s32 $0x200, s18;
	v23 =	vld.idx.msk [tilespmem:v6+s16+$0x8070 ss:$0x1], $0xffff  }
0x18c: {  	_ =	sdelay $0x3  }
0x18d: {  	v5 =	vld.idx.msk [tilespmem:v5+s16+$0x8070 ss:$0x1], $0xffff;
	_ =	sdelay $0x1  }
0x18e: {  	v6 =	vmul.f32 v8, v13;
	v50 =	vmul.f32 v10, v9  }
0x18f: {  	v51 =	vmul.f32 v12, v11;
	v52 =	vmul.f32 v15, v14  }
0x190: {  	v53 =	vmul.f32 v17, v16;
	v54 =	vmul.f32 v19, v18  }
0x191: {  	v55 =	vmul.f32 v22, v20;
	v5 =	vmul.f32 v5, v23  }
0x192: {  	v6 =	vadd.f32 v50, v6;
	v56 =	vadd.f32 v52, v51  }
0x193: {  	v57 =	vadd.f32 v54, v53;
	v5 =	vadd.f32 v5, v55;
	_ =	sdelay $0x1  }
0x194: {  	v6 =	vadd.f32 v56, v6;
	v5 =	vadd.f32 v5, v57;
	_ =	sdelay $0x1  }
0x195: {  	v5 =	vadd.f32 v5, v6;
	_ =	sdelay $0x1  }
0x196: {  	v6 =	vperm.xlane v5, v0  }
0x197: {  	v58 =	vadd.f32 v21, v24  }
0x198: {  	v5 =	vadd.f32 v5, v6  }
0x199: {  	v6 =	vperm.xlane v58, v1  }
0x19a: {  	v59 =	vperm.xlane v5, v1  }
0x19b: {  	v6 =	vadd.f32 v58, v6  }
0x19c: {  	v5 =	vadd.f32 v5, v59  }
0x19d: {  	v8 =	vperm.xlane v6, v2  }
0x19e: {  	v9 =	vperm.xlane v5, v2  }
0x19f: {  	v6 =	vadd.f32 v6, v8  }
0x1a0: {  	v5 =	vadd.f32 v5, v9  }
0x1a1: {  	s20 =	sshll.u32 s15, $0x4;
	v8 =	vperm.xlane v6, v3  }
0x1a2: {  	s17 =	sadd.s32 $0x1, s17;
	v60 =	vld [tilespmem:s20+$0x18500];
	v9 =	vperm.xlane v5, v3  }
0x1a3: {  	v61 =	vmov s17;
	s17 =	sadd.s32 $0x1, s17;
	v6 =	vadd.f32 v6, v8  }
0x1a4: {  	v63 =	vld [tilespmem:s20+$0x18700];
	vm0 =	veq.s32 v61, v4;
	v62 =	vmov s17;
	v5 =	vadd.f32 v5, v9  }
0x1a5: {  	vm15 =	veq.s32 v62, v4;
	v6 =	vsel vm0, v6, v7  }
0x1a6: {  	v5 =	vsel vm15, v5, v6  }
0x1a7: {  	s15 =	sadd.s32 $0x1, s15;
	v5 =	vadd.f32 v60, v5  }
0x1a8: {  	p0 =	sne.s32 s15, $0x8  }
.Ltmp5:
0x1a9: {  	v5 =	vadd.f32 v63, v5;
	(pc) =	sbr.rel @p0 .LBB2_10-.Ltmp5, $3  }
0x1aa: {  	_ = 	snop  }
0x1ab: {  	v5 =	vadd.f32 $3.500000000e+00, v5;
	_ =	sdelay $0x1  }
0x1ac: {  	s13 =	sadd.s32 $0x800, s13;
	s14 =	sadd.s32 $0x800, s14;
	[tilespmem:s20+$0x18900] =	vst v5  }
0x1ad: {  	s12 =	simm.s32 $0x0;
	s13 =	rddreg [dreg:$0x1d];
	s14 =	simm.s32 $0x18900  }
0x1ae: {  	[hbm4b:s13+s12] =	stream.linear.scatter [tilespmem:s14], [sflag:$0x12], $0x80, $0x38;
	[tilespmem:$0x18A00] =	vst v63  }
0x1af: {  	_ =	swait.ge [sflag:s19], $0x4000  }
0x1b0: {  	[sflag:s19] =	ssyncset.done $0x0  }
0x1b1: {  	[sflag:s19] =	ssyncadd.s32 $0xFFFFC000  }
0x1b2: {  	_ =	swait.ge [sflag:s19], $0x4000  }
0x1b3: {  	[sflag:s19] =	ssyncset.done $0x0  }
0x1b4: {  	s16 =	rddreg [dreg:$0x17];
	[sflag:s19] =	ssyncadd.s32 $0xFFFFC000  }
0x1b5: {  	[hbm4b:s16+s12] =	stream.linear.scatter [tilespmem:s4], [sflag:$0x10], $0x4000, $0x38;
	[tilespmem:$0x18A00] =	vst v63  }
0x1b6: {  	s17 =	rddreg [dreg:$0x18]  }
0x1b7: {  	[hbm4b:s17+s12] =	stream.linear.scatter [tilespmem:s5], [sflag:$0x10], $0x4000, $0x38;
	[tilespmem:$0x18A00] =	vst v63  }
0x1b8: {  	_ =	swait.ge [sflag:s22], $0x80  }
0x1b9: {  	[sflag:s22] =	ssyncset.done $0x0  }
0x1ba: {  	[sflag:s22] =	ssyncadd.s32 $0xFFFFFF80  }
0x1bb: {  	_ =	swait.ge [sflag:s22], $0x80  }
0x1bc: {  	[sflag:s22] =	ssyncset.done $0x0  }
0x1bd: {  	s18 =	rddreg [dreg:$0x1e];
	[sflag:s22] =	ssyncadd.s32 $0xFFFFFF80  }
0x1be: {  	[hbm4b:s18+s12] =	stream.linear.scatter [tilespmem:s6], [sflag:$0x10], $0x80, $0x38;
	[tilespmem:$0x18A00] =	vst v63  }
0x1bf: {  	s13 =	simm.s32 $0x440;
	s14 =	simm.s32 $0xC440;
	s20 =	rddreg [dreg:$0x1f]  }
0x1c0: {  	[hbm4b:s20+s12] =	stream.linear.scatter [tilespmem:s7], [sflag:$0x10], $0x80, $0x38;
	[tilespmem:$0x18A00] =	vst v63  }
.LBB2_14:
0x1c1: {  	v5 =	vld [tilespmem:s13+$0xFFFFFFC0]  }
0x1c2: {  	v8 =	vld [tilespmem:s14+$0xFFFFFFC0]  }
0x1c3: {  	v9 =	vld [tilespmem:s13+$0xFFFFFFD0]  }
0x1c4: {  	v10 =	vld [tilespmem:s14+$0xFFFFFFD0]  }
0x1c5: {  	v11 =	vld [tilespmem:s13+$0xFFFFFFE0]  }
0x1c6: {  	v12 =	vld [tilespmem:s14+$0xFFFFFFE0]  }
0x1c7: {  	v13 =	vld [tilespmem:s13+$0xFFFFFFF0]  }
0x1c8: {  	v14 =	vld [tilespmem:s14+$0xFFFFFFF0]  }
0x1c9: {  	v15 =	vld [tilespmem:s13+$0x0]  }
0x1ca: {  	v16 =	vld [tilespmem:s14+$0x0]  }
0x1cb: {  	v17 =	vld [tilespmem:s13+$0x10]  }
0x1cc: {  	v18 =	vld [tilespmem:s14+$0x10]  }
0x1cd: {  	v19 =	vld [tilespmem:s13+$0x20]  }
0x1ce: {  	v20 =	vld [tilespmem:s14+$0x20]  }
0x1cf: {  	v21 =	vld [tilespmem:s13+$0x30]  }
0x1d0: {  	v22 =	vld [tilespmem:s14+$0x30];
	s17 =	sadd.s32 $0x80, s13  }
0x1d1: {  	s16 =	sadd.s32 $0x80, s14;
	v6 =	vld [tilespmem:s17+$0xFFFFFFC0]  }
0x1d2: {  	v7 =	vld [tilespmem:s16+$0xFFFFFFC0];
	v5 =	vmul.f32 v8, v5;
	v23 =	vmul.f32 v10, v9  }
0x1d3: {  	v8 =	vld [tilespmem:s17+$0xFFFFFFD0];
	v12 =	vmul.f32 v12, v11;
	v13 =	vmul.f32 v14, v13  }
0x1d4: {  	v9 =	vld [tilespmem:s16+$0xFFFFFFD0];
	v14 =	vmul.f32 v16, v15;
	v15 =	vmul.f32 v18, v17  }
0x1d5: {  	v10 =	vld [tilespmem:s17+$0xFFFFFFE0];
	v16 =	vmul.f32 v20, v19;
	v17 =	vmul.f32 v22, v21  }
0x1d6: {  	v11 =	vld [tilespmem:s16+$0xFFFFFFE0];
	v5 =	vadd.f32 v23, v5;
	v18 =	vadd.f32 v13, v12  }
0x1d7: {  	v20 =	vld [tilespmem:s16+$0x20];
	v15 =	vadd.f32 v15, v14;
	v16 =	vadd.f32 v17, v16  }
0x1d8: {  	v21 =	vld [tilespmem:s17+$0x30]  }
0x1d9: {  	v12 =	vld [tilespmem:s17+$0xFFFFFFF0];
	v5 =	vadd.f32 v18, v5;
	v17 =	vadd.f32 v16, v15  }
0x1da: {  	v13 =	vld [tilespmem:s16+$0xFFFFFFF0]  }
0x1db: {  	v14 =	vld [tilespmem:s17+$0x0];
	v19 =	vadd.f32 v17, v5  }
0x1dc: {  	v16 =	vld [tilespmem:s16+$0x0]  }
0x1dd: {  	v15 =	vld [tilespmem:s17+$0x10];
	v22 =	vperm.xlane v19, v0  }
0x1de: {  	v18 =	vld [tilespmem:s17+$0x20]  }
0x1df: {  	s15 =	simm.s32 $0x1;
	v17 =	vld [tilespmem:s16+$0x10];
	v19 =	vadd.f32 v19, v22  }
0x1e0: {  	s20 =	simm.s32 $0x2;
	s18 =	sadd.s32 $0x80, s17;
	s17 =	simm.s32 $0x0;
	v5 =	vimm.f32 $0.0e+00;
	v22 =	vld [tilespmem:s16+$0x30]  }
.LBB2_15:
0x1e1: {  	p0 =	sne.s32 s20, $0xF;
	v23 =	vmul.f32 v7, v6;
	v6 =	vld [tilespmem:s18+$0xFFFFFFC0];
	s16 =	sadd.s32 $0x80, s16;
	v24 =	vperm.xlane v19, v1  }
0x1e2: {  	v25 =	vmul.f32 v9, v8;
	v26 =	vmul.f32 v11, v10;
	v7 =	vld [tilespmem:s16+$0xFFFFFFC0]  }
0x1e3: {  	v12 =	vmul.f32 v13, v12;
	v13 =	vmul.f32 v16, v14;
	v8 =	vld [tilespmem:s18+$0xFFFFFFD0];
	v14 =	vadd.f32 v19, v24  }
0x1e4: {  	v15 =	vmul.f32 v17, v15;
	v16 =	vmul.f32 v20, v18;
	v9 =	vld [tilespmem:s16+$0xFFFFFFD0]  }
0x1e5: {  	v18 =	vadd.f32 v25, v23;
	v10 =	vld [tilespmem:s18+$0xFFFFFFE0];
	v17 =	vmul.f32 v22, v21;
	v19 =	vperm.xlane v14, v2  }
0x1e6: {  	v20 =	vadd.f32 v12, v26;
	v15 =	vadd.f32 v15, v13;
	v11 =	vld [tilespmem:s16+$0xFFFFFFE0]  }
0x1e7: {  	v12 =	vld [tilespmem:s18+$0xFFFFFFF0];
	v16 =	vadd.f32 v17, v16;
	v17 =	vadd.f32 v14, v19  }
0x1e8: {  	v13 =	vld [tilespmem:s16+$0xFFFFFFF0]  }
0x1e9: {  	v18 =	vadd.f32 v20, v18;
	v14 =	vld [tilespmem:s18+$0x0];
	v19 =	vadd.f32 v16, v15;
	v20 =	vperm.xlane v17, v3  }
0x1ea: {  	v16 =	vld [tilespmem:s16+$0x0]  }
0x1eb: {  	v15 =	vld [tilespmem:s18+$0x10];
	v19 =	vadd.f32 v19, v18;
	v20 =	vadd.f32 v17, v20;
	v18 =	vmov s17;
	s17 =	smov.u32 s15;
	s15 =	smov.u32 s20  }
.Ltmp6:
0x1ec: {  	v17 =	vld [tilespmem:s16+$0x10];
	vm0 =	veq.s32 v18, v4;
	(pc) =	sbr.rel @p0 .LBB2_15-.Ltmp6, $4  }
0x1ed: {  	v18 =	vld [tilespmem:s18+$0x20];
	v22 =	vperm.xlane v19, v0;
	v5 =	vsel vm0, v20, v5  }
0x1ee: {  	v20 =	vld [tilespmem:s16+$0x20]  }
0x1ef: {  	v21 =	vld [tilespmem:s18+$0x30];
	v19 =	vadd.f32 v19, v22  }
0x1f0: {  	s20 =	sadd.s32 $0x1, s20;
	s18 =	sadd.s32 $0x80, s18;
	v22 =	vld [tilespmem:s16+$0x30]  }
0x1f1: {  	_ = 	snop  }
0x1f2: {  	v6 =	vmul.f32 v7, v6;
	v7 =	vmul.f32 v9, v8  }
0x1f3: {  	v49 =	vmul.f32 v11, v10;
	v50 =	vmul.f32 v13, v12  }
0x1f4: {  	v51 =	vmul.f32 v16, v14;
	v52 =	vmul.f32 v17, v15  }
0x1f5: {  	v53 =	vmul.f32 v20, v18;
	v54 =	vmul.f32 v22, v21  }
0x1f6: {  	v6 =	vadd.f32 v7, v6;
	v7 =	vadd.f32 v50, v49  }
0x1f7: {  	v55 =	vadd.f32 v52, v51;
	v56 =	vadd.f32 v54, v53;
	_ =	sdelay $0x1  }
0x1f8: {  	v6 =	vadd.f32 v7, v6;
	v7 =	vadd.f32 v56, v55;
	_ =	sdelay $0x1  }
0x1f9: {  	v6 =	vadd.f32 v7, v6;
	_ =	sdelay $0x1  }
0x1fa: {  	v7 =	vperm.xlane v6, v0;
	_ =	sdelay $0x1  }
0x1fb: {  	v6 =	vadd.f32 v6, v7  }
0x1fc: {  	v7 =	vperm.xlane v19, v1  }
0x1fd: {  	v57 =	vperm.xlane v6, v1  }
0x1fe: {  	v7 =	vadd.f32 v19, v7  }
0x1ff: {  	v6 =	vadd.f32 v6, v57  }
0x200: {  	v58 =	vperm.xlane v7, v2  }
0x201: {  	v59 =	vperm.xlane v6, v2  }
0x202: {  	v7 =	vadd.f32 v7, v58  }
0x203: {  	v6 =	vadd.f32 v6, v59  }
0x204: {  	s16 =	sshll.u32 s12, $0x4;
	v8 =	vperm.xlane v7, v3  }
0x205: {  	v60 =	vld [tilespmem:s16+$0x18400];
	v9 =	vperm.xlane v6, v3  }
0x206: {  	v61 =	vmov s17;
	v7 =	vadd.f32 v7, v8  }
0x207: {  	v62 =	vmov s15;
	vm0 =	veq.s32 v61, v4;
	v63 =	vld [tilespmem:s16+$0x18600];
	v6 =	vadd.f32 v6, v9  }
0x208: {  	vm15 =	veq.s32 v62, v4;
	v5 =	vsel vm0, v7, v5  }
0x209: {  	v5 =	vsel vm15, v6, v5  }
0x20a: {  	s12 =	sadd.s32 $0x1, s12;
	v5 =	vadd.f32 v60, v5  }
0x20b: {  	p0 =	sne.s32 s12, $0x8  }
.Ltmp7:
0x20c: {  	v5 =	vadd.f32 v63, v5;
	(pc) =	sbr.rel @p0 .LBB2_14-.Ltmp7, $3  }
0x20d: {  	_ = 	snop  }
0x20e: {  	v5 =	vadd.f32 $3.500000000e+00, v5;
	_ =	sdelay $0x1  }
0x20f: {  	s13 =	sadd.s32 $0x800, s13;
	s14 =	sadd.s32 $0x800, s14;
	[tilespmem:s16+$0x18800] =	vst v5  }
0x210: {  	s12 =	sld [smem:$0x7FC];
	_ =	sdelay $0x1  }
0x211: {  	s13 =	simm.s32 $0x18800  }
0x212: {  	[hbm4b:s12+s3] =	stream.linear.scatter [tilespmem:s13], [sflag:$0x10], $0x80, $0x38;
	[tilespmem:$0x18A00] =	vst v63  }
0x213: {  	_ =	swait.ge [sflag:s21], $0x4000  }
0x214: {  	[sflag:s21] =	ssyncset.done $0x0  }
0x215: {  	[sflag:s21] =	ssyncadd.s32 $0xFFFFC000  }
0x216: {  	_ =	swait.ge [sflag:s21], $0x4000  }
0x217: {  	[sflag:s21] =	ssyncset.done $0x0  }
0x218: {  	[sflag:s21] =	ssyncadd.s32 $0xFFFFC000  }
0x219: {  	_ =	swait.ge [sflag:s21], $0x80  }
0x21a: {  	[sflag:s21] =	ssyncset.done $0x0  }
0x21b: {  	[sflag:s21] =	ssyncadd.s32 $0xFFFFFF80  }
0x21c: {  	_ =	swait.ge [sflag:s21], $0x80  }
0x21d: {  	[sflag:s21] =	ssyncset.done $0x0  }
0x21e: {  	[sflag:s21] =	ssyncadd.s32 $0xFFFFFF80  }
0x21f: {  	_ =	swait.ge [sflag:s21], $0x80  }
0x220: {  	[sflag:s21] =	ssyncset.done $0x0  }
0x221: {  	[sflag:s21] =	ssyncadd.s32 $0xFFFFFF80  }
0x222: {  	_ =	swait.ge [sflag:s9], $0x4000  }
0x223: {  	[sflag:s9] =	ssyncset.done $0x0  }
0x224: {  	[sflag:s9] =	ssyncadd.s32 $0xFFFFC000  }
0x225: {  	_ =	swait.ge [sflag:s9], $0x4000  }
0x226: {  	[sflag:s9] =	ssyncset.done $0x0  }
0x227: {  	[sflag:s9] =	ssyncadd.s32 $0xFFFFC000  }
0x228: {  	_ =	swait.ge [sflag:s9], $0x80  }
0x229: {  	[sflag:s9] =	ssyncset.done $0x0  }
0x22a: {  	[sflag:s9] =	ssyncadd.s32 $0xFFFFFF80  }
0x22b: {  	_ =	swait.ge [sflag:s9], $0x80  }
0x22c: {  	[sflag:s9] =	ssyncset.done $0x0  }
0x22d: {  	[sflag:s9] =	ssyncadd.s32 $0xFFFFFF80  }
0x22e: {  	_ =	swait.ge [sflag:s9], $0x80  }
0x22f: {  	[sflag:s9] =	ssyncset.done $0x0  }
0x230: {  	[sflag:s9] =	ssyncadd.s32 $0xFFFFFF80  }
0x231: {  	_ =	swait.ge [sflag:s10], $0x4000  }
0x232: {  	[sflag:s10] =	ssyncset.done $0x0  }
0x233: {  	[sflag:s10] =	ssyncadd.s32 $0xFFFFC000  }
0x234: {  	_ =	swait.ge [sflag:s10], $0x4000  }
0x235: {  	[sflag:s10] =	ssyncset.done $0x0  }
0x236: {  	[sflag:s10] =	ssyncadd.s32 $0xFFFFC000  }
0x237: {  	_ =	swait.ge [sflag:s10], $0x80  }
0x238: {  	[sflag:s10] =	ssyncset.done $0x0  }
0x239: {  	[sflag:s10] =	ssyncadd.s32 $0xFFFFFF80  }
0x23a: {  	_ =	swait.ge [sflag:s10], $0x80  }
0x23b: {  	[sflag:s10] =	ssyncset.done $0x0  }
0x23c: {  	[sflag:s10] =	ssyncadd.s32 $0xFFFFFF80  }
0x23d: {  	_ =	swait.ge [sflag:s10], $0x80  }
0x23e: {  	s20 =	sld [smem:$0x7FD];
	_ =	sdelay $0x1  }
0x23f: {  	s11 =	sadd.s32 $0x1, s11  }
0x240: {  	p0 =	sne.s32 s11, s20  }
.Ltmp8:
0x241: {  	_ = 	snop;
	(pc) =	sbr.rel @p0 .LBB2_1-.Ltmp8, $3  }
0x242: {  	_ =	sdelay $0x1  }
0x243: {  	[sflag:s10] =	ssyncset.done $0x0  }
0x244: {  	[sflag:s10] =	ssyncadd.s32 $0xFFFFFF80  }
0x245: {  	_ =	sfence.sel $0x180000  }
0x246: {  	[bflag:$0x0] =	sbarrier.arrive $0xFFFF  }
0x247: {  	_ =	strace $0x90000047  }
0x248: {  	s0 =	stileid.u32;
	[bflag:$0x2] =	sbarrier.arrive $0xFFFF  }
0x249: {  	p0 =	sne.s32 s0, $0x0;
	s0 =	rddreg [dreg:$0xa]  }
0x24a: {  	s0 =	sadd.s32 @!p0 $0x100000, s0  }
0x24b: {  	[sflag:s0] =	ssyncadd.tile.s32 @!p0 $0x1;
	_ =	shalt  }
.Lfunc_end2:
_tile_overlayer_lowered:
.L_overlay_start_2:
0x24c: {  	(tag) =	ssettag $0x2  }
0x24d: {  	s0 =	rddreg [dreg:$0x0];
	s2 =	stileid.u32  }
0x24e: {  	s1 =	rddreg [dreg:$0x1];
	p0 =	sne.s32 s2, $0x0  }
0x24f: {  	s3 =	rddreg [dreg:$0x2];
	[bflag:$0x3] =	sbarrier.arrive $0xFFFF;
	s2 =	simm.s32 @!p0 $0x1C13  }
0x250: {  	[timem:s3], [sflag:s2] =	dma.local @!p0 [hbm:s0], s1  }
0x251: {  	s0 =	simm.s32 @!p0 $0x13  }
0x252: {  	_ =	swait.ge @!p0 [sflag:s0], s1  }
0x253: {  	s1 =	ssub.s32 @!p0 $0x0, s1;
	[sflag:s0] =	ssyncset.done @!p0 $0x0  }
0x254: {  	[sflag:s0] =	ssyncadd.s32 @!p0 s1  }
0x255: {  	[bflag:$0x3] =	sbarrier.arrive $0xFFFF  }
0x256: {  	_ =	shalt  }

</sc_bundles>
